<compile_context>
chip_gen: v7x
topology: tpu7x:2x2x1
jax: 0.10.2.dev20260603
libtpu: 0.0.44.dev20260713+nightly
codegen_flags: <defaults>
</compile_context>

<pallas_src>
import functools
import jax
import jax.numpy as jnp
from jax import lax
from jax.experimental import pallas as pl
from jax.experimental.pallas import tpu as pltpu
from jax.experimental.pallas import tpu_sc as plsc

N_NODES = 10000
D = 256
HD = 128
NC = 2
NS = 16
CHUNK = 128
N_PAD = 10112
ZR = N_PAD // NS
BN = 1000


def _make_seg_sum(cpt):
  mesh = plsc.VectorSubcoreMesh(
      core_axis_name="c", subcore_axis_name="s", num_cores=NC, num_subcores=NS)

  @functools.partial(
      pl.kernel,
      out_type=jax.ShapeDtypeStruct((NC, N_PAD, HD), jnp.float32),
      mesh=mesh,
      scratch_types=[
          pltpu.VMEM((cpt, CHUNK), jnp.int32),
          pltpu.VMEM((cpt, CHUNK), jnp.int32),
          pltpu.VMEM((CHUNK, HD), jnp.float32),
          pltpu.VMEM_SHARED((N_PAD, HD), jnp.float32),
          pltpu.SemaphoreType.DMA,
      ],
  )
  def seg_sum(p_flat, gsrc, gdst, zrow, out, src_v, dst_v, buf, acc, sem_g):
    c = lax.axis_index("c")
    s = lax.axis_index("s")
    pltpu.sync_copy(gsrc.at[c, s], src_v)
    pltpu.sync_copy(gdst.at[s], dst_v)
    pltpu.sync_copy(zrow, acc.at[pl.ds(s * ZR, ZR)])
    plsc.subcore_barrier()

    def step(j, carry):
      pltpu.async_copy(p_flat.at[src_v.at[j]], buf, sem_g).wait()
      pltpu.sync_copy(buf, acc.at[dst_v.at[j]], add=True)
      return carry

    lax.fori_loop(0, cpt, step, 0)
    plsc.subcore_barrier()
    pltpu.sync_copy(acc.at[pl.ds(s * ZR, ZR)],
                    out.at[c, pl.ds(s * ZR, ZR)])

  return seg_sum


def _make_deg(cpt):
  mesh = plsc.VectorSubcoreMesh(
      core_axis_name="c", subcore_axis_name="s", num_cores=NC, num_subcores=NS)

  @functools.partial(
      pl.kernel,
      out_type=jax.ShapeDtypeStruct((NC, N_PAD, HD), jnp.float32),
      mesh=mesh,
      scratch_types=[
          pltpu.VMEM((cpt, CHUNK), jnp.int32),
          pltpu.VMEM((CHUNK, HD), jnp.float32),
          pltpu.VMEM_SHARED((N_PAD, HD), jnp.float32),
          pltpu.SemaphoreType.DMA,
      ],
  )
  def deg(didx, ones, z16, out, idx_v, ones_v, acc, sem_s):
    c = lax.axis_index("c")
    s = lax.axis_index("s")
    pltpu.sync_copy(didx.at[c, s], idx_v)
    pltpu.sync_copy(ones, ones_v)
    pltpu.sync_copy(z16, acc.at[pl.ds(s * ZR, ZR)])
    plsc.subcore_barrier()

    def step(j, carry):
      pltpu.sync_copy(ones_v, acc.at[idx_v.at[j]], add=True)
      return carry

    lax.fori_loop(0, cpt, step, 0)
    plsc.subcore_barrier()
    pltpu.sync_copy(acc.at[pl.ds(s * ZR, ZR)],
                    out.at[c, pl.ds(s * ZR, ZR)])

  return deg


def _pre0_body(x_ref, w_ref, deg_ref, p_ref):
  ns = lax.rsqrt(jnp.maximum(deg_ref[0, :, 0:1], 1.0))
  p = jnp.dot(x_ref[...], w_ref[...],
              preferred_element_type=jnp.float32) * ns
  p_ref[0] = p[:, :HD]
  p_ref[1] = p[:, HD:]


def _mid_body(use_max, a_ref, deg_ref, b_ref, w_ref, m_ref, p_ref, m_out_ref):
  ns = lax.rsqrt(jnp.maximum(deg_ref[0, :, 0:1], 1.0))
  nd = lax.rsqrt(jnp.maximum(deg_ref[1, :, 0:1], 1.0))
  agg = jnp.concatenate([a_ref[0], a_ref[1]], axis=1)
  h = jnp.maximum(agg * nd + b_ref[0], 0.0)
  m_new = jnp.maximum(m_ref[...], h)
  m_out_ref[...] = m_new
  x = m_new if use_max else h
  p = jnp.dot(x, w_ref[...], preferred_element_type=jnp.float32) * ns
  p_ref[0] = p[:, :HD]
  p_ref[1] = p[:, HD:]


def _final_body(a_ref, deg_ref, b_ref, o_ref):
  nd = lax.rsqrt(jnp.maximum(deg_ref[1, :, 0:1], 1.0))
  x = jnp.concatenate([a_ref[0], a_ref[1]], axis=1) * nd + b_ref[0]
  m = jnp.max(x, axis=1, keepdims=True)
  e = jnp.exp(x - m)
  lse = jnp.log(jnp.sum(e, axis=1, keepdims=True))
  o_ref[...] = x - m - lse


_GRID = (N_NODES // BN,)
_spec_x = pl.BlockSpec((BN, D), lambda i: (i, 0))
_spec_w = pl.BlockSpec((D, D), lambda i: (0, 0))
_spec_deg = pl.BlockSpec((2, BN, HD), lambda i: (0, i, 0))
_spec_b = pl.BlockSpec((1, D), lambda i: (0, 0))
_spec_p = pl.BlockSpec((2, BN, HD), lambda i: (0, i, 0))
_spec_m = pl.BlockSpec((BN, D), lambda i: (i, 0))


def _pre0(x, w, deg):
  return pl.pallas_call(
      _pre0_body,
      grid=_GRID,
      in_specs=[_spec_x, _spec_w, _spec_deg],
      out_specs=_spec_p,
      out_shape=jax.ShapeDtypeStruct((2, N_NODES, HD), jnp.float32),
  )(x, w, deg)


def _mid(a, deg, b, w, m, use_max):
  return pl.pallas_call(
      functools.partial(_mid_body, use_max),
      grid=_GRID,
      in_specs=[_spec_p, _spec_deg, _spec_b, _spec_w, _spec_m],
      out_specs=[_spec_p, _spec_m],
      out_shape=[
          jax.ShapeDtypeStruct((2, N_NODES, HD), jnp.float32),
          jax.ShapeDtypeStruct((N_NODES, D), jnp.float32),
      ],
  )(a, deg, b, w, m)


def _final(a, deg, b):
  return pl.pallas_call(
      _final_body,
      grid=_GRID,
      in_specs=[_spec_p, _spec_deg, _spec_b],
      out_specs=pl.BlockSpec((BN, D), lambda i: (i, 0)),
      out_shape=jax.ShapeDtypeStruct((N_NODES, D), jnp.float32),
  )(a, deg, b)


def kernel(features, edge_index, W0, b0, W1, b1, W2, b2, W3, b3, W4, b4,
           W5, b5, W6, b6):
  src = edge_index[0].astype(jnp.int32)
  dst = edge_index[1].astype(jnp.int32)
  e = src.shape[0]
  per_tile = NS * CHUNK
  cpt = -(-e // per_tile)
  e_pad = cpt * per_tile
  pad = e_pad - e

  src_g = jnp.concatenate([src, jnp.zeros((pad,), jnp.int32)])
  dst_g = jnp.concatenate([dst, jnp.full((pad,), N_NODES, jnp.int32)])
  src_d = jnp.concatenate([src, jnp.full((pad,), N_NODES, jnp.int32)])
  gsrc = jnp.stack([src_g, src_g + N_NODES]).reshape(NC, NS, cpt, CHUNK)
  gdst = dst_g.reshape(NS, cpt, CHUNK)
  didx = jnp.stack([src_d, dst_g]).reshape(NC, NS, cpt, CHUNK)

  zrow = jnp.zeros((ZR, HD), jnp.float32)
  z16 = jnp.zeros((ZR, HD), jnp.float32)
  ones = jnp.ones((CHUNK, HD), jnp.float32)

  seg_sum = _make_seg_sum(cpt)
  deg_k = _make_deg(cpt)

  deg = deg_k(didx, ones, z16)

  bs = [x.reshape(1, D) for x in (b0, b1, b2, b3, b4, b5, b6)]
  ws = [W1, W2, W3, W4, W5, W6]

  p = _pre0(features, W0, deg)
  m = jnp.zeros((N_NODES, D), jnp.float32)
  for i in range(6):
    a = seg_sum(p.reshape(NC * N_NODES, HD), gsrc, gdst, zrow)
    p, m = _mid(a, deg, bs[i], ws[i], m, use_max=(i == 5))
  a = seg_sum(p.reshape(NC * N_NODES, HD), gsrc, gdst, zrow)
  return _final(a, deg, bs[6])

# --- scband reference (transcript-rebuilt; emitter-appended) ---
"""Pipeline reference for scband-jknet-82935818486073 (READ-ONLY COPY).

The authoritative reference and input builder live on the scoring server;
editing this copy changes nothing except your own understanding.
"""

import jax, jax.numpy as jnp
import numpy as np

N = 10000
E = 160000
D_IN = 256
H = 256
D_OUT = 256
N_LAYERS = 6


def setup_inputs(seed: int = 0) -> dict:
    key = jax.random.key(seed)
    ks = jax.random.split(key, 2 + 2 * (N_LAYERS + 1))
    features = jax.random.normal(ks[0], (N, D_IN), dtype=jnp.float32)
    edge_index = jax.random.randint(ks[1], (2, E), 0, N)
    inp = {"features": features, "edge_index": edge_index}
    dims = [(D_IN, H)] + [(H, H)] * (N_LAYERS - 1) + [(H, D_OUT)]
    for i, (fi, fo) in enumerate(dims):
        inp[f"W{i}"] = jax.random.normal(ks[2 + 2 * i], (fi, fo), dtype=jnp.float32) / np.sqrt(fi)
        inp[f"b{i}"] = jnp.zeros((fo,), dtype=jnp.float32)
    return inp


def _gcn_layer(h, src, dst, norm_src, norm_dst, W, b):
    # DGL GraphConv norm='both': scale src feats by out-deg^{-1/2},
    # aggregate (sum) to dst, scale by in-deg^{-1/2}, then bias.
    h = h @ W
    m = h[src] * norm_src[src][:, None]
    agg = jax.ops.segment_sum(m, dst, num_segments=N)
    return agg * norm_dst[:, None] + b


def reference(features, edge_index, W0, b0, W1, b1, W2, b2, W3, b3, W4, b4, W5, b5, W6, b6):
    src = edge_index[0]
    dst = edge_index[1]
    ones = jnp.ones((E,), dtype=jnp.float32)
    deg_out = jax.ops.segment_sum(ones, src, num_segments=N)
    deg_in = jax.ops.segment_sum(ones, dst, num_segments=N)
    norm_src = jax.lax.rsqrt(jnp.maximum(deg_out, 1.0))
    norm_dst = jax.lax.rsqrt(jnp.maximum(deg_in, 1.0))
    Ws = [W0, W1, W2, W3, W4, W5]
    bs = [b0, b1, b2, b3, b4, b5]
    h = features
    layer_outputs = []
    for i in range(N_LAYERS):
        # dropout is identity in eval mode
        h = _gcn_layer(h, src, dst, norm_src, norm_dst, Ws[i], bs[i])
        h = jax.nn.relu(h)
        layer_outputs.append(h)
    h = jnp.max(jnp.stack(layer_outputs, axis=0), axis=0)  # Maxpool JK aggregation
    h = _gcn_layer(h, src, dst, norm_src, norm_dst, W6, b6)  # final layer, no activation
    return jax.nn.log_softmax(h, axis=1)

if __name__ == "__main__":
    import jax
    _d = setup_inputs()
    print(jax.jit(kernel)(*tuple(_d.values())))

</pallas_src>

<mosaic_0001>
#map = affine_map<(d0, d1) -> (0, 0)>
#map1 = affine_map<(d0, d1) -> (0, 0, 0, 0)>
#map2 = affine_map<(d0, d1) -> (0, 0, 0)>
module attributes {stable_mosaic.version = 14 : i64} {
  func.func @seg_sum(%arg0: i32, %arg1: i32, %arg2: memref<20000x128xf32, #tpu.memory_space<hbm>>, %arg3: memref<2x16x79x128xi32, #tpu.memory_space<hbm>>, %arg4: memref<16x79x128xi32, #tpu.memory_space<hbm>>, %arg5: memref<632x128xf32, #tpu.memory_space<hbm>>, %arg6: memref<2x10112x128xf32, #tpu.memory_space<hbm>>, %arg7: memref<79x128xi32, #tpu.memory_space<vmem>>, %arg8: memref<79x128xi32, #tpu.memory_space<vmem>>, %arg9: memref<128x128xf32, #tpu.memory_space<vmem>>, %arg10: memref<10112x128xf32, #tpu.memory_space<vmem_shared>>, %arg11: memref<!tpu.dma_semaphore, #tpu.memory_space<semaphore_mem>>) attributes {dimension_semantics = [#tpu.dimension_semantics<core_parallel>, #tpu.dimension_semantics<subcore_parallel>], iteration_bounds = array<i64: 2, 16>, scalar_prefetch = 0 : i64, scratch_operands = 5 : i64, tpu.core_type = #tpu.core_type<sc_vector_subcore>, window_params = [{transform_indices = #map}, {transform_indices = #map1}, {transform_indices = #map2}, {transform_indices = #map}, {transform_indices = #map2}]} {
    "tpu.region"() ({
      %run_scoped3A = tpu.sem_alloc : memref<!tpu.dma_semaphore, #tpu.memory_space<semaphore_mem>>
      %dma_start3A = arith.constant 0 : i32
      %dma_start3A_11 = arith.constant 0 : i32
      %dma_start3A_12 = tpu.memref_slice %arg3[%arg0, %arg1, %dma_start3A, %dma_start3A_11] : memref<2x16x79x128xi32, #tpu.memory_space<hbm>> -> memref<1x1x79x128xi32, #tpu.memory_space<hbm>>
      %dma_start3A_13 = tpu.memref_squeeze %dma_start3A_12 : memref<1x1x79x128xi32, #tpu.memory_space<hbm>> -> memref<79x128xi32, #tpu.memory_space<hbm>>
      %dma_start3A_14 = arith.constant 0 : i32
      %dma_start3A_15 = arith.constant 0 : i32
      %dma_start3A_16 = tpu.memref_slice %arg3[%arg0, %arg1, %dma_start3A_14, %dma_start3A_15] : memref<2x16x79x128xi32, #tpu.memory_space<hbm>> -> memref<1x1x79x128xi32, #tpu.memory_space<hbm>>
      %dma_start3A_17 = tpu.memref_squeeze %dma_start3A_16 : memref<1x1x79x128xi32, #tpu.memory_space<hbm>> -> memref<79x128xi32, #tpu.memory_space<hbm>>
      tpu.enqueue_dma source(%dma_start3A_17 : memref<79x128xi32, #tpu.memory_space<hbm>>) target(%arg7 : memref<79x128xi32, #tpu.memory_space<vmem>>) target_semaphore(%run_scoped3A : memref<!tpu.dma_semaphore, #tpu.memory_space<semaphore_mem>>)
      %dma_wait3A = arith.constant 0 : i32
      %dma_wait3A_18 = arith.constant 0 : i32
      %dma_wait3A_19 = tpu.memref_slice %arg3[%arg0, %arg1, %dma_wait3A, %dma_wait3A_18] : memref<2x16x79x128xi32, #tpu.memory_space<hbm>> -> memref<1x1x79x128xi32, #tpu.memory_space<hbm>>
      %dma_wait3A_20 = tpu.memref_squeeze %dma_wait3A_19 : memref<1x1x79x128xi32, #tpu.memory_space<hbm>> -> memref<79x128xi32, #tpu.memory_space<hbm>>
      %dma_wait3A_21 = arith.constant 0 : i32
      %dma_wait3A_22 = arith.constant 0 : i32
      %dma_wait3A_23 = tpu.memref_slice %arg3[%arg0, %arg1, %dma_wait3A_21, %dma_wait3A_22] : memref<2x16x79x128xi32, #tpu.memory_space<hbm>> -> memref<1x1x79x128xi32, #tpu.memory_space<hbm>>
      %dma_wait3A_24 = tpu.memref_squeeze %dma_wait3A_23 : memref<1x1x79x128xi32, #tpu.memory_space<hbm>> -> memref<79x128xi32, #tpu.memory_space<hbm>>
      tpu.wait_dma2 semaphore(%run_scoped3A : memref<!tpu.dma_semaphore, #tpu.memory_space<semaphore_mem>>) src(%dma_wait3A_24 : memref<79x128xi32, #tpu.memory_space<hbm>>) dst(%arg7 : memref<79x128xi32, #tpu.memory_space<vmem>>)
      tpu.yield
    }) : () -> ()
    "tpu.region"() ({
      %run_scoped3A = tpu.sem_alloc : memref<!tpu.dma_semaphore, #tpu.memory_space<semaphore_mem>>
      %dma_start3A = arith.constant 0 : i32
      %dma_start3A_11 = arith.constant 0 : i32
      %dma_start3A_12 = tpu.memref_slice %arg4[%arg1, %dma_start3A, %dma_start3A_11] : memref<16x79x128xi32, #tpu.memory_space<hbm>> -> memref<1x79x128xi32, #tpu.memory_space<hbm>>
      %dma_start3A_13 = tpu.memref_squeeze %dma_start3A_12 : memref<1x79x128xi32, #tpu.memory_space<hbm>> -> memref<79x128xi32, #tpu.memory_space<hbm>>
      %dma_start3A_14 = arith.constant 0 : i32
      %dma_start3A_15 = arith.constant 0 : i32
      %dma_start3A_16 = tpu.memref_slice %arg4[%arg1, %dma_start3A_14, %dma_start3A_15] : memref<16x79x128xi32, #tpu.memory_space<hbm>> -> memref<1x79x128xi32, #tpu.memory_space<hbm>>
      %dma_start3A_17 = tpu.memref_squeeze %dma_start3A_16 : memref<1x79x128xi32, #tpu.memory_space<hbm>> -> memref<79x128xi32, #tpu.memory_space<hbm>>
      tpu.enqueue_dma source(%dma_start3A_17 : memref<79x128xi32, #tpu.memory_space<hbm>>) target(%arg8 : memref<79x128xi32, #tpu.memory_space<vmem>>) target_semaphore(%run_scoped3A : memref<!tpu.dma_semaphore, #tpu.memory_space<semaphore_mem>>)
      %dma_wait3A = arith.constant 0 : i32
      %dma_wait3A_18 = arith.constant 0 : i32
      %dma_wait3A_19 = tpu.memref_slice %arg4[%arg1, %dma_wait3A, %dma_wait3A_18] : memref<16x79x128xi32, #tpu.memory_space<hbm>> -> memref<1x79x128xi32, #tpu.memory_space<hbm>>
      %dma_wait3A_20 = tpu.memref_squeeze %dma_wait3A_19 : memref<1x79x128xi32, #tpu.memory_space<hbm>> -> memref<79x128xi32, #tpu.memory_space<hbm>>
      %dma_wait3A_21 = arith.constant 0 : i32
      %dma_wait3A_22 = arith.constant 0 : i32
      %dma_wait3A_23 = tpu.memref_slice %arg4[%arg1, %dma_wait3A_21, %dma_wait3A_22] : memref<16x79x128xi32, #tpu.memory_space<hbm>> -> memref<1x79x128xi32, #tpu.memory_space<hbm>>
      %dma_wait3A_24 = tpu.memref_squeeze %dma_wait3A_23 : memref<1x79x128xi32, #tpu.memory_space<hbm>> -> memref<79x128xi32, #tpu.memory_space<hbm>>
      tpu.wait_dma2 semaphore(%run_scoped3A : memref<!tpu.dma_semaphore, #tpu.memory_space<semaphore_mem>>) src(%dma_wait3A_24 : memref<79x128xi32, #tpu.memory_space<hbm>>) dst(%arg8 : memref<79x128xi32, #tpu.memory_space<vmem>>)
      tpu.yield
    }) : () -> ()
    %mul3A = arith.constant 632 : i32
    %mul3A_0 = arith.muli %arg1, %mul3A : i32
    "tpu.region"() ({
      %run_scoped3A = tpu.sem_alloc : memref<!tpu.dma_semaphore, #tpu.memory_space<semaphore_mem>>
      %dma_start3A = arith.constant 0 : i32
      %dma_start3A_11 = tpu.memref_slice %arg10[%mul3A_0, %dma_start3A] : memref<10112x128xf32, #tpu.memory_space<vmem_shared>> -> memref<632x128xf32, #tpu.memory_space<vmem_shared>>
      tpu.enqueue_dma source(%arg5 : memref<632x128xf32, #tpu.memory_space<hbm>>) target(%dma_start3A_11 : memref<632x128xf32, #tpu.memory_space<vmem_shared>>) target_semaphore(%run_scoped3A : memref<!tpu.dma_semaphore, #tpu.memory_space<semaphore_mem>>)
      %dma_wait3A = arith.constant 0 : i32
      %dma_wait3A_12 = tpu.memref_slice %arg10[%mul3A_0, %dma_wait3A] : memref<10112x128xf32, #tpu.memory_space<vmem_shared>> -> memref<632x128xf32, #tpu.memory_space<vmem_shared>>
      tpu.wait_dma2 semaphore(%run_scoped3A : memref<!tpu.dma_semaphore, #tpu.memory_space<semaphore_mem>>) src(%arg5 : memref<632x128xf32, #tpu.memory_space<hbm>>) dst(%dma_wait3A_12 : memref<632x128xf32, #tpu.memory_space<vmem_shared>>)
      tpu.yield
    }) : () -> ()
    %barrier3A = arith.constant 0 : index
    tpu.barrier barrier_id(%barrier3A)
    %scan3A = arith.constant 0 : i32
    %scan3A_1 = arith.constant 0 : i32
    %scan3A_2 = arith.constant 79 : i32
    %scan3A_3 = arith.addi %scan3A_1, %scan3A_2 : i32
    %scan3A_4 = arith.constant 1 : i32
    scf.for %scan3A_11 = %scan3A_1 to %scan3A_3 step %scan3A_4  : i32 {
      %dma_start3A = arith.constant 0 : i32
      %dma_start3A_12 = tpu.memref_slice %arg7[%scan3A_11, %dma_start3A] : memref<79x128xi32, #tpu.memory_space<vmem>> -> memref<1x128xi32, #tpu.memory_space<vmem>>
      %dma_start3A_13 = tpu.memref_squeeze %dma_start3A_12 : memref<1x128xi32, #tpu.memory_space<vmem>> -> memref<128xi32, #tpu.memory_space<vmem>>
      %dma_start3A_14 = arith.constant 0 : i32
      %dma_start3A_15 = arith.constant 0 : i32
      %dma_start3A_16 = tpu.memref_slice %arg2[%dma_start3A_14, %dma_start3A_15] : memref<20000x128xf32, #tpu.memory_space<hbm>> -> memref<20000x128xf32, #tpu.memory_space<hbm>>
      tpu.enqueue_indirect_dma source(%dma_start3A_16 : memref<20000x128xf32, #tpu.memory_space<hbm>>) target(%arg9 : memref<128x128xf32, #tpu.memory_space<vmem>>) offsets(%dma_start3A_13 : memref<128xi32, #tpu.memory_space<vmem>>) semaphore(%arg11 : memref<!tpu.dma_semaphore, #tpu.memory_space<semaphore_mem>>)
      %dma_wait3A = arith.constant 0 : i32
      %dma_wait3A_17 = tpu.memref_slice %arg7[%scan3A_11, %dma_wait3A] : memref<79x128xi32, #tpu.memory_space<vmem>> -> memref<1x128xi32, #tpu.memory_space<vmem>>
      %dma_wait3A_18 = tpu.memref_squeeze %dma_wait3A_17 : memref<1x128xi32, #tpu.memory_space<vmem>> -> memref<128xi32, #tpu.memory_space<vmem>>
      %dma_wait3A_19 = arith.constant 0 : i32
      %dma_wait3A_20 = arith.constant 0 : i32
      %dma_wait3A_21 = tpu.memref_slice %arg2[%dma_wait3A_19, %dma_wait3A_20] : memref<20000x128xf32, #tpu.memory_space<hbm>> -> memref<20000x128xf32, #tpu.memory_space<hbm>>
      tpu.wait_indirect_dma semaphore(%arg11 : memref<!tpu.dma_semaphore, #tpu.memory_space<semaphore_mem>>) src(%dma_wait3A_21 : memref<20000x128xf32, #tpu.memory_space<hbm>>) dst(%arg9 : memref<128x128xf32, #tpu.memory_space<vmem>>)
      "tpu.region"() ({
        %run_scoped3A = tpu.sem_alloc : memref<!tpu.dma_semaphore, #tpu.memory_space<semaphore_mem>>
        %dma_start3A_22 = arith.constant 0 : i32
        %dma_start3A_23 = tpu.memref_slice %arg8[%scan3A_11, %dma_start3A_22] : memref<79x128xi32, #tpu.memory_space<vmem>> -> memref<1x128xi32, #tpu.memory_space<vmem>>
        %dma_start3A_24 = tpu.memref_squeeze %dma_start3A_23 : memref<1x128xi32, #tpu.memory_space<vmem>> -> memref<128xi32, #tpu.memory_space<vmem>>
        %dma_start3A_25 = arith.constant 0 : i32
        %dma_start3A_26 = arith.constant 0 : i32
        %dma_start3A_27 = tpu.memref_slice %arg10[%dma_start3A_25, %dma_start3A_26] : memref<10112x128xf32, #tpu.memory_space<vmem_shared>> -> memref<10112x128xf32, #tpu.memory_space<vmem_shared>>
        tpu.enqueue_indirect_dma source(%arg9 : memref<128x128xf32, #tpu.memory_space<vmem>>) target(%dma_start3A_27 : memref<10112x128xf32, #tpu.memory_space<vmem_shared>>) offsets(%dma_start3A_24 : memref<128xi32, #tpu.memory_space<vmem>>) semaphore(%run_scoped3A : memref<!tpu.dma_semaphore, #tpu.memory_space<semaphore_mem>>) {add = true}
        %dma_wait3A_28 = arith.constant 0 : i32
        %dma_wait3A_29 = tpu.memref_slice %arg8[%scan3A_11, %dma_wait3A_28] : memref<79x128xi32, #tpu.memory_space<vmem>> -> memref<1x128xi32, #tpu.memory_space<vmem>>
        %dma_wait3A_30 = tpu.memref_squeeze %dma_wait3A_29 : memref<1x128xi32, #tpu.memory_space<vmem>> -> memref<128xi32, #tpu.memory_space<vmem>>
        %dma_wait3A_31 = arith.constant 0 : i32
        %dma_wait3A_32 = arith.constant 0 : i32
        %dma_wait3A_33 = tpu.memref_slice %arg10[%dma_wait3A_31, %dma_wait3A_32] : memref<10112x128xf32, #tpu.memory_space<vmem_shared>> -> memref<10112x128xf32, #tpu.memory_space<vmem_shared>>
        tpu.wait_indirect_dma semaphore(%run_scoped3A : memref<!tpu.dma_semaphore, #tpu.memory_space<semaphore_mem>>) src(%arg9 : memref<128x128xf32, #tpu.memory_space<vmem>>) dst(%dma_wait3A_33 : memref<10112x128xf32, #tpu.memory_space<vmem_shared>>)
        tpu.yield
      }) : () -> ()
    }
    %scan3A_5 = arith.constant 79 : i32
    %barrier3A_6 = arith.constant 0 : index
    tpu.barrier barrier_id(%barrier3A_6)
    %mul3A_7 = arith.constant 632 : i32
    %mul3A_8 = arith.muli %arg1, %mul3A_7 : i32
    %mul3A_9 = arith.constant 632 : i32
    %mul3A_10 = arith.muli %arg1, %mul3A_9 : i32
    "tpu.region"() ({
      %run_scoped3A = tpu.sem_alloc : memref<!tpu.dma_semaphore, #tpu.memory_space<semaphore_mem>>
      %dma_start3A = arith.constant 0 : i32
      %dma_start3A_11 = tpu.memref_slice %arg6[%arg0, %mul3A_10, %dma_start3A] : memref<2x10112x128xf32, #tpu.memory_space<hbm>> -> memref<1x632x128xf32, #tpu.memory_space<hbm>>
      %dma_start3A_12 = tpu.memref_squeeze %dma_start3A_11 : memref<1x632x128xf32, #tpu.memory_space<hbm>> -> memref<632x128xf32, #tpu.memory_space<hbm>>
      %dma_start3A_13 = arith.constant 0 : i32
      %dma_start3A_14 = tpu.memref_slice %arg10[%mul3A_8, %dma_start3A_13] : memref<10112x128xf32, #tpu.memory_space<vmem_shared>> -> memref<632x128xf32, #tpu.memory_space<vmem_shared>>
      tpu.enqueue_dma source(%dma_start3A_14 : memref<632x128xf32, #tpu.memory_space<vmem_shared>>) target(%dma_start3A_12 : memref<632x128xf32, #tpu.memory_space<hbm>>) target_semaphore(%run_scoped3A : memref<!tpu.dma_semaphore, #tpu.memory_space<semaphore_mem>>)
      %dma_wait3A = arith.constant 0 : i32
      %dma_wait3A_15 = tpu.memref_slice %arg6[%arg0, %mul3A_10, %dma_wait3A] : memref<2x10112x128xf32, #tpu.memory_space<hbm>> -> memref<1x632x128xf32, #tpu.memory_space<hbm>>
      %dma_wait3A_16 = tpu.memref_squeeze %dma_wait3A_15 : memref<1x632x128xf32, #tpu.memory_space<hbm>> -> memref<632x128xf32, #tpu.memory_space<hbm>>
      %dma_wait3A_17 = arith.constant 0 : i32
      %dma_wait3A_18 = tpu.memref_slice %arg10[%mul3A_8, %dma_wait3A_17] : memref<10112x128xf32, #tpu.memory_space<vmem_shared>> -> memref<632x128xf32, #tpu.memory_space<vmem_shared>>
      tpu.wait_dma2 semaphore(%run_scoped3A : memref<!tpu.dma_semaphore, #tpu.memory_space<semaphore_mem>>) src(%dma_wait3A_18 : memref<632x128xf32, #tpu.memory_space<vmem_shared>>) dst(%dma_wait3A_16 : memref<632x128xf32, #tpu.memory_space<hbm>>)
      tpu.yield
    }) : () -> ()
    return
  }
}

#map = affine_map<(d0, d1) -> (0, 0, 0, 0)>
#map1 = affine_map<(d0, d1) -> (0, 0)>
#map2 = affine_map<(d0, d1) -> (0, 0, 0)>
module attributes {stable_mosaic.version = 14 : i64} {
  func.func @deg(%arg0: i32, %arg1: i32, %arg2: memref<2x16x79x128xi32, #tpu.memory_space<hbm>>, %arg3: memref<128x128xf32, #tpu.memory_space<hbm>>, %arg4: memref<632x128xf32, #tpu.memory_space<hbm>>, %arg5: memref<2x10112x128xf32, #tpu.memory_space<hbm>>, %arg6: memref<79x128xi32, #tpu.memory_space<vmem>>, %arg7: memref<128x128xf32, #tpu.memory_space<vmem>>, %arg8: memref<10112x128xf32, #tpu.memory_space<vmem_shared>>, %arg9: memref<!tpu.dma_semaphore, #tpu.memory_space<semaphore_mem>>) attributes {dimension_semantics = [#tpu.dimension_semantics<core_parallel>, #tpu.dimension_semantics<subcore_parallel>], iteration_bounds = array<i64: 2, 16>, scalar_prefetch = 0 : i64, scratch_operands = 4 : i64, tpu.core_type = #tpu.core_type<sc_vector_subcore>, window_params = [{transform_indices = #map}, {transform_indices = #map1}, {transform_indices = #map1}, {transform_indices = #map2}]} {
    "tpu.region"() ({
      %run_scoped3A = tpu.sem_alloc : memref<!tpu.dma_semaphore, #tpu.memory_space<semaphore_mem>>
      %dma_start3A = arith.constant 0 : i32
      %dma_start3A_11 = arith.constant 0 : i32
      %dma_start3A_12 = tpu.memref_slice %arg2[%arg0, %arg1, %dma_start3A, %dma_start3A_11] : memref<2x16x79x128xi32, #tpu.memory_space<hbm>> -> memref<1x1x79x128xi32, #tpu.memory_space<hbm>>
      %dma_start3A_13 = tpu.memref_squeeze %dma_start3A_12 : memref<1x1x79x128xi32, #tpu.memory_space<hbm>> -> memref<79x128xi32, #tpu.memory_space<hbm>>
      %dma_start3A_14 = arith.constant 0 : i32
      %dma_start3A_15 = arith.constant 0 : i32
      %dma_start3A_16 = tpu.memref_slice %arg2[%arg0, %arg1, %dma_start3A_14, %dma_start3A_15] : memref<2x16x79x128xi32, #tpu.memory_space<hbm>> -> memref<1x1x79x128xi32, #tpu.memory_space<hbm>>
      %dma_start3A_17 = tpu.memref_squeeze %dma_start3A_16 : memref<1x1x79x128xi32, #tpu.memory_space<hbm>> -> memref<79x128xi32, #tpu.memory_space<hbm>>
      tpu.enqueue_dma source(%dma_start3A_17 : memref<79x128xi32, #tpu.memory_space<hbm>>) target(%arg6 : memref<79x128xi32, #tpu.memory_space<vmem>>) target_semaphore(%run_scoped3A : memref<!tpu.dma_semaphore, #tpu.memory_space<semaphore_mem>>)
      %dma_wait3A = arith.constant 0 : i32
      %dma_wait3A_18 = arith.constant 0 : i32
      %dma_wait3A_19 = tpu.memref_slice %arg2[%arg0, %arg1, %dma_wait3A, %dma_wait3A_18] : memref<2x16x79x128xi32, #tpu.memory_space<hbm>> -> memref<1x1x79x128xi32, #tpu.memory_space<hbm>>
      %dma_wait3A_20 = tpu.memref_squeeze %dma_wait3A_19 : memref<1x1x79x128xi32, #tpu.memory_space<hbm>> -> memref<79x128xi32, #tpu.memory_space<hbm>>
      %dma_wait3A_21 = arith.constant 0 : i32
      %dma_wait3A_22 = arith.constant 0 : i32
      %dma_wait3A_23 = tpu.memref_slice %arg2[%arg0, %arg1, %dma_wait3A_21, %dma_wait3A_22] : memref<2x16x79x128xi32, #tpu.memory_space<hbm>> -> memref<1x1x79x128xi32, #tpu.memory_space<hbm>>
      %dma_wait3A_24 = tpu.memref_squeeze %dma_wait3A_23 : memref<1x1x79x128xi32, #tpu.memory_space<hbm>> -> memref<79x128xi32, #tpu.memory_space<hbm>>
      tpu.wait_dma2 semaphore(%run_scoped3A : memref<!tpu.dma_semaphore, #tpu.memory_space<semaphore_mem>>) src(%dma_wait3A_24 : memref<79x128xi32, #tpu.memory_space<hbm>>) dst(%arg6 : memref<79x128xi32, #tpu.memory_space<vmem>>)
      tpu.yield
    }) : () -> ()
    "tpu.region"() ({
      %run_scoped3A = tpu.sem_alloc : memref<!tpu.dma_semaphore, #tpu.memory_space<semaphore_mem>>
      tpu.enqueue_dma source(%arg3 : memref<128x128xf32, #tpu.memory_space<hbm>>) target(%arg7 : memref<128x128xf32, #tpu.memory_space<vmem>>) target_semaphore(%run_scoped3A : memref<!tpu.dma_semaphore, #tpu.memory_space<semaphore_mem>>)
      tpu.wait_dma2 semaphore(%run_scoped3A : memref<!tpu.dma_semaphore, #tpu.memory_space<semaphore_mem>>) src(%arg3 : memref<128x128xf32, #tpu.memory_space<hbm>>) dst(%arg7 : memref<128x128xf32, #tpu.memory_space<vmem>>)
      tpu.yield
    }) : () -> ()
    %mul3A = arith.constant 632 : i32
    %mul3A_0 = arith.muli %arg1, %mul3A : i32
    "tpu.region"() ({
      %run_scoped3A = tpu.sem_alloc : memref<!tpu.dma_semaphore, #tpu.memory_space<semaphore_mem>>
      %dma_start3A = arith.constant 0 : i32
      %dma_start3A_11 = tpu.memref_slice %arg8[%mul3A_0, %dma_start3A] : memref<10112x128xf32, #tpu.memory_space<vmem_shared>> -> memref<632x128xf32, #tpu.memory_space<vmem_shared>>
      tpu.enqueue_dma source(%arg4 : memref<632x128xf32, #tpu.memory_space<hbm>>) target(%dma_start3A_11 : memref<632x128xf32, #tpu.memory_space<vmem_shared>>) target_semaphore(%run_scoped3A : memref<!tpu.dma_semaphore, #tpu.memory_space<semaphore_mem>>)
      %dma_wait3A = arith.constant 0 : i32
      %dma_wait3A_12 = tpu.memref_slice %arg8[%mul3A_0, %dma_wait3A] : memref<10112x128xf32, #tpu.memory_space<vmem_shared>> -> memref<632x128xf32, #tpu.memory_space<vmem_shared>>
      tpu.wait_dma2 semaphore(%run_scoped3A : memref<!tpu.dma_semaphore, #tpu.memory_space<semaphore_mem>>) src(%arg4 : memref<632x128xf32, #tpu.memory_space<hbm>>) dst(%dma_wait3A_12 : memref<632x128xf32, #tpu.memory_space<vmem_shared>>)
      tpu.yield
    }) : () -> ()
    %barrier3A = arith.constant 0 : index
    tpu.barrier barrier_id(%barrier3A)
    %scan3A = arith.constant 0 : i32
    %scan3A_1 = arith.constant 0 : i32
    %scan3A_2 = arith.constant 79 : i32
    %scan3A_3 = arith.addi %scan3A_1, %scan3A_2 : i32
    %scan3A_4 = arith.constant 1 : i32
    scf.for %scan3A_11 = %scan3A_1 to %scan3A_3 step %scan3A_4  : i32 {
      "tpu.region"() ({
        %run_scoped3A = tpu.sem_alloc : memref<!tpu.dma_semaphore, #tpu.memory_space<semaphore_mem>>
        %dma_start3A = arith.constant 0 : i32
        %dma_start3A_12 = tpu.memref_slice %arg6[%scan3A_11, %dma_start3A] : memref<79x128xi32, #tpu.memory_space<vmem>> -> memref<1x128xi32, #tpu.memory_space<vmem>>
        %dma_start3A_13 = tpu.memref_squeeze %dma_start3A_12 : memref<1x128xi32, #tpu.memory_space<vmem>> -> memref<128xi32, #tpu.memory_space<vmem>>
        %dma_start3A_14 = arith.constant 0 : i32
        %dma_start3A_15 = arith.constant 0 : i32
        %dma_start3A_16 = tpu.memref_slice %arg8[%dma_start3A_14, %dma_start3A_15] : memref<10112x128xf32, #tpu.memory_space<vmem_shared>> -> memref<10112x128xf32, #tpu.memory_space<vmem_shared>>
        tpu.enqueue_indirect_dma source(%arg7 : memref<128x128xf32, #tpu.memory_space<vmem>>) target(%dma_start3A_16 : memref<10112x128xf32, #tpu.memory_space<vmem_shared>>) offsets(%dma_start3A_13 : memref<128xi32, #tpu.memory_space<vmem>>) semaphore(%run_scoped3A : memref<!tpu.dma_semaphore, #tpu.memory_space<semaphore_mem>>) {add = true}
        %dma_wait3A = arith.constant 0 : i32
        %dma_wait3A_17 = tpu.memref_slice %arg6[%scan3A_11, %dma_wait3A] : memref<79x128xi32, #tpu.memory_space<vmem>> -> memref<1x128xi32, #tpu.memory_space<vmem>>
        %dma_wait3A_18 = tpu.memref_squeeze %dma_wait3A_17 : memref<1x128xi32, #tpu.memory_space<vmem>> -> memref<128xi32, #tpu.memory_space<vmem>>
        %dma_wait3A_19 = arith.constant 0 : i32
        %dma_wait3A_20 = arith.constant 0 : i32
        %dma_wait3A_21 = tpu.memref_slice %arg8[%dma_wait3A_19, %dma_wait3A_20] : memref<10112x128xf32, #tpu.memory_space<vmem_shared>> -> memref<10112x128xf32, #tpu.memory_space<vmem_shared>>
        tpu.wait_indirect_dma semaphore(%run_scoped3A : memref<!tpu.dma_semaphore, #tpu.memory_space<semaphore_mem>>) src(%arg7 : memref<128x128xf32, #tpu.memory_space<vmem>>) dst(%dma_wait3A_21 : memref<10112x128xf32, #tpu.memory_space<vmem_shared>>)
        tpu.yield
      }) : () -> ()
    }
    %scan3A_5 = arith.constant 79 : i32
    %barrier3A_6 = arith.constant 0 : index
    tpu.barrier barrier_id(%barrier3A_6)
    %mul3A_7 = arith.constant 632 : i32
    %mul3A_8 = arith.muli %arg1, %mul3A_7 : i32
    %mul3A_9 = arith.constant 632 : i32
    %mul3A_10 = arith.muli %arg1, %mul3A_9 : i32
    "tpu.region"() ({
      %run_scoped3A = tpu.sem_alloc : memref<!tpu.dma_semaphore, #tpu.memory_space<semaphore_mem>>
      %dma_start3A = arith.constant 0 : i32
      %dma_start3A_11 = tpu.memref_slice %arg5[%arg0, %mul3A_10, %dma_start3A] : memref<2x10112x128xf32, #tpu.memory_space<hbm>> -> memref<1x632x128xf32, #tpu.memory_space<hbm>>
      %dma_start3A_12 = tpu.memref_squeeze %dma_start3A_11 : memref<1x632x128xf32, #tpu.memory_space<hbm>> -> memref<632x128xf32, #tpu.memory_space<hbm>>
      %dma_start3A_13 = arith.constant 0 : i32
      %dma_start3A_14 = tpu.memref_slice %arg8[%mul3A_8, %dma_start3A_13] : memref<10112x128xf32, #tpu.memory_space<vmem_shared>> -> memref<632x128xf32, #tpu.memory_space<vmem_shared>>
      tpu.enqueue_dma source(%dma_start3A_14 : memref<632x128xf32, #tpu.memory_space<vmem_shared>>) target(%dma_start3A_12 : memref<632x128xf32, #tpu.memory_space<hbm>>) target_semaphore(%run_scoped3A : memref<!tpu.dma_semaphore, #tpu.memory_space<semaphore_mem>>)
      %dma_wait3A = arith.constant 0 : i32
      %dma_wait3A_15 = tpu.memref_slice %arg5[%arg0, %mul3A_10, %dma_wait3A] : memref<2x10112x128xf32, #tpu.memory_space<hbm>> -> memref<1x632x128xf32, #tpu.memory_space<hbm>>
      %dma_wait3A_16 = tpu.memref_squeeze %dma_wait3A_15 : memref<1x632x128xf32, #tpu.memory_space<hbm>> -> memref<632x128xf32, #tpu.memory_space<hbm>>
      %dma_wait3A_17 = arith.constant 0 : i32
      %dma_wait3A_18 = tpu.memref_slice %arg8[%mul3A_8, %dma_wait3A_17] : memref<10112x128xf32, #tpu.memory_space<vmem_shared>> -> memref<632x128xf32, #tpu.memory_space<vmem_shared>>
      tpu.wait_dma2 semaphore(%run_scoped3A : memref<!tpu.dma_semaphore, #tpu.memory_space<semaphore_mem>>) src(%dma_wait3A_18 : memref<632x128xf32, #tpu.memory_space<vmem_shared>>) dst(%dma_wait3A_16 : memref<632x128xf32, #tpu.memory_space<hbm>>)
      tpu.yield
    }) : () -> ()
    return
  }
}

#map = affine_map<(d0, d1) -> (0, 0)>
#map1 = affine_map<(d0, d1) -> (0, 0, 0, 0)>
#map2 = affine_map<(d0, d1) -> (0, 0, 0)>
module attributes {stable_mosaic.version = 14 : i64} {
  func.func @seg_sum(%arg0: i32, %arg1: i32, %arg2: memref<20000x128xf32, #tpu.memory_space<hbm>>, %arg3: memref<2x16x79x128xi32, #tpu.memory_space<hbm>>, %arg4: memref<16x79x128xi32, #tpu.memory_space<hbm>>, %arg5: memref<632x128xf32, #tpu.memory_space<hbm>>, %arg6: memref<2x10112x128xf32, #tpu.memory_space<hbm>>, %arg7: memref<79x128xi32, #tpu.memory_space<vmem>>, %arg8: memref<79x128xi32, #tpu.memory_space<vmem>>, %arg9: memref<128x128xf32, #tpu.memory_space<vmem>>, %arg10: memref<10112x128xf32, #tpu.memory_space<vmem_shared>>, %arg11: memref<!tpu.dma_semaphore, #tpu.memory_space<semaphore_mem>>) attributes {dimension_semantics = [#tpu.dimension_semantics<core_parallel>, #tpu.dimension_semantics<subcore_parallel>], iteration_bounds = array<i64: 2, 16>, scalar_prefetch = 0 : i64, scratch_operands = 5 : i64, tpu.core_type = #tpu.core_type<sc_vector_subcore>, window_params = [{transform_indices = #map}, {transform_indices = #map1}, {transform_indices = #map2}, {transform_indices = #map}, {transform_indices = #map2}]} {
    "tpu.region"() ({
      %run_scoped3A = tpu.sem_alloc : memref<!tpu.dma_semaphore, #tpu.memory_space<semaphore_mem>>
      %dma_start3A = arith.constant 0 : i32
      %dma_start3A_11 = arith.constant 0 : i32
      %dma_start3A_12 = tpu.memref_slice %arg3[%arg0, %arg1, %dma_start3A, %dma_start3A_11] : memref<2x16x79x128xi32, #tpu.memory_space<hbm>> -> memref<1x1x79x128xi32, #tpu.memory_space<hbm>>
      %dma_start3A_13 = tpu.memref_squeeze %dma_start3A_12 : memref<1x1x79x128xi32, #tpu.memory_space<hbm>> -> memref<79x128xi32, #tpu.memory_space<hbm>>
      %dma_start3A_14 = arith.constant 0 : i32
      %dma_start3A_15 = arith.constant 0 : i32
      %dma_start3A_16 = tpu.memref_slice %arg3[%arg0, %arg1, %dma_start3A_14, %dma_start3A_15] : memref<2x16x79x128xi32, #tpu.memory_space<hbm>> -> memref<1x1x79x128xi32, #tpu.memory_space<hbm>>
      %dma_start3A_17 = tpu.memref_squeeze %dma_start3A_16 : memref<1x1x79x128xi32, #tpu.memory_space<hbm>> -> memref<79x128xi32, #tpu.memory_space<hbm>>
      tpu.enqueue_dma source(%dma_start3A_17 : memref<79x128xi32, #tpu.memory_space<hbm>>) target(%arg7 : memref<79x128xi32, #tpu.memory_space<vmem>>) target_semaphore(%run_scoped3A : memref<!tpu.dma_semaphore, #tpu.memory_space<semaphore_mem>>)
      %dma_wait3A = arith.constant 0 : i32
      %dma_wait3A_18 = arith.constant 0 : i32
      %dma_wait3A_19 = tpu.memref_slice %arg3[%arg0, %arg1, %dma_wait3A, %dma_wait3A_18] : memref<2x16x79x128xi32, #tpu.memory_space<hbm>> -> memref<1x1x79x128xi32, #tpu.memory_space<hbm>>
      %dma_wait3A_20 = tpu.memref_squeeze %dma_wait3A_19 : memref<1x1x79x128xi32, #tpu.memory_space<hbm>> -> memref<79x128xi32, #tpu.memory_space<hbm>>
      %dma_wait3A_21 = arith.constant 0 : i32
      %dma_wait3A_22 = arith.constant 0 : i32
      %dma_wait3A_23 = tpu.memref_slice %arg3[%arg0, %arg1, %dma_wait3A_21, %dma_wait3A_22] : memref<2x16x79x128xi32, #tpu.memory_space<hbm>> -> memref<1x1x79x128xi32, #tpu.memory_space<hbm>>
      %dma_wait3A_24 = tpu.memref_squeeze %dma_wait3A_23 : memref<1x1x79x128xi32, #tpu.memory_space<hbm>> -> memref<79x128xi32, #tpu.memory_space<hbm>>
      tpu.wait_dma2 semaphore(%run_scoped3A : memref<!tpu.dma_semaphore, #tpu.memory_space<semaphore_mem>>) src(%dma_wait3A_24 : memref<79x128xi32, #tpu.memory_space<hbm>>) dst(%arg7 : memref<79x128xi32, #tpu.memory_space<vmem>>)
      tpu.yield
    }) : () -> ()
    "tpu.region"() ({
      %run_scoped3A = tpu.sem_alloc : memref<!tpu.dma_semaphore, #tpu.memory_space<semaphore_mem>>
      %dma_start3A = arith.constant 0 : i32
      %dma_start3A_11 = arith.constant 0 : i32
      %dma_start3A_12 = tpu.memref_slice %arg4[%arg1, %dma_start3A, %dma_start3A_11] : memref<16x79x128xi32, #tpu.memory_space<hbm>> -> memref<1x79x128xi32, #tpu.memory_space<hbm>>
      %dma_start3A_13 = tpu.memref_squeeze %dma_start3A_12 : memref<1x79x128xi32, #tpu.memory_space<hbm>> -> memref<79x128xi32, #tpu.memory_space<hbm>>
      %dma_start3A_14 = arith.constant 0 : i32
      %dma_start3A_15 = arith.constant 0 : i32
      %dma_start3A_16 = tpu.memref_slice %arg4[%arg1, %dma_start3A_14, %dma_start3A_15] : memref<16x79x128xi32, #tpu.memory_space<hbm>> -> memref<1x79x128xi32, #tpu.memory_space<hbm>>
      %dma_start3A_17 = tpu.memref_squeeze %dma_start3A_16 : memref<1x79x128xi32, #tpu.memory_space<hbm>> -> memref<79x128xi32, #tpu.memory_space<hbm>>
      tpu.enqueue_dma source(%dma_start3A_17 : memref<79x128xi32, #tpu.memory_space<hbm>>) target(%arg8 : memref<79x128xi32, #tpu.memory_space<vmem>>) target_semaphore(%run_scoped3A : memref<!tpu.dma_semaphore, #tpu.memory_space<semaphore_mem>>)
      %dma_wait3A = arith.constant 0 : i32
      %dma_wait3A_18 = arith.constant 0 : i32
      %dma_wait3A_19 = tpu.memref_slice %arg4[%arg1, %dma_wait3A, %dma_wait3A_18] : memref<16x79x128xi32, #tpu.memory_space<hbm>> -> memref<1x79x128xi32, #tpu.memory_space<hbm>>
      %dma_wait3A_20 = tpu.memref_squeeze %dma_wait3A_19 : memref<1x79x128xi32, #tpu.memory_space<hbm>> -> memref<79x128xi32, #tpu.memory_space<hbm>>
      %dma_wait3A_21 = arith.constant 0 : i32
      %dma_wait3A_22 = arith.constant 0 : i32
      %dma_wait3A_23 = tpu.memref_slice %arg4[%arg1, %dma_wait3A_21, %dma_wait3A_22] : memref<16x79x128xi32, #tpu.memory_space<hbm>> -> memref<1x79x128xi32, #tpu.memory_space<hbm>>
      %dma_wait3A_24 = tpu.memref_squeeze %dma_wait3A_23 : memref<1x79x128xi32, #tpu.memory_space<hbm>> -> memref<79x128xi32, #tpu.memory_space<hbm>>
      tpu.wait_dma2 semaphore(%run_scoped3A : memref<!tpu.dma_semaphore, #tpu.memory_space<semaphore_mem>>) src(%dma_wait3A_24 : memref<79x128xi32, #tpu.memory_space<hbm>>) dst(%arg8 : memref<79x128xi32, #tpu.memory_space<vmem>>)
      tpu.yield
    }) : () -> ()
    %mul3A = arith.constant 632 : i32
    %mul3A_0 = arith.muli %arg1, %mul3A : i32
    "tpu.region"() ({
      %run_scoped3A = tpu.sem_alloc : memref<!tpu.dma_semaphore, #tpu.memory_space<semaphore_mem>>
      %dma_start3A = arith.constant 0 : i32
      %dma_start3A_11 = tpu.memref_slice %arg10[%mul3A_0, %dma_start3A] : memref<10112x128xf32, #tpu.memory_space<vmem_shared>> -> memref<632x128xf32, #tpu.memory_space<vmem_shared>>
      tpu.enqueue_dma source(%arg5 : memref<632x128xf32, #tpu.memory_space<hbm>>) target(%dma_start3A_11 : memref<632x128xf32, #tpu.memory_space<vmem_shared>>) target_semaphore(%run_scoped3A : memref<!tpu.dma_semaphore, #tpu.memory_space<semaphore_mem>>)
      %dma_wait3A = arith.constant 0 : i32
      %dma_wait3A_12 = tpu.memref_slice %arg10[%mul3A_0, %dma_wait3A] : memref<10112x128xf32, #tpu.memory_space<vmem_shared>> -> memref<632x128xf32, #tpu.memory_space<vmem_shared>>
      tpu.wait_dma2 semaphore(%run_scoped3A : memref<!tpu.dma_semaphore, #tpu.memory_space<semaphore_mem>>) src(%arg5 : memref<632x128xf32, #tpu.memory_space<hbm>>) dst(%dma_wait3A_12 : memref<632x128xf32, #tpu.memory_space<vmem_shared>>)
      tpu.yield
    }) : () -> ()
    %barrier3A = arith.constant 0 : index
    tpu.barrier barrier_id(%barrier3A)
    %scan3A = arith.constant 0 : i32
    %scan3A_1 = arith.constant 0 : i32
    %scan3A_2 = arith.constant 79 : i32
    %scan3A_3 = arith.addi %scan3A_1, %scan3A_2 : i32
    %scan3A_4 = arith.constant 1 : i32
    scf.for %scan3A_11 = %scan3A_1 to %scan3A_3 step %scan3A_4  : i32 {
      %dma_start3A = arith.constant 0 : i32
      %dma_start3A_12 = tpu.memref_slice %arg7[%scan3A_11, %dma_start3A] : memref<79x128xi32, #tpu.memory_space<vmem>> -> memref<1x128xi32, #tpu.memory_space<vmem>>
      %dma_start3A_13 = tpu.memref_squeeze %dma_start3A_12 : memref<1x128xi32, #tpu.memory_space<vmem>> -> memref<128xi32, #tpu.memory_space<vmem>>
      %dma_start3A_14 = arith.constant 0 : i32
      %dma_start3A_15 = arith.constant 0 : i32
      %dma_start3A_16 = tpu.memref_slice %arg2[%dma_start3A_14, %dma_start3A_15] : memref<20000x128xf32, #tpu.memory_space<hbm>> -> memref<20000x128xf32, #tpu.memory_space<hbm>>
      tpu.enqueue_indirect_dma source(%dma_start3A_16 : memref<20000x128xf32, #tpu.memory_space<hbm>>) target(%arg9 : memref<128x128xf32, #tpu.memory_space<vmem>>) offsets(%dma_start3A_13 : memref<128xi32, #tpu.memory_space<vmem>>) semaphore(%arg11 : memref<!tpu.dma_semaphore, #tpu.memory_space<semaphore_mem>>)
      %dma_wait3A = arith.constant 0 : i32
      %dma_wait3A_17 = tpu.memref_slice %arg7[%scan3A_11, %dma_wait3A] : memref<79x128xi32, #tpu.memory_space<vmem>> -> memref<1x128xi32, #tpu.memory_space<vmem>>
      %dma_wait3A_18 = tpu.memref_squeeze %dma_wait3A_17 : memref<1x128xi32, #tpu.memory_space<vmem>> -> memref<128xi32, #tpu.memory_space<vmem>>
      %dma_wait3A_19 = arith.constant 0 : i32
      %dma_wait3A_20 = arith.constant 0 : i32
      %dma_wait3A_21 = tpu.memref_slice %arg2[%dma_wait3A_19, %dma_wait3A_20] : memref<20000x128xf32, #tpu.memory_space<hbm>> -> memref<20000x128xf32, #tpu.memory_space<hbm>>
      tpu.wait_indirect_dma semaphore(%arg11 : memref<!tpu.dma_semaphore, #tpu.memory_space<semaphore_mem>>) src(%dma_wait3A_21 : memref<20000x128xf32, #tpu.memory_space<hbm>>) dst(%arg9 : memref<128x128xf32, #tpu.memory_space<vmem>>)
      "tpu.region"() ({
        %run_scoped3A = tpu.sem_alloc : memref<!tpu.dma_semaphore, #tpu.memory_space<semaphore_mem>>
        %dma_start3A_22 = arith.constant 0 : i32
        %dma_start3A_23 = tpu.memref_slice %arg8[%scan3A_11, %dma_start3A_22] : memref<79x128xi32, #tpu.memory_space<vmem>> -> memref<1x128xi32, #tpu.memory_space<vmem>>
        %dma_start3A_24 = tpu.memref_squeeze %dma_start3A_23 : memref<1x128xi32, #tpu.memory_space<vmem>> -> memref<128xi32, #tpu.memory_space<vmem>>
        %dma_start3A_25 = arith.constant 0 : i32
        %dma_start3A_26 = arith.constant 0 : i32
        %dma_start3A_27 = tpu.memref_slice %arg10[%dma_start3A_25, %dma_start3A_26] : memref<10112x128xf32, #tpu.memory_space<vmem_shared>> -> memref<10112x128xf32, #tpu.memory_space<vmem_shared>>
        tpu.enqueue_indirect_dma source(%arg9 : memref<128x128xf32, #tpu.memory_space<vmem>>) target(%dma_start3A_27 : memref<10112x128xf32, #tpu.memory_space<vmem_shared>>) offsets(%dma_start3A_24 : memref<128xi32, #tpu.memory_space<vmem>>) semaphore(%run_scoped3A : memref<!tpu.dma_semaphore, #tpu.memory_space<semaphore_mem>>) {add = true}
        %dma_wait3A_28 = arith.constant 0 : i32
        %dma_wait3A_29 = tpu.memref_slice %arg8[%scan3A_11, %dma_wait3A_28] : memref<79x128xi32, #tpu.memory_space<vmem>> -> memref<1x128xi32, #tpu.memory_space<vmem>>
        %dma_wait3A_30 = tpu.memref_squeeze %dma_wait3A_29 : memref<1x128xi32, #tpu.memory_space<vmem>> -> memref<128xi32, #tpu.memory_space<vmem>>
        %dma_wait3A_31 = arith.constant 0 : i32
        %dma_wait3A_32 = arith.constant 0 : i32
        %dma_wait3A_33 = tpu.memref_slice %arg10[%dma_wait3A_31, %dma_wait3A_32] : memref<10112x128xf32, #tpu.memory_space<vmem_shared>> -> memref<10112x128xf32, #tpu.memory_space<vmem_shared>>
        tpu.wait_indirect_dma semaphore(%run_scoped3A : memref<!tpu.dma_semaphore, #tpu.memory_space<semaphore_mem>>) src(%arg9 : memref<128x128xf32, #tpu.memory_space<vmem>>) dst(%dma_wait3A_33 : memref<10112x128xf32, #tpu.memory_space<vmem_shared>>)
        tpu.yield
      }) : () -> ()
    }
    %scan3A_5 = arith.constant 79 : i32
    %barrier3A_6 = arith.constant 0 : index
    tpu.barrier barrier_id(%barrier3A_6)
    %mul3A_7 = arith.constant 632 : i32
    %mul3A_8 = arith.muli %arg1, %mul3A_7 : i32
    %mul3A_9 = arith.constant 632 : i32
    %mul3A_10 = arith.muli %arg1, %mul3A_9 : i32
    "tpu.region"() ({
      %run_scoped3A = tpu.sem_alloc : memref<!tpu.dma_semaphore, #tpu.memory_space<semaphore_mem>>
      %dma_start3A = arith.constant 0 : i32
      %dma_start3A_11 = tpu.memref_slice %arg6[%arg0, %mul3A_10, %dma_start3A] : memref<2x10112x128xf32, #tpu.memory_space<hbm>> -> memref<1x632x128xf32, #tpu.memory_space<hbm>>
      %dma_start3A_12 = tpu.memref_squeeze %dma_start3A_11 : memref<1x632x128xf32, #tpu.memory_space<hbm>> -> memref<632x128xf32, #tpu.memory_space<hbm>>
      %dma_start3A_13 = arith.constant 0 : i32
      %dma_start3A_14 = tpu.memref_slice %arg10[%mul3A_8, %dma_start3A_13] : memref<10112x128xf32, #tpu.memory_space<vmem_shared>> -> memref<632x128xf32, #tpu.memory_space<vmem_shared>>
      tpu.enqueue_dma source(%dma_start3A_14 : memref<632x128xf32, #tpu.memory_space<vmem_shared>>) target(%dma_start3A_12 : memref<632x128xf32, #tpu.memory_space<hbm>>) target_semaphore(%run_scoped3A : memref<!tpu.dma_semaphore, #tpu.memory_space<semaphore_mem>>)
      %dma_wait3A = arith.constant 0 : i32
      %dma_wait3A_15 = tpu.memref_slice %arg6[%arg0, %mul3A_10, %dma_wait3A] : memref<2x10112x128xf32, #tpu.memory_space<hbm>> -> memref<1x632x128xf32, #tpu.memory_space<hbm>>
      %dma_wait3A_16 = tpu.memref_squeeze %dma_wait3A_15 : memref<1x632x128xf32, #tpu.memory_space<hbm>> -> memref<632x128xf32, #tpu.memory_space<hbm>>
      %dma_wait3A_17 = arith.constant 0 : i32
      %dma_wait3A_18 = tpu.memref_slice %arg10[%mul3A_8, %dma_wait3A_17] : memref<10112x128xf32, #tpu.memory_space<vmem_shared>> -> memref<632x128xf32, #tpu.memory_space<vmem_shared>>
      tpu.wait_dma2 semaphore(%run_scoped3A : memref<!tpu.dma_semaphore, #tpu.memory_space<semaphore_mem>>) src(%dma_wait3A_18 : memref<632x128xf32, #tpu.memory_space<vmem_shared>>) dst(%dma_wait3A_16 : memref<632x128xf32, #tpu.memory_space<hbm>>)
      tpu.yield
    }) : () -> ()
    return
  }
}

#map = affine_map<(d0, d1) -> (0, 0)>
#map1 = affine_map<(d0, d1) -> (0, 0, 0, 0)>
#map2 = affine_map<(d0, d1) -> (0, 0, 0)>
module attributes {stable_mosaic.version = 14 : i64} {
  func.func @seg_sum(%arg0: i32, %arg1: i32, %arg2: memref<20000x128xf32, #tpu.memory_space<hbm>>, %arg3: memref<2x16x79x128xi32, #tpu.memory_space<hbm>>, %arg4: memref<16x79x128xi32, #tpu.memory_space<hbm>>, %arg5: memref<632x128xf32, #tpu.memory_space<hbm>>, %arg6: memref<2x10112x128xf32, #tpu.memory_space<hbm>>, %arg7: memref<79x128xi32, #tpu.memory_space<vmem>>, %arg8: memref<79x128xi32, #tpu.memory_space<vmem>>, %arg9: memref<128x128xf32, #tpu.memory_space<vmem>>, %arg10: memref<10112x128xf32, #tpu.memory_space<vmem_shared>>, %arg11: memref<!tpu.dma_semaphore, #tpu.memory_space<semaphore_mem>>) attributes {dimension_semantics = [#tpu.dimension_semantics<core_parallel>, #tpu.dimension_semantics<subcore_parallel>], iteration_bounds = array<i64: 2, 16>, scalar_prefetch = 0 : i64, scratch_operands = 5 : i64, tpu.core_type = #tpu.core_type<sc_vector_subcore>, window_params = [{transform_indices = #map}, {transform_indices = #map1}, {transform_indices = #map2}, {transform_indices = #map}, {transform_indices = #map2}]} {
    "tpu.region"() ({
      %run_scoped3A = tpu.sem_alloc : memref<!tpu.dma_semaphore, #tpu.memory_space<semaphore_mem>>
      %dma_start3A = arith.constant 0 : i32
      %dma_start3A_11 = arith.constant 0 : i32
      %dma_start3A_12 = tpu.memref_slice %arg3[%arg0, %arg1, %dma_start3A, %dma_start3A_11] : memref<2x16x79x128xi32, #tpu.memory_space<hbm>> -> memref<1x1x79x128xi32, #tpu.memory_space<hbm>>
      %dma_start3A_13 = tpu.memref_squeeze %dma_start3A_12 : memref<1x1x79x128xi32, #tpu.memory_space<hbm>> -> memref<79x128xi32, #tpu.memory_space<hbm>>
      %dma_start3A_14 = arith.constant 0 : i32
      %dma_start3A_15 = arith.constant 0 : i32
      %dma_start3A_16 = tpu.memref_slice %arg3[%arg0, %arg1, %dma_start3A_14, %dma_start3A_15] : memref<2x16x79x128xi32, #tpu.memory_space<hbm>> -> memref<1x1x79x128xi32, #tpu.memory_space<hbm>>
      %dma_start3A_17 = tpu.memref_squeeze %dma_start3A_16 : memref<1x1x79x128xi32, #tpu.memory_space<hbm>> -> memref<79x128xi32, #tpu.memory_space<hbm>>
      tpu.enqueue_dma source(%dma_start3A_17 : memref<79x128xi32, #tpu.memory_space<hbm>>) target(%arg7 : memref<79x128xi32, #tpu.memory_space<vmem>>) target_semaphore(%run_scoped3A : memref<!tpu.dma_semaphore, #tpu.memory_space<semaphore_mem>>)
      %dma_wait3A = arith.constant 0 : i32
      %dma_wait3A_18 = arith.constant 0 : i32
      %dma_wait3A_19 = tpu.memref_slice %arg3[%arg0, %arg1, %dma_wait3A, %dma_wait3A_18] : memref<2x16x79x128xi32, #tpu.memory_space<hbm>> -> memref<1x1x79x128xi32, #tpu.memory_space<hbm>>
      %dma_wait3A_20 = tpu.memref_squeeze %dma_wait3A_19 : memref<1x1x79x128xi32, #tpu.memory_space<hbm>> -> memref<79x128xi32, #tpu.memory_space<hbm>>
      %dma_wait3A_21 = arith.constant 0 : i32
      %dma_wait3A_22 = arith.constant 0 : i32
      %dma_wait3A_23 = tpu.memref_slice %arg3[%arg0, %arg1, %dma_wait3A_21, %dma_wait3A_22] : memref<2x16x79x128xi32, #tpu.memory_space<hbm>> -> memref<1x1x79x128xi32, #tpu.memory_space<hbm>>
      %dma_wait3A_24 = tpu.memref_squeeze %dma_wait3A_23 : memref<1x1x79x128xi32, #tpu.memory_space<hbm>> -> memref<79x128xi32, #tpu.memory_space<hbm>>
      tpu.wait_dma2 semaphore(%run_scoped3A : memref<!tpu.dma_semaphore, #tpu.memory_space<semaphore_mem>>) src(%dma_wait3A_24 : memref<79x128xi32, #tpu.memory_space<hbm>>) dst(%arg7 : memref<79x128xi32, #tpu.memory_space<vmem>>)
      tpu.yield
    }) : () -> ()
    "tpu.region"() ({
      %run_scoped3A = tpu.sem_alloc : memref<!tpu.dma_semaphore, #tpu.memory_space<semaphore_mem>>
      %dma_start3A = arith.constant 0 : i32
      %dma_start3A_11 = arith.constant 0 : i32
      %dma_start3A_12 = tpu.memref_slice %arg4[%arg1, %dma_start3A, %dma_start3A_11] : memref<16x79x128xi32, #tpu.memory_space<hbm>> -> memref<1x79x128xi32, #tpu.memory_space<hbm>>
      %dma_start3A_13 = tpu.memref_squeeze %dma_start3A_12 : memref<1x79x128xi32, #tpu.memory_space<hbm>> -> memref<79x128xi32, #tpu.memory_space<hbm>>
      %dma_start3A_14 = arith.constant 0 : i32
      %dma_start3A_15 = arith.constant 0 : i32
      %dma_start3A_16 = tpu.memref_slice %arg4[%arg1, %dma_start3A_14, %dma_start3A_15] : memref<16x79x128xi32, #tpu.memory_space<hbm>> -> memref<1x79x128xi32, #tpu.memory_space<hbm>>
      %dma_start3A_17 = tpu.memref_squeeze %dma_start3A_16 : memref<1x79x128xi32, #tpu.memory_space<hbm>> -> memref<79x128xi32, #tpu.memory_space<hbm>>
      tpu.enqueue_dma source(%dma_start3A_17 : memref<79x128xi32, #tpu.memory_space<hbm>>) target(%arg8 : memref<79x128xi32, #tpu.memory_space<vmem>>) target_semaphore(%run_scoped3A : memref<!tpu.dma_semaphore, #tpu.memory_space<semaphore_mem>>)
      %dma_wait3A = arith.constant 0 : i32
      %dma_wait3A_18 = arith.constant 0 : i32
      %dma_wait3A_19 = tpu.memref_slice %arg4[%arg1, %dma_wait3A, %dma_wait3A_18] : memref<16x79x128xi32, #tpu.memory_space<hbm>> -> memref<1x79x128xi32, #tpu.memory_space<hbm>>
      %dma_wait3A_20 = tpu.memref_squeeze %dma_wait3A_19 : memref<1x79x128xi32, #tpu.memory_space<hbm>> -> memref<79x128xi32, #tpu.memory_space<hbm>>
      %dma_wait3A_21 = arith.constant 0 : i32
      %dma_wait3A_22 = arith.constant 0 : i32
      %dma_wait3A_23 = tpu.memref_slice %arg4[%arg1, %dma_wait3A_21, %dma_wait3A_22] : memref<16x79x128xi32, #tpu.memory_space<hbm>> -> memref<1x79x128xi32, #tpu.memory_space<hbm>>
      %dma_wait3A_24 = tpu.memref_squeeze %dma_wait3A_23 : memref<1x79x128xi32, #tpu.memory_space<hbm>> -> memref<79x128xi32, #tpu.memory_space<hbm>>
      tpu.wait_dma2 semaphore(%run_scoped3A : memref<!tpu.dma_semaphore, #tpu.memory_space<semaphore_mem>>) src(%dma_wait3A_24 : memref<79x128xi32, #tpu.memory_space<hbm>>) dst(%arg8 : memref<79x128xi32, #tpu.memory_space<vmem>>)
      tpu.yield
    }) : () -> ()
    %mul3A = arith.constant 632 : i32
    %mul3A_0 = arith.muli %arg1, %mul3A : i32
    "tpu.region"() ({
      %run_scoped3A = tpu.sem_alloc : memref<!tpu.dma_semaphore, #tpu.memory_space<semaphore_mem>>
      %dma_start3A = arith.constant 0 : i32
      %dma_start3A_11 = tpu.memref_slice %arg10[%mul3A_0, %dma_start3A] : memref<10112x128xf32, #tpu.memory_space<vmem_shared>> -> memref<632x128xf32, #tpu.memory_space<vmem_shared>>
      tpu.enqueue_dma source(%arg5 : memref<632x128xf32, #tpu.memory_space<hbm>>) target(%dma_start3A_11 : memref<632x128xf32, #tpu.memory_space<vmem_shared>>) target_semaphore(%run_scoped3A : memref<!tpu.dma_semaphore, #tpu.memory_space<semaphore_mem>>)
      %dma_wait3A = arith.constant 0 : i32
      %dma_wait3A_12 = tpu.memref_slice %arg10[%mul3A_0, %dma_wait3A] : memref<10112x128xf32, #tpu.memory_space<vmem_shared>> -> memref<632x128xf32, #tpu.memory_space<vmem_shared>>
      tpu.wait_dma2 semaphore(%run_scoped3A : memref<!tpu.dma_semaphore, #tpu.memory_space<semaphore_mem>>) src(%arg5 : memref<632x128xf32, #tpu.memory_space<hbm>>) dst(%dma_wait3A_12 : memref<632x128xf32, #tpu.memory_space<vmem_shared>>)
      tpu.yield
    }) : () -> ()
    %barrier3A = arith.constant 0 : index
    tpu.barrier barrier_id(%barrier3A)
    %scan3A = arith.constant 0 : i32
    %scan3A_1 = arith.constant 0 : i32
    %scan3A_2 = arith.constant 79 : i32
    %scan3A_3 = arith.addi %scan3A_1, %scan3A_2 : i32
    %scan3A_4 = arith.constant 1 : i32
    scf.for %scan3A_11 = %scan3A_1 to %scan3A_3 step %scan3A_4  : i32 {
      %dma_start3A = arith.constant 0 : i32
      %dma_start3A_12 = tpu.memref_slice %arg7[%scan3A_11, %dma_start3A] : memref<79x128xi32, #tpu.memory_space<vmem>> -> memref<1x128xi32, #tpu.memory_space<vmem>>
      %dma_start3A_13 = tpu.memref_squeeze %dma_start3A_12 : memref<1x128xi32, #tpu.memory_space<vmem>> -> memref<128xi32, #tpu.memory_space<vmem>>
      %dma_start3A_14 = arith.constant 0 : i32
      %dma_start3A_15 = arith.constant 0 : i32
      %dma_start3A_16 = tpu.memref_slice %arg2[%dma_start3A_14, %dma_start3A_15] : memref<20000x128xf32, #tpu.memory_space<hbm>> -> memref<20000x128xf32, #tpu.memory_space<hbm>>
      tpu.enqueue_indirect_dma source(%dma_start3A_16 : memref<20000x128xf32, #tpu.memory_space<hbm>>) target(%arg9 : memref<128x128xf32, #tpu.memory_space<vmem>>) offsets(%dma_start3A_13 : memref<128xi32, #tpu.memory_space<vmem>>) semaphore(%arg11 : memref<!tpu.dma_semaphore, #tpu.memory_space<semaphore_mem>>)
      %dma_wait3A = arith.constant 0 : i32
      %dma_wait3A_17 = tpu.memref_slice %arg7[%scan3A_11, %dma_wait3A] : memref<79x128xi32, #tpu.memory_space<vmem>> -> memref<1x128xi32, #tpu.memory_space<vmem>>
      %dma_wait3A_18 = tpu.memref_squeeze %dma_wait3A_17 : memref<1x128xi32, #tpu.memory_space<vmem>> -> memref<128xi32, #tpu.memory_space<vmem>>
      %dma_wait3A_19 = arith.constant 0 : i32
      %dma_wait3A_20 = arith.constant 0 : i32
      %dma_wait3A_21 = tpu.memref_slice %arg2[%dma_wait3A_19, %dma_wait3A_20] : memref<20000x128xf32, #tpu.memory_space<hbm>> -> memref<20000x128xf32, #tpu.memory_space<hbm>>
      tpu.wait_indirect_dma semaphore(%arg11 : memref<!tpu.dma_semaphore, #tpu.memory_space<semaphore_mem>>) src(%dma_wait3A_21 : memref<20000x128xf32, #tpu.memory_space<hbm>>) dst(%arg9 : memref<128x128xf32, #tpu.memory_space<vmem>>)
      "tpu.region"() ({
        %run_scoped3A = tpu.sem_alloc : memref<!tpu.dma_semaphore, #tpu.memory_space<semaphore_mem>>
        %dma_start3A_22 = arith.constant 0 : i32
        %dma_start3A_23 = tpu.memref_slice %arg8[%scan3A_11, %dma_start3A_22] : memref<79x128xi32, #tpu.memory_space<vmem>> -> memref<1x128xi32, #tpu.memory_space<vmem>>
        %dma_start3A_24 = tpu.memref_squeeze %dma_start3A_23 : memref<1x128xi32, #tpu.memory_space<vmem>> -> memref<128xi32, #tpu.memory_space<vmem>>
        %dma_start3A_25 = arith.constant 0 : i32
        %dma_start3A_26 = arith.constant 0 : i32
        %dma_start3A_27 = tpu.memref_slice %arg10[%dma_start3A_25, %dma_start3A_26] : memref<10112x128xf32, #tpu.memory_space<vmem_shared>> -> memref<10112x128xf32, #tpu.memory_space<vmem_shared>>
        tpu.enqueue_indirect_dma source(%arg9 : memref<128x128xf32, #tpu.memory_space<vmem>>) target(%dma_start3A_27 : memref<10112x128xf32, #tpu.memory_space<vmem_shared>>) offsets(%dma_start3A_24 : memref<128xi32, #tpu.memory_space<vmem>>) semaphore(%run_scoped3A : memref<!tpu.dma_semaphore, #tpu.memory_space<semaphore_mem>>) {add = true}
        %dma_wait3A_28 = arith.constant 0 : i32
        %dma_wait3A_29 = tpu.memref_slice %arg8[%scan3A_11, %dma_wait3A_28] : memref<79x128xi32, #tpu.memory_space<vmem>> -> memref<1x128xi32, #tpu.memory_space<vmem>>
        %dma_wait3A_30 = tpu.memref_squeeze %dma_wait3A_29 : memref<1x128xi32, #tpu.memory_space<vmem>> -> memref<128xi32, #tpu.memory_space<vmem>>
        %dma_wait3A_31 = arith.constant 0 : i32
        %dma_wait3A_32 = arith.constant 0 : i32
        %dma_wait3A_33 = tpu.memref_slice %arg10[%dma_wait3A_31, %dma_wait3A_32] : memref<10112x128xf32, #tpu.memory_space<vmem_shared>> -> memref<10112x128xf32, #tpu.memory_space<vmem_shared>>
        tpu.wait_indirect_dma semaphore(%run_scoped3A : memref<!tpu.dma_semaphore, #tpu.memory_space<semaphore_mem>>) src(%arg9 : memref<128x128xf32, #tpu.memory_space<vmem>>) dst(%dma_wait3A_33 : memref<10112x128xf32, #tpu.memory_space<vmem_shared>>)
        tpu.yield
      }) : () -> ()
    }
    %scan3A_5 = arith.constant 79 : i32
    %barrier3A_6 = arith.constant 0 : index
    tpu.barrier barrier_id(%barrier3A_6)
    %mul3A_7 = arith.constant 632 : i32
    %mul3A_8 = arith.muli %arg1, %mul3A_7 : i32
    %mul3A_9 = arith.constant 632 : i32
    %mul3A_10 = arith.muli %arg1, %mul3A_9 : i32
    "tpu.region"() ({
      %run_scoped3A = tpu.sem_alloc : memref<!tpu.dma_semaphore, #tpu.memory_space<semaphore_mem>>
      %dma_start3A = arith.constant 0 : i32
      %dma_start3A_11 = tpu.memref_slice %arg6[%arg0, %mul3A_10, %dma_start3A] : memref<2x10112x128xf32, #tpu.memory_space<hbm>> -> memref<1x632x128xf32, #tpu.memory_space<hbm>>
      %dma_start3A_12 = tpu.memref_squeeze %dma_start3A_11 : memref<1x632x128xf32, #tpu.memory_space<hbm>> -> memref<632x128xf32, #tpu.memory_space<hbm>>
      %dma_start3A_13 = arith.constant 0 : i32
      %dma_start3A_14 = tpu.memref_slice %arg10[%mul3A_8, %dma_start3A_13] : memref<10112x128xf32, #tpu.memory_space<vmem_shared>> -> memref<632x128xf32, #tpu.memory_space<vmem_shared>>
      tpu.enqueue_dma source(%dma_start3A_14 : memref<632x128xf32, #tpu.memory_space<vmem_shared>>) target(%dma_start3A_12 : memref<632x128xf32, #tpu.memory_space<hbm>>) target_semaphore(%run_scoped3A : memref<!tpu.dma_semaphore, #tpu.memory_space<semaphore_mem>>)
      %dma_wait3A = arith.constant 0 : i32
      %dma_wait3A_15 = tpu.memref_slice %arg6[%arg0, %mul3A_10, %dma_wait3A] : memref<2x10112x128xf32, #tpu.memory_space<hbm>> -> memref<1x632x128xf32, #tpu.memory_space<hbm>>
      %dma_wait3A_16 = tpu.memref_squeeze %dma_wait3A_15 : memref<1x632x128xf32, #tpu.memory_space<hbm>> -> memref<632x128xf32, #tpu.memory_space<hbm>>
      %dma_wait3A_17 = arith.constant 0 : i32
      %dma_wait3A_18 = tpu.memref_slice %arg10[%mul3A_8, %dma_wait3A_17] : memref<10112x128xf32, #tpu.memory_space<vmem_shared>> -> memref<632x128xf32, #tpu.memory_space<vmem_shared>>
      tpu.wait_dma2 semaphore(%run_scoped3A : memref<!tpu.dma_semaphore, #tpu.memory_space<semaphore_mem>>) src(%dma_wait3A_18 : memref<632x128xf32, #tpu.memory_space<vmem_shared>>) dst(%dma_wait3A_16 : memref<632x128xf32, #tpu.memory_space<hbm>>)
      tpu.yield
    }) : () -> ()
    return
  }
}

#map = affine_map<(d0, d1) -> (0, 0)>
#map1 = affine_map<(d0, d1) -> (0, 0, 0, 0)>
#map2 = affine_map<(d0, d1) -> (0, 0, 0)>
module attributes {stable_mosaic.version = 14 : i64} {
  func.func @seg_sum(%arg0: i32, %arg1: i32, %arg2: memref<20000x128xf32, #tpu.memory_space<hbm>>, %arg3: memref<2x16x79x128xi32, #tpu.memory_space<hbm>>, %arg4: memref<16x79x128xi32, #tpu.memory_space<hbm>>, %arg5: memref<632x128xf32, #tpu.memory_space<hbm>>, %arg6: memref<2x10112x128xf32, #tpu.memory_space<hbm>>, %arg7: memref<79x128xi32, #tpu.memory_space<vmem>>, %arg8: memref<79x128xi32, #tpu.memory_space<vmem>>, %arg9: memref<128x128xf32, #tpu.memory_space<vmem>>, %arg10: memref<10112x128xf32, #tpu.memory_space<vmem_shared>>, %arg11: memref<!tpu.dma_semaphore, #tpu.memory_space<semaphore_mem>>) attributes {dimension_semantics = [#tpu.dimension_semantics<core_parallel>, #tpu.dimension_semantics<subcore_parallel>], iteration_bounds = array<i64: 2, 16>, scalar_prefetch = 0 : i64, scratch_operands = 5 : i64, tpu.core_type = #tpu.core_type<sc_vector_subcore>, window_params = [{transform_indices = #map}, {transform_indices = #map1}, {transform_indices = #map2}, {transform_indices = #map}, {transform_indices = #map2}]} {
    "tpu.region"() ({
      %run_scoped3A = tpu.sem_alloc : memref<!tpu.dma_semaphore, #tpu.memory_space<semaphore_mem>>
      %dma_start3A = arith.constant 0 : i32
      %dma_start3A_11 = arith.constant 0 : i32
      %dma_start3A_12 = tpu.memref_slice %arg3[%arg0, %arg1, %dma_start3A, %dma_start3A_11] : memref<2x16x79x128xi32, #tpu.memory_space<hbm>> -> memref<1x1x79x128xi32, #tpu.memory_space<hbm>>
      %dma_start3A_13 = tpu.memref_squeeze %dma_start3A_12 : memref<1x1x79x128xi32, #tpu.memory_space<hbm>> -> memref<79x128xi32, #tpu.memory_space<hbm>>
      %dma_start3A_14 = arith.constant 0 : i32
      %dma_start3A_15 = arith.constant 0 : i32
      %dma_start3A_16 = tpu.memref_slice %arg3[%arg0, %arg1, %dma_start3A_14, %dma_start3A_15] : memref<2x16x79x128xi32, #tpu.memory_space<hbm>> -> memref<1x1x79x128xi32, #tpu.memory_space<hbm>>
      %dma_start3A_17 = tpu.memref_squeeze %dma_start3A_16 : memref<1x1x79x128xi32, #tpu.memory_space<hbm>> -> memref<79x128xi32, #tpu.memory_space<hbm>>
      tpu.enqueue_dma source(%dma_start3A_17 : memref<79x128xi32, #tpu.memory_space<hbm>>) target(%arg7 : memref<79x128xi32, #tpu.memory_space<vmem>>) target_semaphore(%run_scoped3A : memref<!tpu.dma_semaphore, #tpu.memory_space<semaphore_mem>>)
      %dma_wait3A = arith.constant 0 : i32
      %dma_wait3A_18 = arith.constant 0 : i32
      %dma_wait3A_19 = tpu.memref_slice %arg3[%arg0, %arg1, %dma_wait3A, %dma_wait3A_18] : memref<2x16x79x128xi32, #tpu.memory_space<hbm>> -> memref<1x1x79x128xi32, #tpu.memory_space<hbm>>
      %dma_wait3A_20 = tpu.memref_squeeze %dma_wait3A_19 : memref<1x1x79x128xi32, #tpu.memory_space<hbm>> -> memref<79x128xi32, #tpu.memory_space<hbm>>
      %dma_wait3A_21 = arith.constant 0 : i32
      %dma_wait3A_22 = arith.constant 0 : i32
      %dma_wait3A_23 = tpu.memref_slice %arg3[%arg0, %arg1, %dma_wait3A_21, %dma_wait3A_22] : memref<2x16x79x128xi32, #tpu.memory_space<hbm>> -> memref<1x1x79x128xi32, #tpu.memory_space<hbm>>
      %dma_wait3A_24 = tpu.memref_squeeze %dma_wait3A_23 : memref<1x1x79x128xi32, #tpu.memory_space<hbm>> -> memref<79x128xi32, #tpu.memory_space<hbm>>
      tpu.wait_dma2 semaphore(%run_scoped3A : memref<!tpu.dma_semaphore, #tpu.memory_space<semaphore_mem>>) src(%dma_wait3A_24 : memref<79x128xi32, #tpu.memory_space<hbm>>) dst(%arg7 : memref<79x128xi32, #tpu.memory_space<vmem>>)
      tpu.yield
    }) : () -> ()
    "tpu.region"() ({
      %run_scoped3A = tpu.sem_alloc : memref<!tpu.dma_semaphore, #tpu.memory_space<semaphore_mem>>
      %dma_start3A = arith.constant 0 : i32
      %dma_start3A_11 = arith.constant 0 : i32
      %dma_start3A_12 = tpu.memref_slice %arg4[%arg1, %dma_start3A, %dma_start3A_11] : memref<16x79x128xi32, #tpu.memory_space<hbm>> -> memref<1x79x128xi32, #tpu.memory_space<hbm>>
      %dma_start3A_13 = tpu.memref_squeeze %dma_start3A_12 : memref<1x79x128xi32, #tpu.memory_space<hbm>> -> memref<79x128xi32, #tpu.memory_space<hbm>>
      %dma_start3A_14 = arith.constant 0 : i32
      %dma_start3A_15 = arith.constant 0 : i32
      %dma_start3A_16 = tpu.memref_slice %arg4[%arg1, %dma_start3A_14, %dma_start3A_15] : memref<16x79x128xi32, #tpu.memory_space<hbm>> -> memref<1x79x128xi32, #tpu.memory_space<hbm>>
      %dma_start3A_17 = tpu.memref_squeeze %dma_start3A_16 : memref<1x79x128xi32, #tpu.memory_space<hbm>> -> memref<79x128xi32, #tpu.memory_space<hbm>>
      tpu.enqueue_dma source(%dma_start3A_17 : memref<79x128xi32, #tpu.memory_space<hbm>>) target(%arg8 : memref<79x128xi32, #tpu.memory_space<vmem>>) target_semaphore(%run_scoped3A : memref<!tpu.dma_semaphore, #tpu.memory_space<semaphore_mem>>)
      %dma_wait3A = arith.constant 0 : i32
      %dma_wait3A_18 = arith.constant 0 : i32
      %dma_wait3A_19 = tpu.memref_slice %arg4[%arg1, %dma_wait3A, %dma_wait3A_18] : memref<16x79x128xi32, #tpu.memory_space<hbm>> -> memref<1x79x128xi32, #tpu.memory_space<hbm>>
      %dma_wait3A_20 = tpu.memref_squeeze %dma_wait3A_19 : memref<1x79x128xi32, #tpu.memory_space<hbm>> -> memref<79x128xi32, #tpu.memory_space<hbm>>
      %dma_wait3A_21 = arith.constant 0 : i32
      %dma_wait3A_22 = arith.constant 0 : i32
      %dma_wait3A_23 = tpu.memref_slice %arg4[%arg1, %dma_wait3A_21, %dma_wait3A_22] : memref<16x79x128xi32, #tpu.memory_space<hbm>> -> memref<1x79x128xi32, #tpu.memory_space<hbm>>
      %dma_wait3A_24 = tpu.memref_squeeze %dma_wait3A_23 : memref<1x79x128xi32, #tpu.memory_space<hbm>> -> memref<79x128xi32, #tpu.memory_space<hbm>>
      tpu.wait_dma2 semaphore(%run_scoped3A : memref<!tpu.dma_semaphore, #tpu.memory_space<semaphore_mem>>) src(%dma_wait3A_24 : memref<79x128xi32, #tpu.memory_space<hbm>>) dst(%arg8 : memref<79x128xi32, #tpu.memory_space<vmem>>)
      tpu.yield
    }) : () -> ()
    %mul3A = arith.constant 632 : i32
    %mul3A_0 = arith.muli %arg1, %mul3A : i32
    "tpu.region"() ({
      %run_scoped3A = tpu.sem_alloc : memref<!tpu.dma_semaphore, #tpu.memory_space<semaphore_mem>>
      %dma_start3A = arith.constant 0 : i32
      %dma_start3A_11 = tpu.memref_slice %arg10[%mul3A_0, %dma_start3A] : memref<10112x128xf32, #tpu.memory_space<vmem_shared>> -> memref<632x128xf32, #tpu.memory_space<vmem_shared>>
      tpu.enqueue_dma source(%arg5 : memref<632x128xf32, #tpu.memory_space<hbm>>) target(%dma_start3A_11 : memref<632x128xf32, #tpu.memory_space<vmem_shared>>) target_semaphore(%run_scoped3A : memref<!tpu.dma_semaphore, #tpu.memory_space<semaphore_mem>>)
      %dma_wait3A = arith.constant 0 : i32
      %dma_wait3A_12 = tpu.memref_slice %arg10[%mul3A_0, %dma_wait3A] : memref<10112x128xf32, #tpu.memory_space<vmem_shared>> -> memref<632x128xf32, #tpu.memory_space<vmem_shared>>
      tpu.wait_dma2 semaphore(%run_scoped3A : memref<!tpu.dma_semaphore, #tpu.memory_space<semaphore_mem>>) src(%arg5 : memref<632x128xf32, #tpu.memory_space<hbm>>) dst(%dma_wait3A_12 : memref<632x128xf32, #tpu.memory_space<vmem_shared>>)
      tpu.yield
    }) : () -> ()
    %barrier3A = arith.constant 0 : index
    tpu.barrier barrier_id(%barrier3A)
    %scan3A = arith.constant 0 : i32
    %scan3A_1 = arith.constant 0 : i32
    %scan3A_2 = arith.constant 79 : i32
    %scan3A_3 = arith.addi %scan3A_1, %scan3A_2 : i32
    %scan3A_4 = arith.constant 1 : i32
    scf.for %scan3A_11 = %scan3A_1 to %scan3A_3 step %scan3A_4  : i32 {
      %dma_start3A = arith.constant 0 : i32
      %dma_start3A_12 = tpu.memref_slice %arg7[%scan3A_11, %dma_start3A] : memref<79x128xi32, #tpu.memory_space<vmem>> -> memref<1x128xi32, #tpu.memory_space<vmem>>
      %dma_start3A_13 = tpu.memref_squeeze %dma_start3A_12 : memref<1x128xi32, #tpu.memory_space<vmem>> -> memref<128xi32, #tpu.memory_space<vmem>>
      %dma_start3A_14 = arith.constant 0 : i32
      %dma_start3A_15 = arith.constant 0 : i32
      %dma_start3A_16 = tpu.memref_slice %arg2[%dma_start3A_14, %dma_start3A_15] : memref<20000x128xf32, #tpu.memory_space<hbm>> -> memref<20000x128xf32, #tpu.memory_space<hbm>>
      tpu.enqueue_indirect_dma source(%dma_start3A_16 : memref<20000x128xf32, #tpu.memory_space<hbm>>) target(%arg9 : memref<128x128xf32, #tpu.memory_space<vmem>>) offsets(%dma_start3A_13 : memref<128xi32, #tpu.memory_space<vmem>>) semaphore(%arg11 : memref<!tpu.dma_semaphore, #tpu.memory_space<semaphore_mem>>)
      %dma_wait3A = arith.constant 0 : i32
      %dma_wait3A_17 = tpu.memref_slice %arg7[%scan3A_11, %dma_wait3A] : memref<79x128xi32, #tpu.memory_space<vmem>> -> memref<1x128xi32, #tpu.memory_space<vmem>>
      %dma_wait3A_18 = tpu.memref_squeeze %dma_wait3A_17 : memref<1x128xi32, #tpu.memory_space<vmem>> -> memref<128xi32, #tpu.memory_space<vmem>>
      %dma_wait3A_19 = arith.constant 0 : i32
      %dma_wait3A_20 = arith.constant 0 : i32
      %dma_wait3A_21 = tpu.memref_slice %arg2[%dma_wait3A_19, %dma_wait3A_20] : memref<20000x128xf32, #tpu.memory_space<hbm>> -> memref<20000x128xf32, #tpu.memory_space<hbm>>
      tpu.wait_indirect_dma semaphore(%arg11 : memref<!tpu.dma_semaphore, #tpu.memory_space<semaphore_mem>>) src(%dma_wait3A_21 : memref<20000x128xf32, #tpu.memory_space<hbm>>) dst(%arg9 : memref<128x128xf32, #tpu.memory_space<vmem>>)
      "tpu.region"() ({
        %run_scoped3A = tpu.sem_alloc : memref<!tpu.dma_semaphore, #tpu.memory_space<semaphore_mem>>
        %dma_start3A_22 = arith.constant 0 : i32
        %dma_start3A_23 = tpu.memref_slice %arg8[%scan3A_11, %dma_start3A_22] : memref<79x128xi32, #tpu.memory_space<vmem>> -> memref<1x128xi32, #tpu.memory_space<vmem>>
        %dma_start3A_24 = tpu.memref_squeeze %dma_start3A_23 : memref<1x128xi32, #tpu.memory_space<vmem>> -> memref<128xi32, #tpu.memory_space<vmem>>
        %dma_start3A_25 = arith.constant 0 : i32
        %dma_start3A_26 = arith.constant 0 : i32
        %dma_start3A_27 = tpu.memref_slice %arg10[%dma_start3A_25, %dma_start3A_26] : memref<10112x128xf32, #tpu.memory_space<vmem_shared>> -> memref<10112x128xf32, #tpu.memory_space<vmem_shared>>
        tpu.enqueue_indirect_dma source(%arg9 : memref<128x128xf32, #tpu.memory_space<vmem>>) target(%dma_start3A_27 : memref<10112x128xf32, #tpu.memory_space<vmem_shared>>) offsets(%dma_start3A_24 : memref<128xi32, #tpu.memory_space<vmem>>) semaphore(%run_scoped3A : memref<!tpu.dma_semaphore, #tpu.memory_space<semaphore_mem>>) {add = true}
        %dma_wait3A_28 = arith.constant 0 : i32
        %dma_wait3A_29 = tpu.memref_slice %arg8[%scan3A_11, %dma_wait3A_28] : memref<79x128xi32, #tpu.memory_space<vmem>> -> memref<1x128xi32, #tpu.memory_space<vmem>>
        %dma_wait3A_30 = tpu.memref_squeeze %dma_wait3A_29 : memref<1x128xi32, #tpu.memory_space<vmem>> -> memref<128xi32, #tpu.memory_space<vmem>>
        %dma_wait3A_31 = arith.constant 0 : i32
        %dma_wait3A_32 = arith.constant 0 : i32
        %dma_wait3A_33 = tpu.memref_slice %arg10[%dma_wait3A_31, %dma_wait3A_32] : memref<10112x128xf32, #tpu.memory_space<vmem_shared>> -> memref<10112x128xf32, #tpu.memory_space<vmem_shared>>
        tpu.wait_indirect_dma semaphore(%run_scoped3A : memref<!tpu.dma_semaphore, #tpu.memory_space<semaphore_mem>>) src(%arg9 : memref<128x128xf32, #tpu.memory_space<vmem>>) dst(%dma_wait3A_33 : memref<10112x128xf32, #tpu.memory_space<vmem_shared>>)
        tpu.yield
      }) : () -> ()
    }
    %scan3A_5 = arith.constant 79 : i32
    %barrier3A_6 = arith.constant 0 : index
    tpu.barrier barrier_id(%barrier3A_6)
    %mul3A_7 = arith.constant 632 : i32
    %mul3A_8 = arith.muli %arg1, %mul3A_7 : i32
    %mul3A_9 = arith.constant 632 : i32
    %mul3A_10 = arith.muli %arg1, %mul3A_9 : i32
    "tpu.region"() ({
      %run_scoped3A = tpu.sem_alloc : memref<!tpu.dma_semaphore, #tpu.memory_space<semaphore_mem>>
      %dma_start3A = arith.constant 0 : i32
      %dma_start3A_11 = tpu.memref_slice %arg6[%arg0, %mul3A_10, %dma_start3A] : memref<2x10112x128xf32, #tpu.memory_space<hbm>> -> memref<1x632x128xf32, #tpu.memory_space<hbm>>
      %dma_start3A_12 = tpu.memref_squeeze %dma_start3A_11 : memref<1x632x128xf32, #tpu.memory_space<hbm>> -> memref<632x128xf32, #tpu.memory_space<hbm>>
      %dma_start3A_13 = arith.constant 0 : i32
      %dma_start3A_14 = tpu.memref_slice %arg10[%mul3A_8, %dma_start3A_13] : memref<10112x128xf32, #tpu.memory_space<vmem_shared>> -> memref<632x128xf32, #tpu.memory_space<vmem_shared>>
      tpu.enqueue_dma source(%dma_start3A_14 : memref<632x128xf32, #tpu.memory_space<vmem_shared>>) target(%dma_start3A_12 : memref<632x128xf32, #tpu.memory_space<hbm>>) target_semaphore(%run_scoped3A : memref<!tpu.dma_semaphore, #tpu.memory_space<semaphore_mem>>)
      %dma_wait3A = arith.constant 0 : i32
      %dma_wait3A_15 = tpu.memref_slice %arg6[%arg0, %mul3A_10, %dma_wait3A] : memref<2x10112x128xf32, #tpu.memory_space<hbm>> -> memref<1x632x128xf32, #tpu.memory_space<hbm>>
      %dma_wait3A_16 = tpu.memref_squeeze %dma_wait3A_15 : memref<1x632x128xf32, #tpu.memory_space<hbm>> -> memref<632x128xf32, #tpu.memory_space<hbm>>
      %dma_wait3A_17 = arith.constant 0 : i32
      %dma_wait3A_18 = tpu.memref_slice %arg10[%mul3A_8, %dma_wait3A_17] : memref<10112x128xf32, #tpu.memory_space<vmem_shared>> -> memref<632x128xf32, #tpu.memory_space<vmem_shared>>
      tpu.wait_dma2 semaphore(%run_scoped3A : memref<!tpu.dma_semaphore, #tpu.memory_space<semaphore_mem>>) src(%dma_wait3A_18 : memref<632x128xf32, #tpu.memory_space<vmem_shared>>) dst(%dma_wait3A_16 : memref<632x128xf32, #tpu.memory_space<hbm>>)
      tpu.yield
    }) : () -> ()
    return
  }
}

#map = affine_map<(d0, d1) -> (0, 0)>
#map1 = affine_map<(d0, d1) -> (0, 0, 0, 0)>
#map2 = affine_map<(d0, d1) -> (0, 0, 0)>
module attributes {stable_mosaic.version = 14 : i64} {
  func.func @seg_sum(%arg0: i32, %arg1: i32, %arg2: memref<20000x128xf32, #tpu.memory_space<hbm>>, %arg3: memref<2x16x79x128xi32, #tpu.memory_space<hbm>>, %arg4: memref<16x79x128xi32, #tpu.memory_space<hbm>>, %arg5: memref<632x128xf32, #tpu.memory_space<hbm>>, %arg6: memref<2x10112x128xf32, #tpu.memory_space<hbm>>, %arg7: memref<79x128xi32, #tpu.memory_space<vmem>>, %arg8: memref<79x128xi32, #tpu.memory_space<vmem>>, %arg9: memref<128x128xf32, #tpu.memory_space<vmem>>, %arg10: memref<10112x128xf32, #tpu.memory_space<vmem_shared>>, %arg11: memref<!tpu.dma_semaphore, #tpu.memory_space<semaphore_mem>>) attributes {dimension_semantics = [#tpu.dimension_semantics<core_parallel>, #tpu.dimension_semantics<subcore_parallel>], iteration_bounds = array<i64: 2, 16>, scalar_prefetch = 0 : i64, scratch_operands = 5 : i64, tpu.core_type = #tpu.core_type<sc_vector_subcore>, window_params = [{transform_indices = #map}, {transform_indices = #map1}, {transform_indices = #map2}, {transform_indices = #map}, {transform_indices = #map2}]} {
    "tpu.region"() ({
      %run_scoped3A = tpu.sem_alloc : memref<!tpu.dma_semaphore, #tpu.memory_space<semaphore_mem>>
      %dma_start3A = arith.constant 0 : i32
      %dma_start3A_11 = arith.constant 0 : i32
      %dma_start3A_12 = tpu.memref_slice %arg3[%arg0, %arg1, %dma_start3A, %dma_start3A_11] : memref<2x16x79x128xi32, #tpu.memory_space<hbm>> -> memref<1x1x79x128xi32, #tpu.memory_space<hbm>>
      %dma_start3A_13 = tpu.memref_squeeze %dma_start3A_12 : memref<1x1x79x128xi32, #tpu.memory_space<hbm>> -> memref<79x128xi32, #tpu.memory_space<hbm>>
      %dma_start3A_14 = arith.constant 0 : i32
      %dma_start3A_15 = arith.constant 0 : i32
      %dma_start3A_16 = tpu.memref_slice %arg3[%arg0, %arg1, %dma_start3A_14, %dma_start3A_15] : memref<2x16x79x128xi32, #tpu.memory_space<hbm>> -> memref<1x1x79x128xi32, #tpu.memory_space<hbm>>
      %dma_start3A_17 = tpu.memref_squeeze %dma_start3A_16 : memref<1x1x79x128xi32, #tpu.memory_space<hbm>> -> memref<79x128xi32, #tpu.memory_space<hbm>>
      tpu.enqueue_dma source(%dma_start3A_17 : memref<79x128xi32, #tpu.memory_space<hbm>>) target(%arg7 : memref<79x128xi32, #tpu.memory_space<vmem>>) target_semaphore(%run_scoped3A : memref<!tpu.dma_semaphore, #tpu.memory_space<semaphore_mem>>)
      %dma_wait3A = arith.constant 0 : i32
      %dma_wait3A_18 = arith.constant 0 : i32
      %dma_wait3A_19 = tpu.memref_slice %arg3[%arg0, %arg1, %dma_wait3A, %dma_wait3A_18] : memref<2x16x79x128xi32, #tpu.memory_space<hbm>> -> memref<1x1x79x128xi32, #tpu.memory_space<hbm>>
      %dma_wait3A_20 = tpu.memref_squeeze %dma_wait3A_19 : memref<1x1x79x128xi32, #tpu.memory_space<hbm>> -> memref<79x128xi32, #tpu.memory_space<hbm>>
      %dma_wait3A_21 = arith.constant 0 : i32
      %dma_wait3A_22 = arith.constant 0 : i32
      %dma_wait3A_23 = tpu.memref_slice %arg3[%arg0, %arg1, %dma_wait3A_21, %dma_wait3A_22] : memref<2x16x79x128xi32, #tpu.memory_space<hbm>> -> memref<1x1x79x128xi32, #tpu.memory_space<hbm>>
      %dma_wait3A_24 = tpu.memref_squeeze %dma_wait3A_23 : memref<1x1x79x128xi32, #tpu.memory_space<hbm>> -> memref<79x128xi32, #tpu.memory_space<hbm>>
      tpu.wait_dma2 semaphore(%run_scoped3A : memref<!tpu.dma_semaphore, #tpu.memory_space<semaphore_mem>>) src(%dma_wait3A_24 : memref<79x128xi32, #tpu.memory_space<hbm>>) dst(%arg7 : memref<79x128xi32, #tpu.memory_space<vmem>>)
      tpu.yield
    }) : () -> ()
    "tpu.region"() ({
      %run_scoped3A = tpu.sem_alloc : memref<!tpu.dma_semaphore, #tpu.memory_space<semaphore_mem>>
      %dma_start3A = arith.constant 0 : i32
      %dma_start3A_11 = arith.constant 0 : i32
      %dma_start3A_12 = tpu.memref_slice %arg4[%arg1, %dma_start3A, %dma_start3A_11] : memref<16x79x128xi32, #tpu.memory_space<hbm>> -> memref<1x79x128xi32, #tpu.memory_space<hbm>>
      %dma_start3A_13 = tpu.memref_squeeze %dma_start3A_12 : memref<1x79x128xi32, #tpu.memory_space<hbm>> -> memref<79x128xi32, #tpu.memory_space<hbm>>
      %dma_start3A_14 = arith.constant 0 : i32
      %dma_start3A_15 = arith.constant 0 : i32
      %dma_start3A_16 = tpu.memref_slice %arg4[%arg1, %dma_start3A_14, %dma_start3A_15] : memref<16x79x128xi32, #tpu.memory_space<hbm>> -> memref<1x79x128xi32, #tpu.memory_space<hbm>>
      %dma_start3A_17 = tpu.memref_squeeze %dma_start3A_16 : memref<1x79x128xi32, #tpu.memory_space<hbm>> -> memref<79x128xi32, #tpu.memory_space<hbm>>
      tpu.enqueue_dma source(%dma_start3A_17 : memref<79x128xi32, #tpu.memory_space<hbm>>) target(%arg8 : memref<79x128xi32, #tpu.memory_space<vmem>>) target_semaphore(%run_scoped3A : memref<!tpu.dma_semaphore, #tpu.memory_space<semaphore_mem>>)
      %dma_wait3A = arith.constant 0 : i32
      %dma_wait3A_18 = arith.constant 0 : i32
      %dma_wait3A_19 = tpu.memref_slice %arg4[%arg1, %dma_wait3A, %dma_wait3A_18] : memref<16x79x128xi32, #tpu.memory_space<hbm>> -> memref<1x79x128xi32, #tpu.memory_space<hbm>>
      %dma_wait3A_20 = tpu.memref_squeeze %dma_wait3A_19 : memref<1x79x128xi32, #tpu.memory_space<hbm>> -> memref<79x128xi32, #tpu.memory_space<hbm>>
      %dma_wait3A_21 = arith.constant 0 : i32
      %dma_wait3A_22 = arith.constant 0 : i32
      %dma_wait3A_23 = tpu.memref_slice %arg4[%arg1, %dma_wait3A_21, %dma_wait3A_22] : memref<16x79x128xi32, #tpu.memory_space<hbm>> -> memref<1x79x128xi32, #tpu.memory_space<hbm>>
      %dma_wait3A_24 = tpu.memref_squeeze %dma_wait3A_23 : memref<1x79x128xi32, #tpu.memory_space<hbm>> -> memref<79x128xi32, #tpu.memory_space<hbm>>
      tpu.wait_dma2 semaphore(%run_scoped3A : memref<!tpu.dma_semaphore, #tpu.memory_space<semaphore_mem>>) src(%dma_wait3A_24 : memref<79x128xi32, #tpu.memory_space<hbm>>) dst(%arg8 : memref<79x128xi32, #tpu.memory_space<vmem>>)
      tpu.yield
    }) : () -> ()
    %mul3A = arith.constant 632 : i32
    %mul3A_0 = arith.muli %arg1, %mul3A : i32
    "tpu.region"() ({
      %run_scoped3A = tpu.sem_alloc : memref<!tpu.dma_semaphore, #tpu.memory_space<semaphore_mem>>
      %dma_start3A = arith.constant 0 : i32
      %dma_start3A_11 = tpu.memref_slice %arg10[%mul3A_0, %dma_start3A] : memref<10112x128xf32, #tpu.memory_space<vmem_shared>> -> memref<632x128xf32, #tpu.memory_space<vmem_shared>>
      tpu.enqueue_dma source(%arg5 : memref<632x128xf32, #tpu.memory_space<hbm>>) target(%dma_start3A_11 : memref<632x128xf32, #tpu.memory_space<vmem_shared>>) target_semaphore(%run_scoped3A : memref<!tpu.dma_semaphore, #tpu.memory_space<semaphore_mem>>)
      %dma_wait3A = arith.constant 0 : i32
      %dma_wait3A_12 = tpu.memref_slice %arg10[%mul3A_0, %dma_wait3A] : memref<10112x128xf32, #tpu.memory_space<vmem_shared>> -> memref<632x128xf32, #tpu.memory_space<vmem_shared>>
      tpu.wait_dma2 semaphore(%run_scoped3A : memref<!tpu.dma_semaphore, #tpu.memory_space<semaphore_mem>>) src(%arg5 : memref<632x128xf32, #tpu.memory_space<hbm>>) dst(%dma_wait3A_12 : memref<632x128xf32, #tpu.memory_space<vmem_shared>>)
      tpu.yield
    }) : () -> ()
    %barrier3A = arith.constant 0 : index
    tpu.barrier barrier_id(%barrier3A)
    %scan3A = arith.constant 0 : i32
    %scan3A_1 = arith.constant 0 : i32
    %scan3A_2 = arith.constant 79 : i32
    %scan3A_3 = arith.addi %scan3A_1, %scan3A_2 : i32
    %scan3A_4 = arith.constant 1 : i32
    scf.for %scan3A_11 = %scan3A_1 to %scan3A_3 step %scan3A_4  : i32 {
      %dma_start3A = arith.constant 0 : i32
      %dma_start3A_12 = tpu.memref_slice %arg7[%scan3A_11, %dma_start3A] : memref<79x128xi32, #tpu.memory_space<vmem>> -> memref<1x128xi32, #tpu.memory_space<vmem>>
      %dma_start3A_13 = tpu.memref_squeeze %dma_start3A_12 : memref<1x128xi32, #tpu.memory_space<vmem>> -> memref<128xi32, #tpu.memory_space<vmem>>
      %dma_start3A_14 = arith.constant 0 : i32
      %dma_start3A_15 = arith.constant 0 : i32
      %dma_start3A_16 = tpu.memref_slice %arg2[%dma_start3A_14, %dma_start3A_15] : memref<20000x128xf32, #tpu.memory_space<hbm>> -> memref<20000x128xf32, #tpu.memory_space<hbm>>
      tpu.enqueue_indirect_dma source(%dma_start3A_16 : memref<20000x128xf32, #tpu.memory_space<hbm>>) target(%arg9 : memref<128x128xf32, #tpu.memory_space<vmem>>) offsets(%dma_start3A_13 : memref<128xi32, #tpu.memory_space<vmem>>) semaphore(%arg11 : memref<!tpu.dma_semaphore, #tpu.memory_space<semaphore_mem>>)
      %dma_wait3A = arith.constant 0 : i32
      %dma_wait3A_17 = tpu.memref_slice %arg7[%scan3A_11, %dma_wait3A] : memref<79x128xi32, #tpu.memory_space<vmem>> -> memref<1x128xi32, #tpu.memory_space<vmem>>
      %dma_wait3A_18 = tpu.memref_squeeze %dma_wait3A_17 : memref<1x128xi32, #tpu.memory_space<vmem>> -> memref<128xi32, #tpu.memory_space<vmem>>
      %dma_wait3A_19 = arith.constant 0 : i32
      %dma_wait3A_20 = arith.constant 0 : i32
      %dma_wait3A_21 = tpu.memref_slice %arg2[%dma_wait3A_19, %dma_wait3A_20] : memref<20000x128xf32, #tpu.memory_space<hbm>> -> memref<20000x128xf32, #tpu.memory_space<hbm>>
      tpu.wait_indirect_dma semaphore(%arg11 : memref<!tpu.dma_semaphore, #tpu.memory_space<semaphore_mem>>) src(%dma_wait3A_21 : memref<20000x128xf32, #tpu.memory_space<hbm>>) dst(%arg9 : memref<128x128xf32, #tpu.memory_space<vmem>>)
      "tpu.region"() ({
        %run_scoped3A = tpu.sem_alloc : memref<!tpu.dma_semaphore, #tpu.memory_space<semaphore_mem>>
        %dma_start3A_22 = arith.constant 0 : i32
        %dma_start3A_23 = tpu.memref_slice %arg8[%scan3A_11, %dma_start3A_22] : memref<79x128xi32, #tpu.memory_space<vmem>> -> memref<1x128xi32, #tpu.memory_space<vmem>>
        %dma_start3A_24 = tpu.memref_squeeze %dma_start3A_23 : memref<1x128xi32, #tpu.memory_space<vmem>> -> memref<128xi32, #tpu.memory_space<vmem>>
        %dma_start3A_25 = arith.constant 0 : i32
        %dma_start3A_26 = arith.constant 0 : i32
        %dma_start3A_27 = tpu.memref_slice %arg10[%dma_start3A_25, %dma_start3A_26] : memref<10112x128xf32, #tpu.memory_space<vmem_shared>> -> memref<10112x128xf32, #tpu.memory_space<vmem_shared>>
        tpu.enqueue_indirect_dma source(%arg9 : memref<128x128xf32, #tpu.memory_space<vmem>>) target(%dma_start3A_27 : memref<10112x128xf32, #tpu.memory_space<vmem_shared>>) offsets(%dma_start3A_24 : memref<128xi32, #tpu.memory_space<vmem>>) semaphore(%run_scoped3A : memref<!tpu.dma_semaphore, #tpu.memory_space<semaphore_mem>>) {add = true}
        %dma_wait3A_28 = arith.constant 0 : i32
        %dma_wait3A_29 = tpu.memref_slice %arg8[%scan3A_11, %dma_wait3A_28] : memref<79x128xi32, #tpu.memory_space<vmem>> -> memref<1x128xi32, #tpu.memory_space<vmem>>
        %dma_wait3A_30 = tpu.memref_squeeze %dma_wait3A_29 : memref<1x128xi32, #tpu.memory_space<vmem>> -> memref<128xi32, #tpu.memory_space<vmem>>
        %dma_wait3A_31 = arith.constant 0 : i32
        %dma_wait3A_32 = arith.constant 0 : i32
        %dma_wait3A_33 = tpu.memref_slice %arg10[%dma_wait3A_31, %dma_wait3A_32] : memref<10112x128xf32, #tpu.memory_space<vmem_shared>> -> memref<10112x128xf32, #tpu.memory_space<vmem_shared>>
        tpu.wait_indirect_dma semaphore(%run_scoped3A : memref<!tpu.dma_semaphore, #tpu.memory_space<semaphore_mem>>) src(%arg9 : memref<128x128xf32, #tpu.memory_space<vmem>>) dst(%dma_wait3A_33 : memref<10112x128xf32, #tpu.memory_space<vmem_shared>>)
        tpu.yield
      }) : () -> ()
    }
    %scan3A_5 = arith.constant 79 : i32
    %barrier3A_6 = arith.constant 0 : index
    tpu.barrier barrier_id(%barrier3A_6)
    %mul3A_7 = arith.constant 632 : i32
    %mul3A_8 = arith.muli %arg1, %mul3A_7 : i32
    %mul3A_9 = arith.constant 632 : i32
    %mul3A_10 = arith.muli %arg1, %mul3A_9 : i32
    "tpu.region"() ({
      %run_scoped3A = tpu.sem_alloc : memref<!tpu.dma_semaphore, #tpu.memory_space<semaphore_mem>>
      %dma_start3A = arith.constant 0 : i32
      %dma_start3A_11 = tpu.memref_slice %arg6[%arg0, %mul3A_10, %dma_start3A] : memref<2x10112x128xf32, #tpu.memory_space<hbm>> -> memref<1x632x128xf32, #tpu.memory_space<hbm>>
      %dma_start3A_12 = tpu.memref_squeeze %dma_start3A_11 : memref<1x632x128xf32, #tpu.memory_space<hbm>> -> memref<632x128xf32, #tpu.memory_space<hbm>>
      %dma_start3A_13 = arith.constant 0 : i32
      %dma_start3A_14 = tpu.memref_slice %arg10[%mul3A_8, %dma_start3A_13] : memref<10112x128xf32, #tpu.memory_space<vmem_shared>> -> memref<632x128xf32, #tpu.memory_space<vmem_shared>>
      tpu.enqueue_dma source(%dma_start3A_14 : memref<632x128xf32, #tpu.memory_space<vmem_shared>>) target(%dma_start3A_12 : memref<632x128xf32, #tpu.memory_space<hbm>>) target_semaphore(%run_scoped3A : memref<!tpu.dma_semaphore, #tpu.memory_space<semaphore_mem>>)
      %dma_wait3A = arith.constant 0 : i32
      %dma_wait3A_15 = tpu.memref_slice %arg6[%arg0, %mul3A_10, %dma_wait3A] : memref<2x10112x128xf32, #tpu.memory_space<hbm>> -> memref<1x632x128xf32, #tpu.memory_space<hbm>>
      %dma_wait3A_16 = tpu.memref_squeeze %dma_wait3A_15 : memref<1x632x128xf32, #tpu.memory_space<hbm>> -> memref<632x128xf32, #tpu.memory_space<hbm>>
      %dma_wait3A_17 = arith.constant 0 : i32
      %dma_wait3A_18 = tpu.memref_slice %arg10[%mul3A_8, %dma_wait3A_17] : memref<10112x128xf32, #tpu.memory_space<vmem_shared>> -> memref<632x128xf32, #tpu.memory_space<vmem_shared>>
      tpu.wait_dma2 semaphore(%run_scoped3A : memref<!tpu.dma_semaphore, #tpu.memory_space<semaphore_mem>>) src(%dma_wait3A_18 : memref<632x128xf32, #tpu.memory_space<vmem_shared>>) dst(%dma_wait3A_16 : memref<632x128xf32, #tpu.memory_space<hbm>>)
      tpu.yield
    }) : () -> ()
    return
  }
}

#map = affine_map<(d0, d1) -> (0, 0)>
#map1 = affine_map<(d0, d1) -> (0, 0, 0, 0)>
#map2 = affine_map<(d0, d1) -> (0, 0, 0)>
module attributes {stable_mosaic.version = 14 : i64} {
  func.func @seg_sum(%arg0: i32, %arg1: i32, %arg2: memref<20000x128xf32, #tpu.memory_space<hbm>>, %arg3: memref<2x16x79x128xi32, #tpu.memory_space<hbm>>, %arg4: memref<16x79x128xi32, #tpu.memory_space<hbm>>, %arg5: memref<632x128xf32, #tpu.memory_space<hbm>>, %arg6: memref<2x10112x128xf32, #tpu.memory_space<hbm>>, %arg7: memref<79x128xi32, #tpu.memory_space<vmem>>, %arg8: memref<79x128xi32, #tpu.memory_space<vmem>>, %arg9: memref<128x128xf32, #tpu.memory_space<vmem>>, %arg10: memref<10112x128xf32, #tpu.memory_space<vmem_shared>>, %arg11: memref<!tpu.dma_semaphore, #tpu.memory_space<semaphore_mem>>) attributes {dimension_semantics = [#tpu.dimension_semantics<core_parallel>, #tpu.dimension_semantics<subcore_parallel>], iteration_bounds = array<i64: 2, 16>, scalar_prefetch = 0 : i64, scratch_operands = 5 : i64, tpu.core_type = #tpu.core_type<sc_vector_subcore>, window_params = [{transform_indices = #map}, {transform_indices = #map1}, {transform_indices = #map2}, {transform_indices = #map}, {transform_indices = #map2}]} {
    "tpu.region"() ({
      %run_scoped3A = tpu.sem_alloc : memref<!tpu.dma_semaphore, #tpu.memory_space<semaphore_mem>>
      %dma_start3A = arith.constant 0 : i32
      %dma_start3A_11 = arith.constant 0 : i32
      %dma_start3A_12 = tpu.memref_slice %arg3[%arg0, %arg1, %dma_start3A, %dma_start3A_11] : memref<2x16x79x128xi32, #tpu.memory_space<hbm>> -> memref<1x1x79x128xi32, #tpu.memory_space<hbm>>
      %dma_start3A_13 = tpu.memref_squeeze %dma_start3A_12 : memref<1x1x79x128xi32, #tpu.memory_space<hbm>> -> memref<79x128xi32, #tpu.memory_space<hbm>>
      %dma_start3A_14 = arith.constant 0 : i32
      %dma_start3A_15 = arith.constant 0 : i32
      %dma_start3A_16 = tpu.memref_slice %arg3[%arg0, %arg1, %dma_start3A_14, %dma_start3A_15] : memref<2x16x79x128xi32, #tpu.memory_space<hbm>> -> memref<1x1x79x128xi32, #tpu.memory_space<hbm>>
      %dma_start3A_17 = tpu.memref_squeeze %dma_start3A_16 : memref<1x1x79x128xi32, #tpu.memory_space<hbm>> -> memref<79x128xi32, #tpu.memory_space<hbm>>
      tpu.enqueue_dma source(%dma_start3A_17 : memref<79x128xi32, #tpu.memory_space<hbm>>) target(%arg7 : memref<79x128xi32, #tpu.memory_space<vmem>>) target_semaphore(%run_scoped3A : memref<!tpu.dma_semaphore, #tpu.memory_space<semaphore_mem>>)
      %dma_wait3A = arith.constant 0 : i32
      %dma_wait3A_18 = arith.constant 0 : i32
      %dma_wait3A_19 = tpu.memref_slice %arg3[%arg0, %arg1, %dma_wait3A, %dma_wait3A_18] : memref<2x16x79x128xi32, #tpu.memory_space<hbm>> -> memref<1x1x79x128xi32, #tpu.memory_space<hbm>>
      %dma_wait3A_20 = tpu.memref_squeeze %dma_wait3A_19 : memref<1x1x79x128xi32, #tpu.memory_space<hbm>> -> memref<79x128xi32, #tpu.memory_space<hbm>>
      %dma_wait3A_21 = arith.constant 0 : i32
      %dma_wait3A_22 = arith.constant 0 : i32
      %dma_wait3A_23 = tpu.memref_slice %arg3[%arg0, %arg1, %dma_wait3A_21, %dma_wait3A_22] : memref<2x16x79x128xi32, #tpu.memory_space<hbm>> -> memref<1x1x79x128xi32, #tpu.memory_space<hbm>>
      %dma_wait3A_24 = tpu.memref_squeeze %dma_wait3A_23 : memref<1x1x79x128xi32, #tpu.memory_space<hbm>> -> memref<79x128xi32, #tpu.memory_space<hbm>>
      tpu.wait_dma2 semaphore(%run_scoped3A : memref<!tpu.dma_semaphore, #tpu.memory_space<semaphore_mem>>) src(%dma_wait3A_24 : memref<79x128xi32, #tpu.memory_space<hbm>>) dst(%arg7 : memref<79x128xi32, #tpu.memory_space<vmem>>)
      tpu.yield
    }) : () -> ()
    "tpu.region"() ({
      %run_scoped3A = tpu.sem_alloc : memref<!tpu.dma_semaphore, #tpu.memory_space<semaphore_mem>>
      %dma_start3A = arith.constant 0 : i32
      %dma_start3A_11 = arith.constant 0 : i32
      %dma_start3A_12 = tpu.memref_slice %arg4[%arg1, %dma_start3A, %dma_start3A_11] : memref<16x79x128xi32, #tpu.memory_space<hbm>> -> memref<1x79x128xi32, #tpu.memory_space<hbm>>
      %dma_start3A_13 = tpu.memref_squeeze %dma_start3A_12 : memref<1x79x128xi32, #tpu.memory_space<hbm>> -> memref<79x128xi32, #tpu.memory_space<hbm>>
      %dma_start3A_14 = arith.constant 0 : i32
      %dma_start3A_15 = arith.constant 0 : i32
      %dma_start3A_16 = tpu.memref_slice %arg4[%arg1, %dma_start3A_14, %dma_start3A_15] : memref<16x79x128xi32, #tpu.memory_space<hbm>> -> memref<1x79x128xi32, #tpu.memory_space<hbm>>
      %dma_start3A_17 = tpu.memref_squeeze %dma_start3A_16 : memref<1x79x128xi32, #tpu.memory_space<hbm>> -> memref<79x128xi32, #tpu.memory_space<hbm>>
      tpu.enqueue_dma source(%dma_start3A_17 : memref<79x128xi32, #tpu.memory_space<hbm>>) target(%arg8 : memref<79x128xi32, #tpu.memory_space<vmem>>) target_semaphore(%run_scoped3A : memref<!tpu.dma_semaphore, #tpu.memory_space<semaphore_mem>>)
      %dma_wait3A = arith.constant 0 : i32
      %dma_wait3A_18 = arith.constant 0 : i32
      %dma_wait3A_19 = tpu.memref_slice %arg4[%arg1, %dma_wait3A, %dma_wait3A_18] : memref<16x79x128xi32, #tpu.memory_space<hbm>> -> memref<1x79x128xi32, #tpu.memory_space<hbm>>
      %dma_wait3A_20 = tpu.memref_squeeze %dma_wait3A_19 : memref<1x79x128xi32, #tpu.memory_space<hbm>> -> memref<79x128xi32, #tpu.memory_space<hbm>>
      %dma_wait3A_21 = arith.constant 0 : i32
      %dma_wait3A_22 = arith.constant 0 : i32
      %dma_wait3A_23 = tpu.memref_slice %arg4[%arg1, %dma_wait3A_21, %dma_wait3A_22] : memref<16x79x128xi32, #tpu.memory_space<hbm>> -> memref<1x79x128xi32, #tpu.memory_space<hbm>>
      %dma_wait3A_24 = tpu.memref_squeeze %dma_wait3A_23 : memref<1x79x128xi32, #tpu.memory_space<hbm>> -> memref<79x128xi32, #tpu.memory_space<hbm>>
      tpu.wait_dma2 semaphore(%run_scoped3A : memref<!tpu.dma_semaphore, #tpu.memory_space<semaphore_mem>>) src(%dma_wait3A_24 : memref<79x128xi32, #tpu.memory_space<hbm>>) dst(%arg8 : memref<79x128xi32, #tpu.memory_space<vmem>>)
      tpu.yield
    }) : () -> ()
    %mul3A = arith.constant 632 : i32
    %mul3A_0 = arith.muli %arg1, %mul3A : i32
    "tpu.region"() ({
      %run_scoped3A = tpu.sem_alloc : memref<!tpu.dma_semaphore, #tpu.memory_space<semaphore_mem>>
      %dma_start3A = arith.constant 0 : i32
      %dma_start3A_11 = tpu.memref_slice %arg10[%mul3A_0, %dma_start3A] : memref<10112x128xf32, #tpu.memory_space<vmem_shared>> -> memref<632x128xf32, #tpu.memory_space<vmem_shared>>
      tpu.enqueue_dma source(%arg5 : memref<632x128xf32, #tpu.memory_space<hbm>>) target(%dma_start3A_11 : memref<632x128xf32, #tpu.memory_space<vmem_shared>>) target_semaphore(%run_scoped3A : memref<!tpu.dma_semaphore, #tpu.memory_space<semaphore_mem>>)
      %dma_wait3A = arith.constant 0 : i32
      %dma_wait3A_12 = tpu.memref_slice %arg10[%mul3A_0, %dma_wait3A] : memref<10112x128xf32, #tpu.memory_space<vmem_shared>> -> memref<632x128xf32, #tpu.memory_space<vmem_shared>>
      tpu.wait_dma2 semaphore(%run_scoped3A : memref<!tpu.dma_semaphore, #tpu.memory_space<semaphore_mem>>) src(%arg5 : memref<632x128xf32, #tpu.memory_space<hbm>>) dst(%dma_wait3A_12 : memref<632x128xf32, #tpu.memory_space<vmem_shared>>)
      tpu.yield
    }) : () -> ()
    %barrier3A = arith.constant 0 : index
    tpu.barrier barrier_id(%barrier3A)
    %scan3A = arith.constant 0 : i32
    %scan3A_1 = arith.constant 0 : i32
    %scan3A_2 = arith.constant 79 : i32
    %scan3A_3 = arith.addi %scan3A_1, %scan3A_2 : i32
    %scan3A_4 = arith.constant 1 : i32
    scf.for %scan3A_11 = %scan3A_1 to %scan3A_3 step %scan3A_4  : i32 {
      %dma_start3A = arith.constant 0 : i32
      %dma_start3A_12 = tpu.memref_slice %arg7[%scan3A_11, %dma_start3A] : memref<79x128xi32, #tpu.memory_space<vmem>> -> memref<1x128xi32, #tpu.memory_space<vmem>>
      %dma_start3A_13 = tpu.memref_squeeze %dma_start3A_12 : memref<1x128xi32, #tpu.memory_space<vmem>> -> memref<128xi32, #tpu.memory_space<vmem>>
      %dma_start3A_14 = arith.constant 0 : i32
      %dma_start3A_15 = arith.constant 0 : i32
      %dma_start3A_16 = tpu.memref_slice %arg2[%dma_start3A_14, %dma_start3A_15] : memref<20000x128xf32, #tpu.memory_space<hbm>> -> memref<20000x128xf32, #tpu.memory_space<hbm>>
      tpu.enqueue_indirect_dma source(%dma_start3A_16 : memref<20000x128xf32, #tpu.memory_space<hbm>>) target(%arg9 : memref<128x128xf32, #tpu.memory_space<vmem>>) offsets(%dma_start3A_13 : memref<128xi32, #tpu.memory_space<vmem>>) semaphore(%arg11 : memref<!tpu.dma_semaphore, #tpu.memory_space<semaphore_mem>>)
      %dma_wait3A = arith.constant 0 : i32
      %dma_wait3A_17 = tpu.memref_slice %arg7[%scan3A_11, %dma_wait3A] : memref<79x128xi32, #tpu.memory_space<vmem>> -> memref<1x128xi32, #tpu.memory_space<vmem>>
      %dma_wait3A_18 = tpu.memref_squeeze %dma_wait3A_17 : memref<1x128xi32, #tpu.memory_space<vmem>> -> memref<128xi32, #tpu.memory_space<vmem>>
      %dma_wait3A_19 = arith.constant 0 : i32
      %dma_wait3A_20 = arith.constant 0 : i32
      %dma_wait3A_21 = tpu.memref_slice %arg2[%dma_wait3A_19, %dma_wait3A_20] : memref<20000x128xf32, #tpu.memory_space<hbm>> -> memref<20000x128xf32, #tpu.memory_space<hbm>>
      tpu.wait_indirect_dma semaphore(%arg11 : memref<!tpu.dma_semaphore, #tpu.memory_space<semaphore_mem>>) src(%dma_wait3A_21 : memref<20000x128xf32, #tpu.memory_space<hbm>>) dst(%arg9 : memref<128x128xf32, #tpu.memory_space<vmem>>)
      "tpu.region"() ({
        %run_scoped3A = tpu.sem_alloc : memref<!tpu.dma_semaphore, #tpu.memory_space<semaphore_mem>>
        %dma_start3A_22 = arith.constant 0 : i32
        %dma_start3A_23 = tpu.memref_slice %arg8[%scan3A_11, %dma_start3A_22] : memref<79x128xi32, #tpu.memory_space<vmem>> -> memref<1x128xi32, #tpu.memory_space<vmem>>
        %dma_start3A_24 = tpu.memref_squeeze %dma_start3A_23 : memref<1x128xi32, #tpu.memory_space<vmem>> -> memref<128xi32, #tpu.memory_space<vmem>>
        %dma_start3A_25 = arith.constant 0 : i32
        %dma_start3A_26 = arith.constant 0 : i32
        %dma_start3A_27 = tpu.memref_slice %arg10[%dma_start3A_25, %dma_start3A_26] : memref<10112x128xf32, #tpu.memory_space<vmem_shared>> -> memref<10112x128xf32, #tpu.memory_space<vmem_shared>>
        tpu.enqueue_indirect_dma source(%arg9 : memref<128x128xf32, #tpu.memory_space<vmem>>) target(%dma_start3A_27 : memref<10112x128xf32, #tpu.memory_space<vmem_shared>>) offsets(%dma_start3A_24 : memref<128xi32, #tpu.memory_space<vmem>>) semaphore(%run_scoped3A : memref<!tpu.dma_semaphore, #tpu.memory_space<semaphore_mem>>) {add = true}
        %dma_wait3A_28 = arith.constant 0 : i32
        %dma_wait3A_29 = tpu.memref_slice %arg8[%scan3A_11, %dma_wait3A_28] : memref<79x128xi32, #tpu.memory_space<vmem>> -> memref<1x128xi32, #tpu.memory_space<vmem>>
        %dma_wait3A_30 = tpu.memref_squeeze %dma_wait3A_29 : memref<1x128xi32, #tpu.memory_space<vmem>> -> memref<128xi32, #tpu.memory_space<vmem>>
        %dma_wait3A_31 = arith.constant 0 : i32
        %dma_wait3A_32 = arith.constant 0 : i32
        %dma_wait3A_33 = tpu.memref_slice %arg10[%dma_wait3A_31, %dma_wait3A_32] : memref<10112x128xf32, #tpu.memory_space<vmem_shared>> -> memref<10112x128xf32, #tpu.memory_space<vmem_shared>>
        tpu.wait_indirect_dma semaphore(%run_scoped3A : memref<!tpu.dma_semaphore, #tpu.memory_space<semaphore_mem>>) src(%arg9 : memref<128x128xf32, #tpu.memory_space<vmem>>) dst(%dma_wait3A_33 : memref<10112x128xf32, #tpu.memory_space<vmem_shared>>)
        tpu.yield
      }) : () -> ()
    }
    %scan3A_5 = arith.constant 79 : i32
    %barrier3A_6 = arith.constant 0 : index
    tpu.barrier barrier_id(%barrier3A_6)
    %mul3A_7 = arith.constant 632 : i32
    %mul3A_8 = arith.muli %arg1, %mul3A_7 : i32
    %mul3A_9 = arith.constant 632 : i32
    %mul3A_10 = arith.muli %arg1, %mul3A_9 : i32
    "tpu.region"() ({
      %run_scoped3A = tpu.sem_alloc : memref<!tpu.dma_semaphore, #tpu.memory_space<semaphore_mem>>
      %dma_start3A = arith.constant 0 : i32
      %dma_start3A_11 = tpu.memref_slice %arg6[%arg0, %mul3A_10, %dma_start3A] : memref<2x10112x128xf32, #tpu.memory_space<hbm>> -> memref<1x632x128xf32, #tpu.memory_space<hbm>>
      %dma_start3A_12 = tpu.memref_squeeze %dma_start3A_11 : memref<1x632x128xf32, #tpu.memory_space<hbm>> -> memref<632x128xf32, #tpu.memory_space<hbm>>
      %dma_start3A_13 = arith.constant 0 : i32
      %dma_start3A_14 = tpu.memref_slice %arg10[%mul3A_8, %dma_start3A_13] : memref<10112x128xf32, #tpu.memory_space<vmem_shared>> -> memref<632x128xf32, #tpu.memory_space<vmem_shared>>
      tpu.enqueue_dma source(%dma_start3A_14 : memref<632x128xf32, #tpu.memory_space<vmem_shared>>) target(%dma_start3A_12 : memref<632x128xf32, #tpu.memory_space<hbm>>) target_semaphore(%run_scoped3A : memref<!tpu.dma_semaphore, #tpu.memory_space<semaphore_mem>>)
      %dma_wait3A = arith.constant 0 : i32
      %dma_wait3A_15 = tpu.memref_slice %arg6[%arg0, %mul3A_10, %dma_wait3A] : memref<2x10112x128xf32, #tpu.memory_space<hbm>> -> memref<1x632x128xf32, #tpu.memory_space<hbm>>
      %dma_wait3A_16 = tpu.memref_squeeze %dma_wait3A_15 : memref<1x632x128xf32, #tpu.memory_space<hbm>> -> memref<632x128xf32, #tpu.memory_space<hbm>>
      %dma_wait3A_17 = arith.constant 0 : i32
      %dma_wait3A_18 = tpu.memref_slice %arg10[%mul3A_8, %dma_wait3A_17] : memref<10112x128xf32, #tpu.memory_space<vmem_shared>> -> memref<632x128xf32, #tpu.memory_space<vmem_shared>>
      tpu.wait_dma2 semaphore(%run_scoped3A : memref<!tpu.dma_semaphore, #tpu.memory_space<semaphore_mem>>) src(%dma_wait3A_18 : memref<632x128xf32, #tpu.memory_space<vmem_shared>>) dst(%dma_wait3A_16 : memref<632x128xf32, #tpu.memory_space<hbm>>)
      tpu.yield
    }) : () -> ()
    return
  }
}

#map = affine_map<(d0, d1) -> (0, 0)>
#map1 = affine_map<(d0, d1) -> (0, 0, 0, 0)>
#map2 = affine_map<(d0, d1) -> (0, 0, 0)>
module attributes {stable_mosaic.version = 14 : i64} {
  func.func @seg_sum(%arg0: i32, %arg1: i32, %arg2: memref<20000x128xf32, #tpu.memory_space<hbm>>, %arg3: memref<2x16x79x128xi32, #tpu.memory_space<hbm>>, %arg4: memref<16x79x128xi32, #tpu.memory_space<hbm>>, %arg5: memref<632x128xf32, #tpu.memory_space<hbm>>, %arg6: memref<2x10112x128xf32, #tpu.memory_space<hbm>>, %arg7: memref<79x128xi32, #tpu.memory_space<vmem>>, %arg8: memref<79x128xi32, #tpu.memory_space<vmem>>, %arg9: memref<128x128xf32, #tpu.memory_space<vmem>>, %arg10: memref<10112x128xf32, #tpu.memory_space<vmem_shared>>, %arg11: memref<!tpu.dma_semaphore, #tpu.memory_space<semaphore_mem>>) attributes {dimension_semantics = [#tpu.dimension_semantics<core_parallel>, #tpu.dimension_semantics<subcore_parallel>], iteration_bounds = array<i64: 2, 16>, scalar_prefetch = 0 : i64, scratch_operands = 5 : i64, tpu.core_type = #tpu.core_type<sc_vector_subcore>, window_params = [{transform_indices = #map}, {transform_indices = #map1}, {transform_indices = #map2}, {transform_indices = #map}, {transform_indices = #map2}]} {
    "tpu.region"() ({
      %run_scoped3A = tpu.sem_alloc : memref<!tpu.dma_semaphore, #tpu.memory_space<semaphore_mem>>
      %dma_start3A = arith.constant 0 : i32
      %dma_start3A_11 = arith.constant 0 : i32
      %dma_start3A_12 = tpu.memref_slice %arg3[%arg0, %arg1, %dma_start3A, %dma_start3A_11] : memref<2x16x79x128xi32, #tpu.memory_space<hbm>> -> memref<1x1x79x128xi32, #tpu.memory_space<hbm>>
      %dma_start3A_13 = tpu.memref_squeeze %dma_start3A_12 : memref<1x1x79x128xi32, #tpu.memory_space<hbm>> -> memref<79x128xi32, #tpu.memory_space<hbm>>
      %dma_start3A_14 = arith.constant 0 : i32
      %dma_start3A_15 = arith.constant 0 : i32
      %dma_start3A_16 = tpu.memref_slice %arg3[%arg0, %arg1, %dma_start3A_14, %dma_start3A_15] : memref<2x16x79x128xi32, #tpu.memory_space<hbm>> -> memref<1x1x79x128xi32, #tpu.memory_space<hbm>>
      %dma_start3A_17 = tpu.memref_squeeze %dma_start3A_16 : memref<1x1x79x128xi32, #tpu.memory_space<hbm>> -> memref<79x128xi32, #tpu.memory_space<hbm>>
      tpu.enqueue_dma source(%dma_start3A_17 : memref<79x128xi32, #tpu.memory_space<hbm>>) target(%arg7 : memref<79x128xi32, #tpu.memory_space<vmem>>) target_semaphore(%run_scoped3A : memref<!tpu.dma_semaphore, #tpu.memory_space<semaphore_mem>>)
      %dma_wait3A = arith.constant 0 : i32
      %dma_wait3A_18 = arith.constant 0 : i32
      %dma_wait3A_19 = tpu.memref_slice %arg3[%arg0, %arg1, %dma_wait3A, %dma_wait3A_18] : memref<2x16x79x128xi32, #tpu.memory_space<hbm>> -> memref<1x1x79x128xi32, #tpu.memory_space<hbm>>
      %dma_wait3A_20 = tpu.memref_squeeze %dma_wait3A_19 : memref<1x1x79x128xi32, #tpu.memory_space<hbm>> -> memref<79x128xi32, #tpu.memory_space<hbm>>
      %dma_wait3A_21 = arith.constant 0 : i32
      %dma_wait3A_22 = arith.constant 0 : i32
      %dma_wait3A_23 = tpu.memref_slice %arg3[%arg0, %arg1, %dma_wait3A_21, %dma_wait3A_22] : memref<2x16x79x128xi32, #tpu.memory_space<hbm>> -> memref<1x1x79x128xi32, #tpu.memory_space<hbm>>
      %dma_wait3A_24 = tpu.memref_squeeze %dma_wait3A_23 : memref<1x1x79x128xi32, #tpu.memory_space<hbm>> -> memref<79x128xi32, #tpu.memory_space<hbm>>
      tpu.wait_dma2 semaphore(%run_scoped3A : memref<!tpu.dma_semaphore, #tpu.memory_space<semaphore_mem>>) src(%dma_wait3A_24 : memref<79x128xi32, #tpu.memory_space<hbm>>) dst(%arg7 : memref<79x128xi32, #tpu.memory_space<vmem>>)
      tpu.yield
    }) : () -> ()
    "tpu.region"() ({
      %run_scoped3A = tpu.sem_alloc : memref<!tpu.dma_semaphore, #tpu.memory_space<semaphore_mem>>
      %dma_start3A = arith.constant 0 : i32
      %dma_start3A_11 = arith.constant 0 : i32
      %dma_start3A_12 = tpu.memref_slice %arg4[%arg1, %dma_start3A, %dma_start3A_11] : memref<16x79x128xi32, #tpu.memory_space<hbm>> -> memref<1x79x128xi32, #tpu.memory_space<hbm>>
      %dma_start3A_13 = tpu.memref_squeeze %dma_start3A_12 : memref<1x79x128xi32, #tpu.memory_space<hbm>> -> memref<79x128xi32, #tpu.memory_space<hbm>>
      %dma_start3A_14 = arith.constant 0 : i32
      %dma_start3A_15 = arith.constant 0 : i32
      %dma_start3A_16 = tpu.memref_slice %arg4[%arg1, %dma_start3A_14, %dma_start3A_15] : memref<16x79x128xi32, #tpu.memory_space<hbm>> -> memref<1x79x128xi32, #tpu.memory_space<hbm>>
      %dma_start3A_17 = tpu.memref_squeeze %dma_start3A_16 : memref<1x79x128xi32, #tpu.memory_space<hbm>> -> memref<79x128xi32, #tpu.memory_space<hbm>>
      tpu.enqueue_dma source(%dma_start3A_17 : memref<79x128xi32, #tpu.memory_space<hbm>>) target(%arg8 : memref<79x128xi32, #tpu.memory_space<vmem>>) target_semaphore(%run_scoped3A : memref<!tpu.dma_semaphore, #tpu.memory_space<semaphore_mem>>)
      %dma_wait3A = arith.constant 0 : i32
      %dma_wait3A_18 = arith.constant 0 : i32
      %dma_wait3A_19 = tpu.memref_slice %arg4[%arg1, %dma_wait3A, %dma_wait3A_18] : memref<16x79x128xi32, #tpu.memory_space<hbm>> -> memref<1x79x128xi32, #tpu.memory_space<hbm>>
      %dma_wait3A_20 = tpu.memref_squeeze %dma_wait3A_19 : memref<1x79x128xi32, #tpu.memory_space<hbm>> -> memref<79x128xi32, #tpu.memory_space<hbm>>
      %dma_wait3A_21 = arith.constant 0 : i32
      %dma_wait3A_22 = arith.constant 0 : i32
      %dma_wait3A_23 = tpu.memref_slice %arg4[%arg1, %dma_wait3A_21, %dma_wait3A_22] : memref<16x79x128xi32, #tpu.memory_space<hbm>> -> memref<1x79x128xi32, #tpu.memory_space<hbm>>
      %dma_wait3A_24 = tpu.memref_squeeze %dma_wait3A_23 : memref<1x79x128xi32, #tpu.memory_space<hbm>> -> memref<79x128xi32, #tpu.memory_space<hbm>>
      tpu.wait_dma2 semaphore(%run_scoped3A : memref<!tpu.dma_semaphore, #tpu.memory_space<semaphore_mem>>) src(%dma_wait3A_24 : memref<79x128xi32, #tpu.memory_space<hbm>>) dst(%arg8 : memref<79x128xi32, #tpu.memory_space<vmem>>)
      tpu.yield
    }) : () -> ()
    %mul3A = arith.constant 632 : i32
    %mul3A_0 = arith.muli %arg1, %mul3A : i32
    "tpu.region"() ({
      %run_scoped3A = tpu.sem_alloc : memref<!tpu.dma_semaphore, #tpu.memory_space<semaphore_mem>>
      %dma_start3A = arith.constant 0 : i32
      %dma_start3A_11 = tpu.memref_slice %arg10[%mul3A_0, %dma_start3A] : memref<10112x128xf32, #tpu.memory_space<vmem_shared>> -> memref<632x128xf32, #tpu.memory_space<vmem_shared>>
      tpu.enqueue_dma source(%arg5 : memref<632x128xf32, #tpu.memory_space<hbm>>) target(%dma_start3A_11 : memref<632x128xf32, #tpu.memory_space<vmem_shared>>) target_semaphore(%run_scoped3A : memref<!tpu.dma_semaphore, #tpu.memory_space<semaphore_mem>>)
      %dma_wait3A = arith.constant 0 : i32
      %dma_wait3A_12 = tpu.memref_slice %arg10[%mul3A_0, %dma_wait3A] : memref<10112x128xf32, #tpu.memory_space<vmem_shared>> -> memref<632x128xf32, #tpu.memory_space<vmem_shared>>
      tpu.wait_dma2 semaphore(%run_scoped3A : memref<!tpu.dma_semaphore, #tpu.memory_space<semaphore_mem>>) src(%arg5 : memref<632x128xf32, #tpu.memory_space<hbm>>) dst(%dma_wait3A_12 : memref<632x128xf32, #tpu.memory_space<vmem_shared>>)
      tpu.yield
    }) : () -> ()
    %barrier3A = arith.constant 0 : index
    tpu.barrier barrier_id(%barrier3A)
    %scan3A = arith.constant 0 : i32
    %scan3A_1 = arith.constant 0 : i32
    %scan3A_2 = arith.constant 79 : i32
    %scan3A_3 = arith.addi %scan3A_1, %scan3A_2 : i32
    %scan3A_4 = arith.constant 1 : i32
    scf.for %scan3A_11 = %scan3A_1 to %scan3A_3 step %scan3A_4  : i32 {
      %dma_start3A = arith.constant 0 : i32
      %dma_start3A_12 = tpu.memref_slice %arg7[%scan3A_11, %dma_start3A] : memref<79x128xi32, #tpu.memory_space<vmem>> -> memref<1x128xi32, #tpu.memory_space<vmem>>
      %dma_start3A_13 = tpu.memref_squeeze %dma_start3A_12 : memref<1x128xi32, #tpu.memory_space<vmem>> -> memref<128xi32, #tpu.memory_space<vmem>>
      %dma_start3A_14 = arith.constant 0 : i32
      %dma_start3A_15 = arith.constant 0 : i32
      %dma_start3A_16 = tpu.memref_slice %arg2[%dma_start3A_14, %dma_start3A_15] : memref<20000x128xf32, #tpu.memory_space<hbm>> -> memref<20000x128xf32, #tpu.memory_space<hbm>>
      tpu.enqueue_indirect_dma source(%dma_start3A_16 : memref<20000x128xf32, #tpu.memory_space<hbm>>) target(%arg9 : memref<128x128xf32, #tpu.memory_space<vmem>>) offsets(%dma_start3A_13 : memref<128xi32, #tpu.memory_space<vmem>>) semaphore(%arg11 : memref<!tpu.dma_semaphore, #tpu.memory_space<semaphore_mem>>)
      %dma_wait3A = arith.constant 0 : i32
      %dma_wait3A_17 = tpu.memref_slice %arg7[%scan3A_11, %dma_wait3A] : memref<79x128xi32, #tpu.memory_space<vmem>> -> memref<1x128xi32, #tpu.memory_space<vmem>>
      %dma_wait3A_18 = tpu.memref_squeeze %dma_wait3A_17 : memref<1x128xi32, #tpu.memory_space<vmem>> -> memref<128xi32, #tpu.memory_space<vmem>>
      %dma_wait3A_19 = arith.constant 0 : i32
      %dma_wait3A_20 = arith.constant 0 : i32
      %dma_wait3A_21 = tpu.memref_slice %arg2[%dma_wait3A_19, %dma_wait3A_20] : memref<20000x128xf32, #tpu.memory_space<hbm>> -> memref<20000x128xf32, #tpu.memory_space<hbm>>
      tpu.wait_indirect_dma semaphore(%arg11 : memref<!tpu.dma_semaphore, #tpu.memory_space<semaphore_mem>>) src(%dma_wait3A_21 : memref<20000x128xf32, #tpu.memory_space<hbm>>) dst(%arg9 : memref<128x128xf32, #tpu.memory_space<vmem>>)
      "tpu.region"() ({
        %run_scoped3A = tpu.sem_alloc : memref<!tpu.dma_semaphore, #tpu.memory_space<semaphore_mem>>
        %dma_start3A_22 = arith.constant 0 : i32
        %dma_start3A_23 = tpu.memref_slice %arg8[%scan3A_11, %dma_start3A_22] : memref<79x128xi32, #tpu.memory_space<vmem>> -> memref<1x128xi32, #tpu.memory_space<vmem>>
        %dma_start3A_24 = tpu.memref_squeeze %dma_start3A_23 : memref<1x128xi32, #tpu.memory_space<vmem>> -> memref<128xi32, #tpu.memory_space<vmem>>
        %dma_start3A_25 = arith.constant 0 : i32
        %dma_start3A_26 = arith.constant 0 : i32
        %dma_start3A_27 = tpu.memref_slice %arg10[%dma_start3A_25, %dma_start3A_26] : memref<10112x128xf32, #tpu.memory_space<vmem_shared>> -> memref<10112x128xf32, #tpu.memory_space<vmem_shared>>
        tpu.enqueue_indirect_dma source(%arg9 : memref<128x128xf32, #tpu.memory_space<vmem>>) target(%dma_start3A_27 : memref<10112x128xf32, #tpu.memory_space<vmem_shared>>) offsets(%dma_start3A_24 : memref<128xi32, #tpu.memory_space<vmem>>) semaphore(%run_scoped3A : memref<!tpu.dma_semaphore, #tpu.memory_space<semaphore_mem>>) {add = true}
        %dma_wait3A_28 = arith.constant 0 : i32
        %dma_wait3A_29 = tpu.memref_slice %arg8[%scan3A_11, %dma_wait3A_28] : memref<79x128xi32, #tpu.memory_space<vmem>> -> memref<1x128xi32, #tpu.memory_space<vmem>>
        %dma_wait3A_30 = tpu.memref_squeeze %dma_wait3A_29 : memref<1x128xi32, #tpu.memory_space<vmem>> -> memref<128xi32, #tpu.memory_space<vmem>>
        %dma_wait3A_31 = arith.constant 0 : i32
        %dma_wait3A_32 = arith.constant 0 : i32
        %dma_wait3A_33 = tpu.memref_slice %arg10[%dma_wait3A_31, %dma_wait3A_32] : memref<10112x128xf32, #tpu.memory_space<vmem_shared>> -> memref<10112x128xf32, #tpu.memory_space<vmem_shared>>
        tpu.wait_indirect_dma semaphore(%run_scoped3A : memref<!tpu.dma_semaphore, #tpu.memory_space<semaphore_mem>>) src(%arg9 : memref<128x128xf32, #tpu.memory_space<vmem>>) dst(%dma_wait3A_33 : memref<10112x128xf32, #tpu.memory_space<vmem_shared>>)
        tpu.yield
      }) : () -> ()
    }
    %scan3A_5 = arith.constant 79 : i32
    %barrier3A_6 = arith.constant 0 : index
    tpu.barrier barrier_id(%barrier3A_6)
    %mul3A_7 = arith.constant 632 : i32
    %mul3A_8 = arith.muli %arg1, %mul3A_7 : i32
    %mul3A_9 = arith.constant 632 : i32
    %mul3A_10 = arith.muli %arg1, %mul3A_9 : i32
    "tpu.region"() ({
      %run_scoped3A = tpu.sem_alloc : memref<!tpu.dma_semaphore, #tpu.memory_space<semaphore_mem>>
      %dma_start3A = arith.constant 0 : i32
      %dma_start3A_11 = tpu.memref_slice %arg6[%arg0, %mul3A_10, %dma_start3A] : memref<2x10112x128xf32, #tpu.memory_space<hbm>> -> memref<1x632x128xf32, #tpu.memory_space<hbm>>
      %dma_start3A_12 = tpu.memref_squeeze %dma_start3A_11 : memref<1x632x128xf32, #tpu.memory_space<hbm>> -> memref<632x128xf32, #tpu.memory_space<hbm>>
      %dma_start3A_13 = arith.constant 0 : i32
      %dma_start3A_14 = tpu.memref_slice %arg10[%mul3A_8, %dma_start3A_13] : memref<10112x128xf32, #tpu.memory_space<vmem_shared>> -> memref<632x128xf32, #tpu.memory_space<vmem_shared>>
      tpu.enqueue_dma source(%dma_start3A_14 : memref<632x128xf32, #tpu.memory_space<vmem_shared>>) target(%dma_start3A_12 : memref<632x128xf32, #tpu.memory_space<hbm>>) target_semaphore(%run_scoped3A : memref<!tpu.dma_semaphore, #tpu.memory_space<semaphore_mem>>)
      %dma_wait3A = arith.constant 0 : i32
      %dma_wait3A_15 = tpu.memref_slice %arg6[%arg0, %mul3A_10, %dma_wait3A] : memref<2x10112x128xf32, #tpu.memory_space<hbm>> -> memref<1x632x128xf32, #tpu.memory_space<hbm>>
      %dma_wait3A_16 = tpu.memref_squeeze %dma_wait3A_15 : memref<1x632x128xf32, #tpu.memory_space<hbm>> -> memref<632x128xf32, #tpu.memory_space<hbm>>
      %dma_wait3A_17 = arith.constant 0 : i32
      %dma_wait3A_18 = tpu.memref_slice %arg10[%mul3A_8, %dma_wait3A_17] : memref<10112x128xf32, #tpu.memory_space<vmem_shared>> -> memref<632x128xf32, #tpu.memory_space<vmem_shared>>
      tpu.wait_dma2 semaphore(%run_scoped3A : memref<!tpu.dma_semaphore, #tpu.memory_space<semaphore_mem>>) src(%dma_wait3A_18 : memref<632x128xf32, #tpu.memory_space<vmem_shared>>) dst(%dma_wait3A_16 : memref<632x128xf32, #tpu.memory_space<hbm>>)
      tpu.yield
    }) : () -> ()
    return
  }
}

module attributes {stable_mosaic.version = 14 : i64} {
  func.func @_pre0_body(%arg0: i32, %arg1: memref<1000x256xf32, #tpu.memory_space<vmem>>, %arg2: memref<256x256xf32, #tpu.memory_space<vmem>>, %arg3: memref<2x1000x128xf32, #tpu.memory_space<vmem>>, %arg4: memref<2x1000x128xf32, #tpu.memory_space<vmem>>) attributes {dimension_semantics = [#tpu.dimension_semantics<arbitrary>], iteration_bounds = array<i64: 10>, scalar_prefetch = 0 : i64, scratch_operands = 0 : i64, tpu.core_type = #tpu.core_type<tc>, window_params = [{transform_indices = @transform_0, window_bounds = array<i64: 1000, 256>}, {pipeline_mode = #tpu.pipeline_mode<synchronous>, transform_indices = @transform_1, window_bounds = array<i64: 256, 256>}, {transform_indices = @transform_2, window_bounds = array<i64: 2, 1000, 128>}, {transform_indices = @transform_3, window_bounds = array<i64: 2, 1000, 128>}]} {
    %get3A = arith.constant 0 : index
    %get3A_0 = arith.constant 0 : index
    %get3A_1 = arith.constant 0 : index
    %get3A_2 = vector.load %arg3[%get3A, %get3A_0, %get3A_1] : memref<2x1000x128xf32, #tpu.memory_space<vmem>>, vector<1x1000x1xf32>
    %get3A_3 = vector.shape_cast %get3A_2 : vector<1x1000x1xf32> to vector<1000x1xf32>
    %max3A = arith.constant 1.000000e+00 : f32
    %max3A_4 = vector.broadcast %max3A : f32 to vector<1000x1xf32>
    %max3A_5 = arith.maximumf %get3A_3, %max3A_4 : vector<1000x1xf32>
    %rsqrt3A = math.rsqrt %max3A_5 : vector<1000x1xf32>
    %get3A_6 = arith.constant 0 : index
    %get3A_7 = arith.constant 0 : index
    %get3A_8 = vector.load %arg1[%get3A_6, %get3A_7] : memref<1000x256xf32, #tpu.memory_space<vmem>>, vector<1000x256xf32>
    %get3A_9 = arith.constant 0 : index
    %get3A_10 = arith.constant 0 : index
    %get3A_11 = vector.load %arg2[%get3A_9, %get3A_10] : memref<256x256xf32, #tpu.memory_space<vmem>>, vector<256x256xf32>
    %dot_general3A = arith.constant dense<0.000000e+00> : vector<1000x256xf32>
    %dot_general3A_12 = tpu.matmul %get3A_8, %get3A_11, %dot_general3A {dimension_numbers = #tpu.dot_dimension_numbers<[1], [0], [0], [1], [0, 0, 1, 1], [], []>, transpose_lhs_hint = false} : vector<1000x256xf32>, vector<256x256xf32>, vector<1000x256xf32> -> vector<1000x256xf32>
    %mul3A = vector.broadcast %rsqrt3A : vector<1000x1xf32> to vector<1000x256xf32>
    %mul3A_13 = arith.mulf %dot_general3A_12, %mul3A : vector<1000x256xf32>
    %slice3A = vector.extract_strided_slice %mul3A_13 {offsets = [0, 0], sizes = [1000, 128], strides = [1, 1]} : vector<1000x256xf32> to vector<1000x128xf32>
    %swap3A = arith.constant 0 : index
    %swap3A_14 = arith.constant 0 : index
    %swap3A_15 = arith.constant 0 : index
    %swap3A_16 = vector.load %arg4[%swap3A, %swap3A_14, %swap3A_15] : memref<2x1000x128xf32, #tpu.memory_space<vmem>>, vector<1x1000x128xf32>
    %swap3A_17 = vector.shape_cast %swap3A_16 : vector<1x1000x128xf32> to vector<1000x128xf32>
    %swap3A_18 = vector.shape_cast %slice3A : vector<1000x128xf32> to vector<1x1000x128xf32>
    tpu.vector_store %arg4[%swap3A, %swap3A_14, %swap3A_15], %swap3A_18 {strides = array<i32>} : memref<2x1000x128xf32, #tpu.memory_space<vmem>>, vector<1x1000x128xf32>,
    %slice3A_19 = vector.extract_strided_slice %mul3A_13 {offsets = [0, 128], sizes = [1000, 128], strides = [1, 1]} : vector<1000x256xf32> to vector<1000x128xf32>
    %swap3A_20 = arith.constant 1 : index
    %swap3A_21 = arith.constant 0 : index
    %swap3A_22 = arith.constant 0 : index
    %swap3A_23 = vector.load %arg4[%swap3A_20, %swap3A_21, %swap3A_22] : memref<2x1000x128xf32, #tpu.memory_space<vmem>>, vector<1x1000x128xf32>
    %swap3A_24 = vector.shape_cast %swap3A_23 : vector<1x1000x128xf32> to vector<1000x128xf32>
    %swap3A_25 = vector.shape_cast %slice3A_19 : vector<1000x128xf32> to vector<1x1000x128xf32>
    tpu.vector_store %arg4[%swap3A_20, %swap3A_21, %swap3A_22], %swap3A_25 {strides = array<i32>} : memref<2x1000x128xf32, #tpu.memory_space<vmem>>, vector<1x1000x128xf32>,
    return
  }
  func.func @transform_0(%arg0: i32) -> (i32, i32) {
    %c0_i32 = arith.constant 0 : i32
    %c0_i32_0 = arith.constant 0 : i32
    return %arg0, %c0_i32 : i32, i32
  }
  func.func @transform_1(%arg0: i32) -> (i32, i32) {
    %c0_i32 = arith.constant 0 : i32
    %c0_i32_0 = arith.constant 0 : i32
    %c0_i32_1 = arith.constant 0 : i32
    return %c0_i32, %c0_i32_0 : i32, i32
  }
  func.func @transform_2(%arg0: i32) -> (i32, i32, i32) {
    %c0_i32 = arith.constant 0 : i32
    %c0_i32_0 = arith.constant 0 : i32
    %c0_i32_1 = arith.constant 0 : i32
    return %c0_i32, %arg0, %c0_i32_0 : i32, i32, i32
  }
  func.func @transform_3(%arg0: i32) -> (i32, i32, i32) {
    %c0_i32 = arith.constant 0 : i32
    %c0_i32_0 = arith.constant 0 : i32
    %c0_i32_1 = arith.constant 0 : i32
    return %c0_i32, %arg0, %c0_i32_0 : i32, i32, i32
  }
}

module attributes {stable_mosaic.version = 14 : i64} {
  func.func @_mid_body(%arg0: i32, %arg1: memref<2x1000x128xf32, #tpu.memory_space<vmem>>, %arg2: memref<2x1000x128xf32, #tpu.memory_space<vmem>>, %arg3: memref<1x256xf32, #tpu.memory_space<vmem>>, %arg4: memref<256x256xf32, #tpu.memory_space<vmem>>, %arg5: memref<1000x256xf32, #tpu.memory_space<vmem>>, %arg6: memref<2x1000x128xf32, #tpu.memory_space<vmem>>, %arg7: memref<1000x256xf32, #tpu.memory_space<vmem>>) attributes {dimension_semantics = [#tpu.dimension_semantics<arbitrary>], iteration_bounds = array<i64: 10>, scalar_prefetch = 0 : i64, scratch_operands = 0 : i64, tpu.core_type = #tpu.core_type<tc>, window_params = [{transform_indices = @transform_0, window_bounds = array<i64: 2, 1000, 128>}, {transform_indices = @transform_1, window_bounds = array<i64: 2, 1000, 128>}, {pipeline_mode = #tpu.pipeline_mode<synchronous>, transform_indices = @transform_2, window_bounds = array<i64: 1, 256>}, {pipeline_mode = #tpu.pipeline_mode<synchronous>, transform_indices = @transform_3, window_bounds = array<i64: 256, 256>}, {transform_indices = @transform_4, window_bounds = array<i64: 1000, 256>}, {transform_indices = @transform_5, window_bounds = array<i64: 2, 1000, 128>}, {transform_indices = @transform_6, window_bounds = array<i64: 1000, 256>}]} {
    %get3A = arith.constant 0 : index
    %get3A_0 = arith.constant 0 : index
    %get3A_1 = arith.constant 0 : index
    %get3A_2 = vector.load %arg2[%get3A, %get3A_0, %get3A_1] : memref<2x1000x128xf32, #tpu.memory_space<vmem>>, vector<1x1000x1xf32>
    %get3A_3 = vector.shape_cast %get3A_2 : vector<1x1000x1xf32> to vector<1000x1xf32>
    %max3A = arith.constant 1.000000e+00 : f32
    %max3A_4 = vector.broadcast %max3A : f32 to vector<1000x1xf32>
    %max3A_5 = arith.maximumf %get3A_3, %max3A_4 : vector<1000x1xf32>
    %rsqrt3A = math.rsqrt %max3A_5 : vector<1000x1xf32>
    %get3A_6 = arith.constant 1 : index
    %get3A_7 = arith.constant 0 : index
    %get3A_8 = arith.constant 0 : index
    %get3A_9 = vector.load %arg2[%get3A_6, %get3A_7, %get3A_8] : memref<2x1000x128xf32, #tpu.memory_space<vmem>>, vector<1x1000x1xf32>
    %get3A_10 = vector.shape_cast %get3A_9 : vector<1x1000x1xf32> to vector<1000x1xf32>
    %max3A_11 = arith.constant 1.000000e+00 : f32
    %max3A_12 = vector.broadcast %max3A_11 : f32 to vector<1000x1xf32>
    %max3A_13 = arith.maximumf %get3A_10, %max3A_12 : vector<1000x1xf32>
    %rsqrt3A_14 = math.rsqrt %max3A_13 : vector<1000x1xf32>
    %get3A_15 = arith.constant 0 : index
    %get3A_16 = arith.constant 0 : index
    %get3A_17 = arith.constant 0 : index
    %get3A_18 = vector.load %arg1[%get3A_15, %get3A_16, %get3A_17] : memref<2x1000x128xf32, #tpu.memory_space<vmem>>, vector<1x1000x128xf32>
    %get3A_19 = vector.shape_cast %get3A_18 : vector<1x1000x128xf32> to vector<1000x128xf32>
    %get3A_20 = arith.constant 1 : index
    %get3A_21 = arith.constant 0 : index
    %get3A_22 = arith.constant 0 : index
    %get3A_23 = vector.load %arg1[%get3A_20, %get3A_21, %get3A_22] : memref<2x1000x128xf32, #tpu.memory_space<vmem>>, vector<1x1000x128xf32>
    %get3A_24 = vector.shape_cast %get3A_23 : vector<1x1000x128xf32> to vector<1000x128xf32>
    %concatenate3A = tpu.concatenate %get3A_19, %get3A_24 in 1 : vector<1000x128xf32>, vector<1000x128xf32> -> vector<1000x256xf32>
    %mul3A = vector.broadcast %rsqrt3A_14 : vector<1000x1xf32> to vector<1000x256xf32>
    %mul3A_25 = arith.mulf %concatenate3A, %mul3A : vector<1000x256xf32>
    %get3A_26 = arith.constant 0 : index
    %get3A_27 = arith.constant 0 : index
    %get3A_28 = vector.load %arg3[%get3A_26, %get3A_27] : memref<1x256xf32, #tpu.memory_space<vmem>>, vector<1x256xf32>
    %get3A_29 = vector.shape_cast %get3A_28 : vector<1x256xf32> to vector<256xf32>
    %broadcast_in_dim3A = vector.shape_cast %get3A_29 : vector<256xf32> to vector<1x256xf32>
    %add3A = vector.broadcast %broadcast_in_dim3A : vector<1x256xf32> to vector<1000x256xf32>
    %add3A_30 = arith.addf %mul3A_25, %add3A : vector<1000x256xf32>
    %max3A_31 = arith.constant 0.000000e+00 : f32
    %max3A_32 = vector.broadcast %max3A_31 : f32 to vector<1000x256xf32>
    %max3A_33 = arith.maximumf %add3A_30, %max3A_32 : vector<1000x256xf32>
    %get3A_34 = arith.constant 0 : index
    %get3A_35 = arith.constant 0 : index
    %get3A_36 = vector.load %arg5[%get3A_34, %get3A_35] : memref<1000x256xf32, #tpu.memory_space<vmem>>, vector<1000x256xf32>
    %max3A_37 = arith.maximumf %get3A_36, %max3A_33 : vector<1000x256xf32>
    %swap3A = arith.constant 0 : index
    %swap3A_38 = arith.constant 0 : index
    %swap3A_39 = vector.load %arg7[%swap3A, %swap3A_38] : memref<1000x256xf32, #tpu.memory_space<vmem>>, vector<1000x256xf32>
    tpu.vector_store %arg7[%swap3A, %swap3A_38], %max3A_37 {strides = array<i32>} : memref<1000x256xf32, #tpu.memory_space<vmem>>, vector<1000x256xf32>,
    %get3A_40 = arith.constant 0 : index
    %get3A_41 = arith.constant 0 : index
    %get3A_42 = vector.load %arg4[%get3A_40, %get3A_41] : memref<256x256xf32, #tpu.memory_space<vmem>>, vector<256x256xf32>
    %dot_general3A = arith.constant dense<0.000000e+00> : vector<1000x256xf32>
    %dot_general3A_43 = tpu.matmul %max3A_33, %get3A_42, %dot_general3A {dimension_numbers = #tpu.dot_dimension_numbers<[1], [0], [0], [1], [0, 0, 1, 1], [], []>, transpose_lhs_hint = false} : vector<1000x256xf32>, vector<256x256xf32>, vector<1000x256xf32> -> vector<1000x256xf32>
    %mul3A_44 = vector.broadcast %rsqrt3A : vector<1000x1xf32> to vector<1000x256xf32>
    %mul3A_45 = arith.mulf %dot_general3A_43, %mul3A_44 : vector<1000x256xf32>
    %slice3A = vector.extract_strided_slice %mul3A_45 {offsets = [0, 0], sizes = [1000, 128], strides = [1, 1]} : vector<1000x256xf32> to vector<1000x128xf32>
    %swap3A_46 = arith.constant 0 : index
    %swap3A_47 = arith.constant 0 : index
    %swap3A_48 = arith.constant 0 : index
    %swap3A_49 = vector.load %arg6[%swap3A_46, %swap3A_47, %swap3A_48] : memref<2x1000x128xf32, #tpu.memory_space<vmem>>, vector<1x1000x128xf32>
    %swap3A_50 = vector.shape_cast %swap3A_49 : vector<1x1000x128xf32> to vector<1000x128xf32>
    %swap3A_51 = vector.shape_cast %slice3A : vector<1000x128xf32> to vector<1x1000x128xf32>
    tpu.vector_store %arg6[%swap3A_46, %swap3A_47, %swap3A_48], %swap3A_51 {strides = array<i32>} : memref<2x1000x128xf32, #tpu.memory_space<vmem>>, vector<1x1000x128xf32>,
    %slice3A_52 = vector.extract_strided_slice %mul3A_45 {offsets = [0, 128], sizes = [1000, 128], strides = [1, 1]} : vector<1000x256xf32> to vector<1000x128xf32>
    %swap3A_53 = arith.constant 1 : index
    %swap3A_54 = arith.constant 0 : index
    %swap3A_55 = arith.constant 0 : index
    %swap3A_56 = vector.load %arg6[%swap3A_53, %swap3A_54, %swap3A_55] : memref<2x1000x128xf32, #tpu.memory_space<vmem>>, vector<1x1000x128xf32>
    %swap3A_57 = vector.shape_cast %swap3A_56 : vector<1x1000x128xf32> to vector<1000x128xf32>
    %swap3A_58 = vector.shape_cast %slice3A_52 : vector<1000x128xf32> to vector<1x1000x128xf32>
    tpu.vector_store %arg6[%swap3A_53, %swap3A_54, %swap3A_55], %swap3A_58 {strides = array<i32>} : memref<2x1000x128xf32, #tpu.memory_space<vmem>>, vector<1x1000x128xf32>,
    return
  }
  func.func @transform_0(%arg0: i32) -> (i32, i32, i32) {
    %c0_i32 = arith.constant 0 : i32
    %c0_i32_0 = arith.constant 0 : i32
    %c0_i32_1 = arith.constant 0 : i32
    return %c0_i32, %arg0, %c0_i32_0 : i32, i32, i32
  }
  func.func @transform_1(%arg0: i32) -> (i32, i32, i32) {
    %c0_i32 = arith.constant 0 : i32
    %c0_i32_0 = arith.constant 0 : i32
    %c0_i32_1 = arith.constant 0 : i32
    return %c0_i32, %arg0, %c0_i32_0 : i32, i32, i32
  }
  func.func @transform_2(%arg0: i32) -> (i32, i32) {
    %c0_i32 = arith.constant 0 : i32
    %c0_i32_0 = arith.constant 0 : i32
    %c0_i32_1 = arith.constant 0 : i32
    return %c0_i32, %c0_i32_0 : i32, i32
  }
  func.func @transform_3(%arg0: i32) -> (i32, i32) {
    %c0_i32 = arith.constant 0 : i32
    %c0_i32_0 = arith.constant 0 : i32
    %c0_i32_1 = arith.constant 0 : i32
    return %c0_i32, %c0_i32_0 : i32, i32
  }
  func.func @transform_4(%arg0: i32) -> (i32, i32) {
    %c0_i32 = arith.constant 0 : i32
    %c0_i32_0 = arith.constant 0 : i32
    return %arg0, %c0_i32 : i32, i32
  }
  func.func @transform_5(%arg0: i32) -> (i32, i32, i32) {
    %c0_i32 = arith.constant 0 : i32
    %c0_i32_0 = arith.constant 0 : i32
    %c0_i32_1 = arith.constant 0 : i32
    return %c0_i32, %arg0, %c0_i32_0 : i32, i32, i32
  }
  func.func @transform_6(%arg0: i32) -> (i32, i32) {
    %c0_i32 = arith.constant 0 : i32
    %c0_i32_0 = arith.constant 0 : i32
    return %arg0, %c0_i32 : i32, i32
  }
}

module attributes {stable_mosaic.version = 14 : i64} {
  func.func @_mid_body(%arg0: i32, %arg1: memref<2x1000x128xf32, #tpu.memory_space<vmem>>, %arg2: memref<2x1000x128xf32, #tpu.memory_space<vmem>>, %arg3: memref<1x256xf32, #tpu.memory_space<vmem>>, %arg4: memref<256x256xf32, #tpu.memory_space<vmem>>, %arg5: memref<1000x256xf32, #tpu.memory_space<vmem>>, %arg6: memref<2x1000x128xf32, #tpu.memory_space<vmem>>, %arg7: memref<1000x256xf32, #tpu.memory_space<vmem>>) attributes {dimension_semantics = [#tpu.dimension_semantics<arbitrary>], iteration_bounds = array<i64: 10>, scalar_prefetch = 0 : i64, scratch_operands = 0 : i64, tpu.core_type = #tpu.core_type<tc>, window_params = [{transform_indices = @transform_0, window_bounds = array<i64: 2, 1000, 128>}, {transform_indices = @transform_1, window_bounds = array<i64: 2, 1000, 128>}, {pipeline_mode = #tpu.pipeline_mode<synchronous>, transform_indices = @transform_2, window_bounds = array<i64: 1, 256>}, {pipeline_mode = #tpu.pipeline_mode<synchronous>, transform_indices = @transform_3, window_bounds = array<i64: 256, 256>}, {transform_indices = @transform_4, window_bounds = array<i64: 1000, 256>}, {transform_indices = @transform_5, window_bounds = array<i64: 2, 1000, 128>}, {transform_indices = @transform_6, window_bounds = array<i64: 1000, 256>}]} {
    %get3A = arith.constant 0 : index
    %get3A_0 = arith.constant 0 : index
    %get3A_1 = arith.constant 0 : index
    %get3A_2 = vector.load %arg2[%get3A, %get3A_0, %get3A_1] : memref<2x1000x128xf32, #tpu.memory_space<vmem>>, vector<1x1000x1xf32>
    %get3A_3 = vector.shape_cast %get3A_2 : vector<1x1000x1xf32> to vector<1000x1xf32>
    %max3A = arith.constant 1.000000e+00 : f32
    %max3A_4 = vector.broadcast %max3A : f32 to vector<1000x1xf32>
    %max3A_5 = arith.maximumf %get3A_3, %max3A_4 : vector<1000x1xf32>
    %rsqrt3A = math.rsqrt %max3A_5 : vector<1000x1xf32>
    %get3A_6 = arith.constant 1 : index
    %get3A_7 = arith.constant 0 : index
    %get3A_8 = arith.constant 0 : index
    %get3A_9 = vector.load %arg2[%get3A_6, %get3A_7, %get3A_8] : memref<2x1000x128xf32, #tpu.memory_space<vmem>>, vector<1x1000x1xf32>
    %get3A_10 = vector.shape_cast %get3A_9 : vector<1x1000x1xf32> to vector<1000x1xf32>
    %max3A_11 = arith.constant 1.000000e+00 : f32
    %max3A_12 = vector.broadcast %max3A_11 : f32 to vector<1000x1xf32>
    %max3A_13 = arith.maximumf %get3A_10, %max3A_12 : vector<1000x1xf32>
    %rsqrt3A_14 = math.rsqrt %max3A_13 : vector<1000x1xf32>
    %get3A_15 = arith.constant 0 : index
    %get3A_16 = arith.constant 0 : index
    %get3A_17 = arith.constant 0 : index
    %get3A_18 = vector.load %arg1[%get3A_15, %get3A_16, %get3A_17] : memref<2x1000x128xf32, #tpu.memory_space<vmem>>, vector<1x1000x128xf32>
    %get3A_19 = vector.shape_cast %get3A_18 : vector<1x1000x128xf32> to vector<1000x128xf32>
    %get3A_20 = arith.constant 1 : index
    %get3A_21 = arith.constant 0 : index
    %get3A_22 = arith.constant 0 : index
    %get3A_23 = vector.load %arg1[%get3A_20, %get3A_21, %get3A_22] : memref<2x1000x128xf32, #tpu.memory_space<vmem>>, vector<1x1000x128xf32>
    %get3A_24 = vector.shape_cast %get3A_23 : vector<1x1000x128xf32> to vector<1000x128xf32>
    %concatenate3A = tpu.concatenate %get3A_19, %get3A_24 in 1 : vector<1000x128xf32>, vector<1000x128xf32> -> vector<1000x256xf32>
    %mul3A = vector.broadcast %rsqrt3A_14 : vector<1000x1xf32> to vector<1000x256xf32>
    %mul3A_25 = arith.mulf %concatenate3A, %mul3A : vector<1000x256xf32>
    %get3A_26 = arith.constant 0 : index
    %get3A_27 = arith.constant 0 : index
    %get3A_28 = vector.load %arg3[%get3A_26, %get3A_27] : memref<1x256xf32, #tpu.memory_space<vmem>>, vector<1x256xf32>
    %get3A_29 = vector.shape_cast %get3A_28 : vector<1x256xf32> to vector<256xf32>
    %broadcast_in_dim3A = vector.shape_cast %get3A_29 : vector<256xf32> to vector<1x256xf32>
    %add3A = vector.broadcast %broadcast_in_dim3A : vector<1x256xf32> to vector<1000x256xf32>
    %add3A_30 = arith.addf %mul3A_25, %add3A : vector<1000x256xf32>
    %max3A_31 = arith.constant 0.000000e+00 : f32
    %max3A_32 = vector.broadcast %max3A_31 : f32 to vector<1000x256xf32>
    %max3A_33 = arith.maximumf %add3A_30, %max3A_32 : vector<1000x256xf32>
    %get3A_34 = arith.constant 0 : index
    %get3A_35 = arith.constant 0 : index
    %get3A_36 = vector.load %arg5[%get3A_34, %get3A_35] : memref<1000x256xf32, #tpu.memory_space<vmem>>, vector<1000x256xf32>
    %max3A_37 = arith.maximumf %get3A_36, %max3A_33 : vector<1000x256xf32>
    %swap3A = arith.constant 0 : index
    %swap3A_38 = arith.constant 0 : index
    %swap3A_39 = vector.load %arg7[%swap3A, %swap3A_38] : memref<1000x256xf32, #tpu.memory_space<vmem>>, vector<1000x256xf32>
    tpu.vector_store %arg7[%swap3A, %swap3A_38], %max3A_37 {strides = array<i32>} : memref<1000x256xf32, #tpu.memory_space<vmem>>, vector<1000x256xf32>,
    %get3A_40 = arith.constant 0 : index
    %get3A_41 = arith.constant 0 : index
    %get3A_42 = vector.load %arg4[%get3A_40, %get3A_41] : memref<256x256xf32, #tpu.memory_space<vmem>>, vector<256x256xf32>
    %dot_general3A = arith.constant dense<0.000000e+00> : vector<1000x256xf32>
    %dot_general3A_43 = tpu.matmul %max3A_37, %get3A_42, %dot_general3A {dimension_numbers = #tpu.dot_dimension_numbers<[1], [0], [0], [1], [0, 0, 1, 1], [], []>, transpose_lhs_hint = false} : vector<1000x256xf32>, vector<256x256xf32>, vector<1000x256xf32> -> vector<1000x256xf32>
    %mul3A_44 = vector.broadcast %rsqrt3A : vector<1000x1xf32> to vector<1000x256xf32>
    %mul3A_45 = arith.mulf %dot_general3A_43, %mul3A_44 : vector<1000x256xf32>
    %slice3A = vector.extract_strided_slice %mul3A_45 {offsets = [0, 0], sizes = [1000, 128], strides = [1, 1]} : vector<1000x256xf32> to vector<1000x128xf32>
    %swap3A_46 = arith.constant 0 : index
    %swap3A_47 = arith.constant 0 : index
    %swap3A_48 = arith.constant 0 : index
    %swap3A_49 = vector.load %arg6[%swap3A_46, %swap3A_47, %swap3A_48] : memref<2x1000x128xf32, #tpu.memory_space<vmem>>, vector<1x1000x128xf32>
    %swap3A_50 = vector.shape_cast %swap3A_49 : vector<1x1000x128xf32> to vector<1000x128xf32>
    %swap3A_51 = vector.shape_cast %slice3A : vector<1000x128xf32> to vector<1x1000x128xf32>
    tpu.vector_store %arg6[%swap3A_46, %swap3A_47, %swap3A_48], %swap3A_51 {strides = array<i32>} : memref<2x1000x128xf32, #tpu.memory_space<vmem>>, vector<1x1000x128xf32>,
    %slice3A_52 = vector.extract_strided_slice %mul3A_45 {offsets = [0, 128], sizes = [1000, 128], strides = [1, 1]} : vector<1000x256xf32> to vector<1000x128xf32>
    %swap3A_53 = arith.constant 1 : index
    %swap3A_54 = arith.constant 0 : index
    %swap3A_55 = arith.constant 0 : index
    %swap3A_56 = vector.load %arg6[%swap3A_53, %swap3A_54, %swap3A_55] : memref<2x1000x128xf32, #tpu.memory_space<vmem>>, vector<1x1000x128xf32>
    %swap3A_57 = vector.shape_cast %swap3A_56 : vector<1x1000x128xf32> to vector<1000x128xf32>
    %swap3A_58 = vector.shape_cast %slice3A_52 : vector<1000x128xf32> to vector<1x1000x128xf32>
    tpu.vector_store %arg6[%swap3A_53, %swap3A_54, %swap3A_55], %swap3A_58 {strides = array<i32>} : memref<2x1000x128xf32, #tpu.memory_space<vmem>>, vector<1x1000x128xf32>,
    return
  }
  func.func @transform_0(%arg0: i32) -> (i32, i32, i32) {
    %c0_i32 = arith.constant 0 : i32
    %c0_i32_0 = arith.constant 0 : i32
    %c0_i32_1 = arith.constant 0 : i32
    return %c0_i32, %arg0, %c0_i32_0 : i32, i32, i32
  }
  func.func @transform_1(%arg0: i32) -> (i32, i32, i32) {
    %c0_i32 = arith.constant 0 : i32
    %c0_i32_0 = arith.constant 0 : i32
    %c0_i32_1 = arith.constant 0 : i32
    return %c0_i32, %arg0, %c0_i32_0 : i32, i32, i32
  }
  func.func @transform_2(%arg0: i32) -> (i32, i32) {
    %c0_i32 = arith.constant 0 : i32
    %c0_i32_0 = arith.constant 0 : i32
    %c0_i32_1 = arith.constant 0 : i32
    return %c0_i32, %c0_i32_0 : i32, i32
  }
  func.func @transform_3(%arg0: i32) -> (i32, i32) {
    %c0_i32 = arith.constant 0 : i32
    %c0_i32_0 = arith.constant 0 : i32
    %c0_i32_1 = arith.constant 0 : i32
    return %c0_i32, %c0_i32_0 : i32, i32
  }
  func.func @transform_4(%arg0: i32) -> (i32, i32) {
    %c0_i32 = arith.constant 0 : i32
    %c0_i32_0 = arith.constant 0 : i32
    return %arg0, %c0_i32 : i32, i32
  }
  func.func @transform_5(%arg0: i32) -> (i32, i32, i32) {
    %c0_i32 = arith.constant 0 : i32
    %c0_i32_0 = arith.constant 0 : i32
    %c0_i32_1 = arith.constant 0 : i32
    return %c0_i32, %arg0, %c0_i32_0 : i32, i32, i32
  }
  func.func @transform_6(%arg0: i32) -> (i32, i32) {
    %c0_i32 = arith.constant 0 : i32
    %c0_i32_0 = arith.constant 0 : i32
    return %arg0, %c0_i32 : i32, i32
  }
}

module attributes {stable_mosaic.version = 14 : i64} {
  func.func @_final_body(%arg0: i32, %arg1: memref<2x1000x128xf32, #tpu.memory_space<vmem>>, %arg2: memref<2x1000x128xf32, #tpu.memory_space<vmem>>, %arg3: memref<1x256xf32, #tpu.memory_space<vmem>>, %arg4: memref<1000x256xf32, #tpu.memory_space<vmem>>) attributes {dimension_semantics = [#tpu.dimension_semantics<arbitrary>], iteration_bounds = array<i64: 10>, scalar_prefetch = 0 : i64, scratch_operands = 0 : i64, tpu.core_type = #tpu.core_type<tc>, window_params = [{transform_indices = @transform_0, window_bounds = array<i64: 2, 1000, 128>}, {transform_indices = @transform_1, window_bounds = array<i64: 2, 1000, 128>}, {pipeline_mode = #tpu.pipeline_mode<synchronous>, transform_indices = @transform_2, window_bounds = array<i64: 1, 256>}, {transform_indices = @transform_3, window_bounds = array<i64: 1000, 256>}]} {
    %get3A = arith.constant 1 : index
    %get3A_0 = arith.constant 0 : index
    %get3A_1 = arith.constant 0 : index
    %get3A_2 = vector.load %arg2[%get3A, %get3A_0, %get3A_1] : memref<2x1000x128xf32, #tpu.memory_space<vmem>>, vector<1x1000x1xf32>
    %get3A_3 = vector.shape_cast %get3A_2 : vector<1x1000x1xf32> to vector<1000x1xf32>
    %max3A = arith.constant 1.000000e+00 : f32
    %max3A_4 = vector.broadcast %max3A : f32 to vector<1000x1xf32>
    %max3A_5 = arith.maximumf %get3A_3, %max3A_4 : vector<1000x1xf32>
    %rsqrt3A = math.rsqrt %max3A_5 : vector<1000x1xf32>
    %get3A_6 = arith.constant 0 : index
    %get3A_7 = arith.constant 0 : index
    %get3A_8 = arith.constant 0 : index
    %get3A_9 = vector.load %arg1[%get3A_6, %get3A_7, %get3A_8] : memref<2x1000x128xf32, #tpu.memory_space<vmem>>, vector<1x1000x128xf32>
    %get3A_10 = vector.shape_cast %get3A_9 : vector<1x1000x128xf32> to vector<1000x128xf32>
    %get3A_11 = arith.constant 1 : index
    %get3A_12 = arith.constant 0 : index
    %get3A_13 = arith.constant 0 : index
    %get3A_14 = vector.load %arg1[%get3A_11, %get3A_12, %get3A_13] : memref<2x1000x128xf32, #tpu.memory_space<vmem>>, vector<1x1000x128xf32>
    %get3A_15 = vector.shape_cast %get3A_14 : vector<1x1000x128xf32> to vector<1000x128xf32>
    %concatenate3A = tpu.concatenate %get3A_10, %get3A_15 in 1 : vector<1000x128xf32>, vector<1000x128xf32> -> vector<1000x256xf32>
    %mul3A = vector.broadcast %rsqrt3A : vector<1000x1xf32> to vector<1000x256xf32>
    %mul3A_16 = arith.mulf %concatenate3A, %mul3A : vector<1000x256xf32>
    %get3A_17 = arith.constant 0 : index
    %get3A_18 = arith.constant 0 : index
    %get3A_19 = vector.load %arg3[%get3A_17, %get3A_18] : memref<1x256xf32, #tpu.memory_space<vmem>>, vector<1x256xf32>
    %get3A_20 = vector.shape_cast %get3A_19 : vector<1x256xf32> to vector<256xf32>
    %broadcast_in_dim3A = vector.shape_cast %get3A_20 : vector<256xf32> to vector<1x256xf32>
    %add3A = vector.broadcast %broadcast_in_dim3A : vector<1x256xf32> to vector<1000x256xf32>
    %add3A_21 = arith.addf %mul3A_16, %add3A : vector<1000x256xf32>
    %reduce_max3A = arith.constant dense<0xFF800000> : vector<1000xf32>
    %reduce_max3A_22 = vector.multi_reduction <maximumf>, %add3A_21, %reduce_max3A [1] : vector<1000x256xf32> to vector<1000xf32>
    %broadcast_in_dim3A_23 = vector.shape_cast %reduce_max3A_22 : vector<1000xf32> to vector<1000x1xf32>
    %sub3A = vector.broadcast %broadcast_in_dim3A_23 : vector<1000x1xf32> to vector<1000x256xf32>
    %sub3A_24 = arith.subf %add3A_21, %sub3A : vector<1000x256xf32>
    %exp3A = math.exp %sub3A_24 : vector<1000x256xf32>
    %reduce_sum3A = arith.constant dense<0.000000e+00> : vector<1000xf32>
    %reduce_sum3A_25 = vector.multi_reduction <add>, %exp3A, %reduce_sum3A [1] : vector<1000x256xf32> to vector<1000xf32>
    %broadcast_in_dim3A_26 = vector.shape_cast %reduce_sum3A_25 : vector<1000xf32> to vector<1000x1xf32>
    %log3A = math.log %broadcast_in_dim3A_26 : vector<1000x1xf32>
    %sub3A_27 = vector.broadcast %broadcast_in_dim3A_23 : vector<1000x1xf32> to vector<1000x256xf32>
    %sub3A_28 = arith.subf %add3A_21, %sub3A_27 : vector<1000x256xf32>
    %sub3A_29 = vector.broadcast %log3A : vector<1000x1xf32> to vector<1000x256xf32>
    %sub3A_30 = arith.subf %sub3A_28, %sub3A_29 : vector<1000x256xf32>
    %swap3A = arith.constant 0 : index
    %swap3A_31 = arith.constant 0 : index
    %swap3A_32 = vector.load %arg4[%swap3A, %swap3A_31] : memref<1000x256xf32, #tpu.memory_space<vmem>>, vector<1000x256xf32>
    tpu.vector_store %arg4[%swap3A, %swap3A_31], %sub3A_30 {strides = array<i32>} : memref<1000x256xf32, #tpu.memory_space<vmem>>, vector<1000x256xf32>,
    return
  }
  func.func @transform_0(%arg0: i32) -> (i32, i32, i32) {
    %c0_i32 = arith.constant 0 : i32
    %c0_i32_0 = arith.constant 0 : i32
    %c0_i32_1 = arith.constant 0 : i32
    return %c0_i32, %arg0, %c0_i32_0 : i32, i32, i32
  }
  func.func @transform_1(%arg0: i32) -> (i32, i32, i32) {
    %c0_i32 = arith.constant 0 : i32
    %c0_i32_0 = arith.constant 0 : i32
    %c0_i32_1 = arith.constant 0 : i32
    return %c0_i32, %arg0, %c0_i32_0 : i32, i32, i32
  }
  func.func @transform_2(%arg0: i32) -> (i32, i32) {
    %c0_i32 = arith.constant 0 : i32
    %c0_i32_0 = arith.constant 0 : i32
    %c0_i32_1 = arith.constant 0 : i32
    return %c0_i32, %c0_i32_0 : i32, i32
  }
  func.func @transform_3(%arg0: i32) -> (i32, i32) {
    %c0_i32 = arith.constant 0 : i32
    %c0_i32_0 = arith.constant 0 : i32
    return %arg0, %c0_i32 : i32, i32
  }
}

</mosaic_0001>

<sc_bundles>
// kernel: kernel.18.cloned.1.call-start
scs
__scs_entry_jumppad:
0x0: {  	(pc) =	sbr.rel $0x88, $3  }
0x1: {  	(tag) =	ssettag $0x0;
	lr =	simm.s32 $0x1  }
0x2: {  	[smem:$0x3F91] =	sst lr;
	_ =	strace $0xD0000000  }
0x3: {  	_ = 	snop  }
0x4: {  	_ = 	snop  }
0x5: {  	_ = 	snop  }
0x6: {  	_ = 	snop  }
0x7: {  	_ = 	snop  }
__scs_overlays_trampoline_lowered:
0x8: {  	[smem:$0x3FA0] =	sst s0  }
0x9: {  	[smem:$0x3FA1] =	sst s1  }
0xa: {  	[smem:$0x3FA2] =	sst s2  }
0xb: {  	[smem:$0x3FA3] =	sst s3  }
0xc: {  	[smem:$0x3FA4] =	sst s4  }
0xd: {  	[smem:$0x3FA5] =	sst s5  }
0xe: {  	[smem:$0x3FA6] =	sst s6  }
0xf: {  	[smem:$0x3FA7] =	sst s7  }
0x10: {  	[smem:$0x3FA8] =	sst s8  }
0x11: {  	[smem:$0x3FA9] =	sst s9;
	s0 =	simm.s32 @!p0 $0x0  }
0x12: {  	s1 =	sld [smem:$0x3F8F];
	s0 =	simm.s32 @p0 $0x1  }
0x13: {  	[smem:$0x3FAA] =	sst s0;
	s0 =	simm.s32 @!p1 $0x0  }
0x14: {  	s2 =	sld [smem:$0x3F8E];
	s0 =	simm.s32 @p1 $0x1  }
0x15: {  	[smem:$0x3FAB] =	sst s0;
	s0 =	simm.s32 @!p2 $0x0  }
0x16: {  	s3 =	sld [smem:$0x3FDB];
	s0 =	simm.s32 @p2 $0x1  }
0x17: {  	s4 =	simm.s32 $0x1BF5;
	[smem:$0x3FAD] =	sst s0  }
0x18: {  	s0 =	sld [smem:$0x3F90];
	_ =	swait.ge [sflag:s4], $0x0  }
0x19: {  	s7 =	sld [smem:$0x3F91]  }
0x1a: {  	s8 =	sadd.s32 $0xFFFFE003, lr  }
0x1b: {  	s9 =	sadd.s32 $0xFFFFFEF7, lr;
	s5 =	simm.s32 $0xFFFFFFFF;
	p2 =	slt.u32 s8, $0xFFFFF086  }
0x1c: {  	p1 =	slt.u32 s9, $0xF7A;
	s5 =	simm.s32 @!p2 $0x0  }
0x1d: {  	s5 =	simm.s32 @p1 $0x1;
	p0 =	seq.s32 s7, s2  }
0x1e: {  	s7 =	smul.u32 @!p0 $0xF7A, s2;
	p2 =	seq.s32 @!p0 s5, $0x0  }
0x1f: {  	s9 =	smul.u32 $0xF7A, s1;
	s8 =	simm.s32 @!p0 $0x1BF5;
	p2 =	por !p2, p0  }
0x20: {  	[sflag:s8] =	ssyncset.s32 @!p0 $0xFFFFF086;
	s6 =	sadd.s32 @!p0 s3, s7;
	s7 =	simm.s32 @!p0 $0x108  }
0x21: {  	s3 =	sadd.s32 s3, s9;
	s6 =	sadd.s32 @!p0 $0x88, s6;
	s7 =	simm.s32 @p2 $0x1082  }
0x22: {  	[simem:s7], [sflag:s8] =	dma.local @!p0 [hbm:s6], $0xF7A  }
0x23: {  	s9 =	sor.u32 $0xD0000000, s2;
	s6 =	simm.s32 $0x108;
	_ =	swait.ge @!p0 [sflag:s8], $0x0  }
0x24: {  	s3 =	sadd.s32 $0x88, s3;
	s6 =	simm.s32 @!p1 $0x1082;
	[sflag:s4] =	ssyncset.s32 $0xFFFFF086  }
0x25: {  	[simem:s6], [sflag:s4] =	dma.local [hbm:s3], $0xF7A  }
0x26: {  	[smem:$0x3F91] =	sst s1;
	(tag) =	ssettag s2;
	_ =	strace s9  }
0x27: {  	s1 =	sld [smem:$0x3FA1]  }
0x28: {  	s2 =	sld [smem:$0x3FA2]  }
0x29: {  	s4 =	sld [smem:$0x3FA4]  }
0x2a: {  	p0 =	seq.s32 s5, $0x0;
	s5 =	sld [smem:$0x3FA5]  }
0x2b: {  	s6 =	sld [smem:$0x3FA6]  }
0x2c: {  	s7 =	sld [smem:$0x3FA7]  }
0x2d: {  	s3 =	simm.s32 $0x108;
	s8 =	sld [smem:$0x3FA8]  }
0x2e: {  	s3 =	simm.s32 @!p0 $0x1082;
	s9 =	sld [smem:$0x3FA9]  }
0x2f: {  	lr =	sadd.s32 s0, s3;
	s0 =	sld [smem:$0x3FA0]  }
0x30: {  	s3 =	sld [smem:$0x3FA3]  }
0x31: {  	[smem:$0x3FAC] =	sst s10  }
0x32: {  	s10 =	sld [smem:$0x3FAA];
	_ =	sdelay $0x3  }
0x33: {  	p0 =	seq.s32 s10, $0x1;
	s10 =	sld [smem:$0x3FAC];
	_ =	sdelay $0x3  }
0x34: {  	[smem:$0x3FAC] =	sst s10  }
0x35: {  	s10 =	sld [smem:$0x3FAB];
	_ =	sdelay $0x3  }
0x36: {  	p1 =	seq.s32 s10, $0x1;
	s10 =	sld [smem:$0x3FAC];
	_ =	sdelay $0x3  }
0x37: {  	[smem:$0x3FAC] =	sst s10  }
0x38: {  	s10 =	sld [smem:$0x3FAD]  }
0x39: {  	_ = 	snop;
	(pc) =	sbr.ind lr, $3  }
0x3a: {  	_ = 	snop  }
0x3b: {  	_ = 	snop  }
0x3c: {  	p2 =	seq.s32 s10, $0x1;
	s10 =	sld [smem:$0x3FAC]  }
0x3d: {  	_ =	shalt  }
0x3e: {  	_ =	shalt  }
0x3f: {  	_ =	shalt  }
0x40: {  	_ =	shalt  }
0x41: {  	_ =	shalt  }
0x42: {  	_ =	shalt  }
0x43: {  	_ =	shalt  }
0x44: {  	_ =	shalt  }
0x45: {  	_ =	shalt  }
0x46: {  	_ =	shalt  }
0x47: {  	_ =	shalt  }
0x48: {  	_ =	shalt  }
0x49: {  	_ =	shalt  }
0x4a: {  	_ =	shalt  }
0x4b: {  	_ =	shalt  }
0x4c: {  	_ =	shalt  }
0x4d: {  	_ =	shalt  }
0x4e: {  	_ =	shalt  }
0x4f: {  	_ =	shalt  }
0x50: {  	_ =	shalt  }
0x51: {  	_ =	shalt  }
0x52: {  	_ =	shalt  }
0x53: {  	_ =	shalt  }
0x54: {  	_ =	shalt  }
0x55: {  	_ =	shalt  }
0x56: {  	_ =	shalt  }
0x57: {  	_ =	shalt  }
0x58: {  	_ =	shalt  }
0x59: {  	_ =	shalt  }
0x5a: {  	_ =	shalt  }
0x5b: {  	_ =	shalt  }
0x5c: {  	_ =	shalt  }
0x5d: {  	_ =	shalt  }
0x5e: {  	_ =	shalt  }
0x5f: {  	_ =	shalt  }
0x60: {  	_ =	shalt  }
0x61: {  	_ =	shalt  }
0x62: {  	_ =	shalt  }
0x63: {  	_ =	shalt  }
0x64: {  	_ =	shalt  }
0x65: {  	_ =	shalt  }
0x66: {  	_ =	shalt  }
0x67: {  	_ =	shalt  }
0x68: {  	_ =	shalt  }
0x69: {  	_ =	shalt  }
0x6a: {  	_ =	shalt  }
0x6b: {  	_ =	shalt  }
0x6c: {  	_ =	shalt  }
0x6d: {  	_ =	shalt  }
0x6e: {  	_ =	shalt  }
0x6f: {  	_ =	shalt  }
0x70: {  	_ =	shalt  }
0x71: {  	_ =	shalt  }
0x72: {  	_ =	shalt  }
0x73: {  	_ =	shalt  }
0x74: {  	_ =	shalt  }
0x75: {  	_ =	shalt  }
0x76: {  	_ =	shalt  }
0x77: {  	_ =	shalt  }
0x78: {  	_ =	shalt  }
0x79: {  	_ =	shalt  }
0x7a: {  	_ =	shalt  }
0x7b: {  	_ =	shalt  }
0x7c: {  	_ =	shalt  }
0x7d: {  	_ =	shalt  }
0x7e: {  	_ =	shalt  }
0x7f: {  	_ =	shalt  }
0x80: {  	_ =	shalt  }
0x81: {  	_ =	shalt  }
0x82: {  	_ =	shalt  }
0x83: {  	_ =	shalt  }
0x84: {  	_ =	shalt  }
0x85: {  	_ =	shalt  }
0x86: {  	_ =	shalt  }
0x87: {  	_ =	shalt  }
.Lfunc_end0:
.L_simem_size_0:
called_computation_lowered:
.L_overlay_start_0:
0x88: {  	s2 =	sld [smem:$0x3FD9]  }
0x89: {  	s3 =	sld [smem:$0x3FFE];
	_ =	sdelay $0x1  }
0x8a: {  	s1 =	srdreg.scid  }
0x8b: {  	s0 =	sand.u32 $0x1, s1  }
0x8c: {  	s17 =	sshll.u32 s0, $0xA;
	s2 =	sadd.s32 s3, s2  }
0x8d: {  	s2 =	sadd.s32 s2, s17  }
0x8e: {  	[smem:$0x3FB8] =	sst s2  }
0x8f: {  	_ = 	snop  }
0x90: {  	s2 =	sld [smem:$0x3FD0];
	(tm) =	ssettm $0x1  }
0x91: {  	s18 =	sld [smem:$0x3FFB];
	_ =	sdelay $0x3  }
0x92: {  	_ =	strace s18  }
0x93: {  	s3 =	sld [smem:$0x3FFC];
	_ =	sdelay $0x3  }
0x94: {  	_ =	strace s3  }
0x95: {  	s3 =	sld [smem:$0x3FFD];
	_ =	sdelay $0x3  }
0x96: {  	_ =	strace s3  }
0x97: {  	_ =	strace $0x8FFFFFFF  }
0x98: {  	s19 =	sld [smem:$0x3FDB];
	_ =	sdelay $0x1  }
0x99: {  	s4 =	simm.s32 $_scs_section_size  }
0x9a: {  	s5 =	simm.s32 $_size__tile_overlayer_lowered;
	s6 =	simm.s32 $_tile_overlayer_lowered  }
0x9b: {  	s22 =	simm.s32 $0x1BFF;
	s21 =	sshll.u32 s6, $0x1;
	s3 =	sadd.s32 s4, s19  }
0x9c: {  	s7 =	simm.s32 $0x0;
	s20 =	sshll.u32 s5, $0x1;
	s5 =	sadd.s32 s21, s3  }
0x9d: {  	[timem:s7], [sflag:s22] =	dma.local [hbm:s5], s20  }
0x9e: {  	_ =	swait.ge [sflag:s22], s20  }
0x9f: {  	s4 =	ssub.s32 $0x0, s20;
	[sflag:s22] =	ssyncset.done $0x0  }
0xa0: {  	[sflag:s22] =	ssyncadd.s32 s4;
	_ =	sdelay $0x1  }
0xa1: {  	s23 =	simm.s32 $0x1B8B  }
0xa2: {  	_ =	swait.ge [sflag:s23], $0x1  }
0xa3: {  	[sflag:s23] =	ssyncset.done $0x0  }
0xa4: {  	s25 =	simm.s32 $0x1B8E;
	s24 =	sld [smem:$0x3FFE];
	[sflag:s23] =	ssyncadd.s32 $0xFFFFFFFF  }
0xa5: {  	s26 =	simm.s32 $execute0_lowered;
	[smem:$0x3FD2] =	sst s25  }
0xa6: {  	s5 =	sshll.u32 s26, $0x1;
	_ =	strace $0x80000046;
	[dreg:$0x1] =	wrdreg $0xFFFFFFFF  }
0xa7: {  	s28 =	simm.s32 $_size_execute0_lowered;
	s3 =	sadd.s32 s3, s5;
	[dreg:$0x0] =	wrdreg $0x0  }
0xa8: {  	s5 =	sshll.u32 s28, $0x1;
	[dreg:$0x2] =	wrdreg s3  }
0xa9: {  	[dreg:$0x3] =	wrdreg s5  }
0xaa: {  	[dreg:$0x4] =	wrdreg $0xC0  }
0xab: {  	_ =	task [dreg:s7], $0x5FFFF  }
0xac: {  	[dreg:$0x1] =	wrdreg $0xFFFFFFFF  }
0xad: {  	[dreg:$0x0] =	wrdreg $0x60  }
0xae: {  	[dreg:$0x2] =	wrdreg s2  }
0xaf: {  	[dreg:$0x3] =	wrdreg s24  }
0xb0: {  	[dreg:$0x4] =	wrdreg $0x68000  }
0xb1: {  	[dreg:$0x5] =	wrdreg $0x9  }
0xb2: {  	_ =	task.clear_ibuf [dreg:s7], $0x6FFFF;
	_ =	strace $0x90000046  }
0xb3: {  	s29 =	simm.s32 $0x9;
	_ =	strace $0x80000048  }
0xb4: {  	_ =	swait.ge [sflag:s29], $0x1  }
0xb5: {  	[sflag:s29] =	ssyncadd.s32 $0xFFFFFFFF  }
0xb6: {  	_ =	strace $0x90000048  }
0xb7: {  	_ =	sfence  }
0xb8: {  	s30 =	sld [smem:$0x0];
	_ =	sdelay $0x2  }
0xb9: {  	s31 =	sshll.u32 s1, $0xD;
	s1 =	sshrl.u32 s1, $0x2  }
0xba: {  	s3 =	sand.u32 $0x4000, s31;
	s1 =	sadd.s32 s1, s30  }
0xbb: {  	s0 =	sor.u32 s3, s0;
	s1 =	sshll.u32 s1, $0x11  }
0xbc: {  	s0 =	sor.u32 s1, s0  }
0xbd: {  	s0 =	sadd.s32 $0x8F2B, s0  }
0xbe: {  	[sflag:s0] =	ssyncadd.remote.s32 $0x1  }
0xbf: {  	_ =	sfence.sel $0xFFFF  }
0xc0: {  	[dreg:$0x0] =	wrdreg $0xFFFFFFFF;
	(pc) =	sbr.abs _section_cstart, $3  }
0xc1: {  	[dreg:$0x1] =	wrdreg $0xFFFFFFFF  }
0xc2: {  	_ =	task.clear_ibuf [dreg:s7], $0x2FFFF;
	_ =	strace $0x9FFFFFFF  }
0xc3: {  	(tm) =	ssettm $0x7FFFFFFF  }
tec
execute0_lowered:
.L_overlay_start_1:
0x0: {  	(tag) =	ssettag $0x1  }
0x1: {  	s6 =	rddreg [dreg:$0x0]  }
0x2: {  	s7 =	rddreg [dreg:$0x1];
	s2 =	srdreg.scid  }
0x3: {  	s1 =	rddreg [dreg:$0x2];
	s8 =	sand.u32 $0x1, s2  }
0x4: {  	s2 =	stileid.u32;
	s5 =	smul.u32 $0x13C000, s8  }
0x5: {  	s0 =	rddreg [dreg:$0x3];
	s3 =	simm.s32 $0x0;
	s9 =	smul.u32 $0x13C00, s2  }
0x6: {  	s13 =	simm.s32 $0x80;
	s14 =	simm.s32 $0x0;
	s10 =	smul.u32 $0x28000, s8  }
0x7: {  	[smem:$0x7FF] =	sst s3;
	s4 =	sadd.s32 $0x7600, s7;
	s11 =	smul.u32 $0x2800, s2  }
0x8: {  	_ =	strace $0x80000047;
	s12 =	smul.u32 $0x4F000, s2;
	s8 =	ssub.s32 $0x2, s8  }
0x9: {  	s31 =	sshll.u32 s2, $0x6;
	s29 =	sshrl.u32 s8, $0x1;
	s9 =	sadd.s32 s9, s5  }
0xa: {  	s5 =	sadd.s32 $0x7E00, s7;
	s28 =	sadd.s32 s11, s10;
	s30 =	sshrl.u32 s12, $0x2  }
0xb: {  	s8 =	ssub.s32 s8, s29;
	s10 =	simm.s32 $0x2800;
	s11 =	sor.u32 $0x1C01, s31  }
0xc: {  	s9 =	sshrl.u32 s9, $0x3;
	s12 =	sadd.s32 s30, s1;
	s8 =	smax.u32 s8, $0x1  }
0xd: {  	s7 =	sadd.s32 s9, s7;
	s9 =	sshrl.u32 s28, $0x3;
	s12 =	sshrl.u32 s12, $0x3  }
0xe: {  	s6 =	sadd.s32 s6, s9;
	s7 =	sadd.s32 $0xA600, s7;
	s9 =	simm.s32 $0x1  }
.LBB2_1:
0xf: {  	[tilespmem:s3], [sflag:$0x1] =	stream.linear.gather [hbm4b:s6+s3], $0x2780, $0x38;
	[tilespmem:$0x1A400] =	vst v63  }
0x10: {  	_ =	swait.ge [sflag:s9], $0x2780  }
0x11: {  	[sflag:s9] =	ssyncset.done $0x0  }
0x12: {  	[sflag:s9] =	ssyncadd.s32 $0xFFFFD880  }
0x13: {  	[tilespmem:s10], [sflag:$0x1] =	stream.linear.gather [hbm4b:s4+s3], $0x4000, $0x38;
	[tilespmem:$0x1A400] =	vst v63  }
0x14: {  	_ =	swait.ge [sflag:s9], $0x4000  }
0x15: {  	[sflag:s9] =	ssyncset.done $0x0  }
0x16: {  	[sflag:s9] =	ssyncadd.s32 $0xFFFFC000  }
0x17: {  	[spmem:s12], [sflag:s11] =	dma.local [hbm:s5], $0x2780  }
0x18: {  	_ =	swait.ge [sflag:s9], $0x2780  }
0x19: {  	[sflag:s9] =	ssyncset.done $0x0  }
0x1a: {  	[sflag:s9] =	ssyncadd.s32 $0xFFFFD880  }
0x1b: {  	s15 =	simm.s32 $0x0;
	[bflag:$0x0] =	sbarrier.arrive $0xFFFF  }
0x1c: {  	[spmem:s1] =	stream.indirect.scatter.add.f32 [tilespmem:s10], [sflag:$0x1], $0x80, s15, s13, $0xb8;
	[tilespmem:$0x1A400] =	vst v63  }
0x1d: {  	_ =	swait.ge [sflag:s9], $0x4000  }
0x1e: {  	s15 =	simm.s32 $0x200;
	[sflag:s9] =	ssyncset.done $0x0  }
.LBB2_2:
0x1f: {  	s16 =	sshra.s32 s15, $0x2;
	[sflag:s9] =	ssyncadd.s32 $0xFFFFC000;
	p0 =	sne.s32 s15, $0x9C00  }
0x20: {  	[spmem:s1] =	stream.indirect.scatter.add.f32 [tilespmem:s10], [sflag:$0x1], $0x80, s16, s13, $0xb8;
	[tilespmem:$0x1A400] =	vst v63  }
.Ltmp0:
0x21: {  	_ = 	snop;
	(pc) =	sbr.rel @p0 .LBB2_2-.Ltmp0, $4  }
0x22: {  	_ = 	snop  }
0x23: {  	s15 =	sadd.s32 $0x200, s15  }
0x24: {  	_ =	swait.ge [sflag:s9], $0x4000  }
0x25: {  	[sflag:s9] =	ssyncset.done $0x0  }
0x26: {  	s14 =	sadd.s32 $0x1, s14  }
0x27: {  	[sflag:s9] =	ssyncadd.s32 $0xFFFFC000;
	p0 =	sne.s32 s14, s8  }
.Ltmp1:
0x28: {  	[bflag:$0x0] =	sbarrier.arrive $0xFFFF;
	(pc) =	sbr.rel @p0 .LBB2_1-.Ltmp1, $4  }
0x29: {  	[hbm:s7], [sflag:s11] =	dma.local [spmem:s12], $0x2780  }
0x2a: {  	_ =	swait.ge [sflag:s9], $0x2780  }
0x2b: {  	[sflag:s9] =	ssyncset.done $0x0  }
0x2c: {  	[sflag:s9] =	ssyncadd.s32 $0xFFFFD880  }
0x2d: {  	_ =	sfence.sel $0x180000  }
0x2e: {  	[bflag:$0x0] =	sbarrier.arrive $0xFFFF  }
0x2f: {  	p0 =	sne.s32 s2, $0x0;
	_ =	strace $0x90000047  }
0x30: {  	s0 =	sadd.s32 @!p0 $0x100000, s0;
	[bflag:$0x2] =	sbarrier.arrive $0xFFFF  }
0x31: {  	[sflag:s0] =	ssyncadd.tile.s32 @!p0 $0x1;
	_ =	shalt  }
.Lfunc_end2:
_tile_overlayer_lowered:
.L_overlay_start_2:
0x32: {  	(tag) =	ssettag $0x2  }
0x33: {  	s0 =	rddreg [dreg:$0x0];
	s2 =	stileid.u32  }
0x34: {  	s1 =	rddreg [dreg:$0x1];
	p0 =	sne.s32 s2, $0x0  }
0x35: {  	s3 =	rddreg [dreg:$0x2];
	[bflag:$0x3] =	sbarrier.arrive $0xFFFF;
	s2 =	simm.s32 @!p0 $0x1C01  }
0x36: {  	[timem:s3], [sflag:s2] =	dma.local @!p0 [hbm:s0], s1  }
0x37: {  	s0 =	simm.s32 @!p0 $0x1  }
0x38: {  	_ =	swait.ge @!p0 [sflag:s0], s1  }
0x39: {  	s1 =	ssub.s32 @!p0 $0x0, s1;
	[sflag:s0] =	ssyncset.done @!p0 $0x0  }
0x3a: {  	[sflag:s0] =	ssyncadd.s32 @!p0 s1  }
0x3b: {  	[bflag:$0x3] =	sbarrier.arrive $0xFFFF  }
0x3c: {  	_ =	shalt  }

// kernel: kernel.21.cloned.1.call-start
scs
__scs_entry_jumppad:
0x0: {  	(pc) =	sbr.rel $0x88, $3  }
0x1: {  	(tag) =	ssettag $0x0;
	lr =	simm.s32 $0x1  }
0x2: {  	[smem:$0x3F91] =	sst lr;
	_ =	strace $0xD0000000  }
0x3: {  	_ = 	snop  }
0x4: {  	_ = 	snop  }
0x5: {  	_ = 	snop  }
0x6: {  	_ = 	snop  }
0x7: {  	_ = 	snop  }
__scs_overlays_trampoline_lowered:
0x8: {  	[smem:$0x3FA0] =	sst s0  }
0x9: {  	[smem:$0x3FA1] =	sst s1  }
0xa: {  	[smem:$0x3FA2] =	sst s2  }
0xb: {  	[smem:$0x3FA3] =	sst s3  }
0xc: {  	[smem:$0x3FA4] =	sst s4  }
0xd: {  	[smem:$0x3FA5] =	sst s5  }
0xe: {  	[smem:$0x3FA6] =	sst s6  }
0xf: {  	[smem:$0x3FA7] =	sst s7  }
0x10: {  	[smem:$0x3FA8] =	sst s8  }
0x11: {  	[smem:$0x3FA9] =	sst s9;
	s0 =	simm.s32 @!p0 $0x0  }
0x12: {  	s1 =	sld [smem:$0x3F8F];
	s0 =	simm.s32 @p0 $0x1  }
0x13: {  	[smem:$0x3FAA] =	sst s0;
	s0 =	simm.s32 @!p1 $0x0  }
0x14: {  	s2 =	sld [smem:$0x3F8E];
	s0 =	simm.s32 @p1 $0x1  }
0x15: {  	[smem:$0x3FAB] =	sst s0;
	s0 =	simm.s32 @!p2 $0x0  }
0x16: {  	s3 =	sld [smem:$0x3FDB];
	s0 =	simm.s32 @p2 $0x1  }
0x17: {  	s4 =	simm.s32 $0x1BF5;
	[smem:$0x3FAD] =	sst s0  }
0x18: {  	s0 =	sld [smem:$0x3F90];
	_ =	swait.ge [sflag:s4], $0x0  }
0x19: {  	s7 =	sld [smem:$0x3F91]  }
0x1a: {  	s8 =	sadd.s32 $0xFFFFE003, lr  }
0x1b: {  	s9 =	sadd.s32 $0xFFFFFEF7, lr;
	s5 =	simm.s32 $0xFFFFFFFF;
	p2 =	slt.u32 s8, $0xFFFFF086  }
0x1c: {  	p1 =	slt.u32 s9, $0xF7A;
	s5 =	simm.s32 @!p2 $0x0  }
0x1d: {  	s5 =	simm.s32 @p1 $0x1;
	p0 =	seq.s32 s7, s2  }
0x1e: {  	s7 =	smul.u32 @!p0 $0xF7A, s2;
	p2 =	seq.s32 @!p0 s5, $0x0  }
0x1f: {  	s9 =	smul.u32 $0xF7A, s1;
	s8 =	simm.s32 @!p0 $0x1BF5;
	p2 =	por !p2, p0  }
0x20: {  	[sflag:s8] =	ssyncset.s32 @!p0 $0xFFFFF086;
	s6 =	sadd.s32 @!p0 s3, s7;
	s7 =	simm.s32 @!p0 $0x108  }
0x21: {  	s3 =	sadd.s32 s3, s9;
	s6 =	sadd.s32 @!p0 $0x88, s6;
	s7 =	simm.s32 @p2 $0x1082  }
0x22: {  	[simem:s7], [sflag:s8] =	dma.local @!p0 [hbm:s6], $0xF7A  }
0x23: {  	s9 =	sor.u32 $0xD0000000, s2;
	s6 =	simm.s32 $0x108;
	_ =	swait.ge @!p0 [sflag:s8], $0x0  }
0x24: {  	s3 =	sadd.s32 $0x88, s3;
	s6 =	simm.s32 @!p1 $0x1082;
	[sflag:s4] =	ssyncset.s32 $0xFFFFF086  }
0x25: {  	[simem:s6], [sflag:s4] =	dma.local [hbm:s3], $0xF7A  }
0x26: {  	[smem:$0x3F91] =	sst s1;
	(tag) =	ssettag s2;
	_ =	strace s9  }
0x27: {  	s1 =	sld [smem:$0x3FA1]  }
0x28: {  	s2 =	sld [smem:$0x3FA2]  }
0x29: {  	s4 =	sld [smem:$0x3FA4]  }
0x2a: {  	p0 =	seq.s32 s5, $0x0;
	s5 =	sld [smem:$0x3FA5]  }
0x2b: {  	s6 =	sld [smem:$0x3FA6]  }
0x2c: {  	s7 =	sld [smem:$0x3FA7]  }
0x2d: {  	s3 =	simm.s32 $0x108;
	s8 =	sld [smem:$0x3FA8]  }
0x2e: {  	s3 =	simm.s32 @!p0 $0x1082;
	s9 =	sld [smem:$0x3FA9]  }
0x2f: {  	lr =	sadd.s32 s0, s3;
	s0 =	sld [smem:$0x3FA0]  }
0x30: {  	s3 =	sld [smem:$0x3FA3]  }
0x31: {  	[smem:$0x3FAC] =	sst s10  }
0x32: {  	s10 =	sld [smem:$0x3FAA];
	_ =	sdelay $0x3  }
0x33: {  	p0 =	seq.s32 s10, $0x1;
	s10 =	sld [smem:$0x3FAC];
	_ =	sdelay $0x3  }
0x34: {  	[smem:$0x3FAC] =	sst s10  }
0x35: {  	s10 =	sld [smem:$0x3FAB];
	_ =	sdelay $0x3  }
0x36: {  	p1 =	seq.s32 s10, $0x1;
	s10 =	sld [smem:$0x3FAC];
	_ =	sdelay $0x3  }
0x37: {  	[smem:$0x3FAC] =	sst s10  }
0x38: {  	s10 =	sld [smem:$0x3FAD]  }
0x39: {  	_ = 	snop;
	(pc) =	sbr.ind lr, $3  }
0x3a: {  	_ = 	snop  }
0x3b: {  	_ = 	snop  }
0x3c: {  	p2 =	seq.s32 s10, $0x1;
	s10 =	sld [smem:$0x3FAC]  }
0x3d: {  	_ =	shalt  }
0x3e: {  	_ =	shalt  }
0x3f: {  	_ =	shalt  }
0x40: {  	_ =	shalt  }
0x41: {  	_ =	shalt  }
0x42: {  	_ =	shalt  }
0x43: {  	_ =	shalt  }
0x44: {  	_ =	shalt  }
0x45: {  	_ =	shalt  }
0x46: {  	_ =	shalt  }
0x47: {  	_ =	shalt  }
0x48: {  	_ =	shalt  }
0x49: {  	_ =	shalt  }
0x4a: {  	_ =	shalt  }
0x4b: {  	_ =	shalt  }
0x4c: {  	_ =	shalt  }
0x4d: {  	_ =	shalt  }
0x4e: {  	_ =	shalt  }
0x4f: {  	_ =	shalt  }
0x50: {  	_ =	shalt  }
0x51: {  	_ =	shalt  }
0x52: {  	_ =	shalt  }
0x53: {  	_ =	shalt  }
0x54: {  	_ =	shalt  }
0x55: {  	_ =	shalt  }
0x56: {  	_ =	shalt  }
0x57: {  	_ =	shalt  }
0x58: {  	_ =	shalt  }
0x59: {  	_ =	shalt  }
0x5a: {  	_ =	shalt  }
0x5b: {  	_ =	shalt  }
0x5c: {  	_ =	shalt  }
0x5d: {  	_ =	shalt  }
0x5e: {  	_ =	shalt  }
0x5f: {  	_ =	shalt  }
0x60: {  	_ =	shalt  }
0x61: {  	_ =	shalt  }
0x62: {  	_ =	shalt  }
0x63: {  	_ =	shalt  }
0x64: {  	_ =	shalt  }
0x65: {  	_ =	shalt  }
0x66: {  	_ =	shalt  }
0x67: {  	_ =	shalt  }
0x68: {  	_ =	shalt  }
0x69: {  	_ =	shalt  }
0x6a: {  	_ =	shalt  }
0x6b: {  	_ =	shalt  }
0x6c: {  	_ =	shalt  }
0x6d: {  	_ =	shalt  }
0x6e: {  	_ =	shalt  }
0x6f: {  	_ =	shalt  }
0x70: {  	_ =	shalt  }
0x71: {  	_ =	shalt  }
0x72: {  	_ =	shalt  }
0x73: {  	_ =	shalt  }
0x74: {  	_ =	shalt  }
0x75: {  	_ =	shalt  }
0x76: {  	_ =	shalt  }
0x77: {  	_ =	shalt  }
0x78: {  	_ =	shalt  }
0x79: {  	_ =	shalt  }
0x7a: {  	_ =	shalt  }
0x7b: {  	_ =	shalt  }
0x7c: {  	_ =	shalt  }
0x7d: {  	_ =	shalt  }
0x7e: {  	_ =	shalt  }
0x7f: {  	_ =	shalt  }
0x80: {  	_ =	shalt  }
0x81: {  	_ =	shalt  }
0x82: {  	_ =	shalt  }
0x83: {  	_ =	shalt  }
0x84: {  	_ =	shalt  }
0x85: {  	_ =	shalt  }
0x86: {  	_ =	shalt  }
0x87: {  	_ =	shalt  }
.Lfunc_end0:
.L_simem_size_0:
called_computation.1_lowered:
.L_overlay_start_0:
0x88: {  	s2 =	sld [smem:$0x3FD9]  }
0x89: {  	s3 =	sld [smem:$0x3FFE];
	_ =	sdelay $0x1  }
0x8a: {  	s1 =	srdreg.scid  }
0x8b: {  	s0 =	sand.u32 $0x1, s1  }
0x8c: {  	s17 =	sshll.u32 s0, $0xA;
	s2 =	sadd.s32 s3, s2  }
0x8d: {  	s2 =	sadd.s32 s2, s17  }
0x8e: {  	[smem:$0x3FB8] =	sst s2  }
0x8f: {  	_ = 	snop  }
0x90: {  	s2 =	sld [smem:$0x3FD0];
	(tm) =	ssettm $0x1  }
0x91: {  	s18 =	sld [smem:$0x3FFB];
	_ =	sdelay $0x3  }
0x92: {  	_ =	strace s18  }
0x93: {  	s3 =	sld [smem:$0x3FFC];
	_ =	sdelay $0x3  }
0x94: {  	_ =	strace s3  }
0x95: {  	s3 =	sld [smem:$0x3FFD];
	_ =	sdelay $0x3  }
0x96: {  	_ =	strace s3  }
0x97: {  	_ =	strace $0x8FFFFFFF  }
0x98: {  	s19 =	sld [smem:$0x3FDB];
	_ =	sdelay $0x1  }
0x99: {  	s4 =	simm.s32 $_scs_section_size  }
0x9a: {  	s5 =	simm.s32 $_size__tile_overlayer_lowered;
	s6 =	simm.s32 $_tile_overlayer_lowered  }
0x9b: {  	s22 =	simm.s32 $0x1BFF;
	s21 =	sshll.u32 s6, $0x1;
	s3 =	sadd.s32 s4, s19  }
0x9c: {  	s7 =	simm.s32 $0x0;
	s20 =	sshll.u32 s5, $0x1;
	s5 =	sadd.s32 s21, s3  }
0x9d: {  	[timem:s7], [sflag:s22] =	dma.local [hbm:s5], s20  }
0x9e: {  	_ =	swait.ge [sflag:s22], s20  }
0x9f: {  	s4 =	ssub.s32 $0x0, s20;
	[sflag:s22] =	ssyncset.done $0x0  }
0xa0: {  	[sflag:s22] =	ssyncadd.s32 s4;
	_ =	sdelay $0x1  }
0xa1: {  	s23 =	simm.s32 $0x1B8B  }
0xa2: {  	_ =	swait.ge [sflag:s23], $0x1  }
0xa3: {  	[sflag:s23] =	ssyncset.done $0x0  }
0xa4: {  	s25 =	simm.s32 $0x1B8E;
	s24 =	sld [smem:$0x3FFE];
	[sflag:s23] =	ssyncadd.s32 $0xFFFFFFFF  }
0xa5: {  	s26 =	simm.s32 $execute0_lowered;
	[smem:$0x3FD2] =	sst s25  }
0xa6: {  	s5 =	sshll.u32 s26, $0x1;
	_ =	strace $0x80000049;
	[dreg:$0x1] =	wrdreg $0xFFFFFFFF  }
0xa7: {  	s28 =	simm.s32 $_size_execute0_lowered;
	s3 =	sadd.s32 s3, s5;
	[dreg:$0x0] =	wrdreg $0x0  }
0xa8: {  	s5 =	sshll.u32 s28, $0x1;
	[dreg:$0x2] =	wrdreg s3  }
0xa9: {  	[dreg:$0x3] =	wrdreg s5  }
0xaa: {  	[dreg:$0x4] =	wrdreg $0xC0  }
0xab: {  	_ =	task [dreg:s7], $0x5FFFF  }
0xac: {  	[dreg:$0x1] =	wrdreg $0xFFFFFFFF  }
0xad: {  	[dreg:$0x0] =	wrdreg $0x60  }
0xae: {  	[dreg:$0x2] =	wrdreg s2  }
0xaf: {  	[dreg:$0x3] =	wrdreg s24  }
0xb0: {  	[dreg:$0x4] =	wrdreg $0x90000  }
0xb1: {  	[dreg:$0x5] =	wrdreg $0x9  }
0xb2: {  	_ =	task.clear_ibuf [dreg:s7], $0x6FFFF;
	_ =	strace $0x90000049  }
0xb3: {  	s29 =	simm.s32 $0x9;
	_ =	strace $0x8000004B  }
0xb4: {  	_ =	swait.ge [sflag:s29], $0x1  }
0xb5: {  	[sflag:s29] =	ssyncadd.s32 $0xFFFFFFFF  }
0xb6: {  	_ =	strace $0x9000004B  }
0xb7: {  	_ =	sfence  }
0xb8: {  	s30 =	sld [smem:$0x0];
	_ =	sdelay $0x2  }
0xb9: {  	s31 =	sshll.u32 s1, $0xD;
	s1 =	sshrl.u32 s1, $0x2  }
0xba: {  	s3 =	sand.u32 $0x4000, s31;
	s1 =	sadd.s32 s1, s30  }
0xbb: {  	s0 =	sor.u32 s3, s0;
	s1 =	sshll.u32 s1, $0x11  }
0xbc: {  	s0 =	sor.u32 s1, s0  }
0xbd: {  	s0 =	sadd.s32 $0x8F2B, s0  }
0xbe: {  	[sflag:s0] =	ssyncadd.remote.s32 $0x1  }
0xbf: {  	_ =	sfence.sel $0xFFFF  }
0xc0: {  	[dreg:$0x0] =	wrdreg $0xFFFFFFFF;
	(pc) =	sbr.abs _section_cstart, $3  }
0xc1: {  	[dreg:$0x1] =	wrdreg $0xFFFFFFFF  }
0xc2: {  	_ =	task.clear_ibuf [dreg:s7], $0x2FFFF;
	_ =	strace $0x9FFFFFFF  }
0xc3: {  	(tm) =	ssettm $0x7FFFFFFF  }
tec
execute0_lowered:
.L_overlay_start_1:
0x0: {  	(tag) =	ssettag $0x1  }
0x1: {  	s1 =	rddreg [dreg:$0x0]  }
0x2: {  	s2 =	srdreg.scid;
	s6 =	rddreg [dreg:$0x1]  }
0x3: {  	s0 =	stileid.u32;
	s3 =	rddreg [dreg:$0x2];
	s4 =	simm.s32 $0x0  }
0x4: {  	s14 =	simm.s32 $0x80;
	s15 =	simm.s32 $0x5000;
	s7 =	smul.u32 $0x2800, s0  }
0x5: {  	s16 =	simm.s32 $0x1;
	s17 =	simm.s32 $0x0;
	s10 =	smul.u32 $0x13C00, s0  }
0x6: {  	s5 =	sand.u32 $0x1, s2;
	s2 =	rddreg [dreg:$0x3];
	s12 =	smul.u32 $0x4F000, s0  }
0x7: {  	[smem:$0x7FF] =	sst s4;
	s31 =	sshll.u32 s0, $0x6;
	s8 =	smul.u32 $0x28000, s5  }
0x8: {  	s9 =	smul.u32 $0x13C000, s5;
	_ =	strace $0x8000004A;
	s29 =	ssub.s32 $0x2, s5  }
0x9: {  	s5 =	sadd.s32 $0x7E00, s6;
	s11 =	sshrl.u32 s29, $0x1;
	s30 =	sshrl.u32 s12, $0x2  }
0xa: {  	s12 =	sor.u32 $0x1C02, s31;
	s8 =	sadd.s32 s7, s8;
	s7 =	sshrl.u32 s7, $0x3  }
0xb: {  	s9 =	sadd.s32 s10, s9;
	s10 =	ssub.s32 s29, s11;
	s13 =	sadd.s32 s30, s3  }
0xc: {  	s11 =	simm.s32 $0x2800;
	s8 =	sshrl.u32 s8, $0x3;
	s7 =	sadd.s32 s7, s6  }
0xd: {  	s9 =	sshrl.u32 s9, $0x3;
	s13 =	sshrl.u32 s13, $0x3;
	s8 =	sadd.s32 s8, s6  }
0xe: {  	s9 =	sadd.s32 s9, s6;
	s7 =	sadd.s32 $0x59600, s7;
	s6 =	sadd.s32 $0x5E600, s8  }
0xf: {  	s8 =	sadd.s32 $0x68600, s9;
	s9 =	smax.u32 s10, $0x1;
	s10 =	simm.s32 $0x2  }
.LBB2_1:
0x10: {  	[tilespmem:s4], [sflag:$0x2] =	stream.linear.gather [hbm4b:s6+s4], $0x2780, $0x38;
	[tilespmem:$0x1CC00] =	vst v63  }
0x11: {  	_ =	swait.ge [sflag:s10], $0x2780  }
0x12: {  	[sflag:s10] =	ssyncset.done $0x0  }
0x13: {  	[sflag:s10] =	ssyncadd.s32 $0xFFFFD880  }
0x14: {  	[tilespmem:s11], [sflag:$0x2] =	stream.linear.gather [hbm4b:s7+s4], $0x2780, $0x38;
	[tilespmem:$0x1CC00] =	vst v63  }
0x15: {  	_ =	swait.ge [sflag:s10], $0x2780  }
0x16: {  	[sflag:s10] =	ssyncset.done $0x0  }
0x17: {  	[sflag:s10] =	ssyncadd.s32 $0xFFFFD880  }
0x18: {  	[spmem:s13], [sflag:s12] =	dma.local [hbm:s5], $0x2780  }
0x19: {  	_ =	swait.ge [sflag:s10], $0x2780  }
0x1a: {  	[sflag:s10] =	ssyncset.done $0x0  }
0x1b: {  	[sflag:s10] =	ssyncadd.s32 $0xFFFFD880  }
0x1c: {  	s18 =	simm.s32 $0x0;
	[bflag:$0x0] =	sbarrier.arrive $0xFFFF  }
0x1d: {  	[tilespmem:s15], [sflag:$0x1] =	stream.indirect.gather [hbm4b:s1+s14], $0x80, s18, s14, $0xb8;
	[tilespmem:$0x1CC00] =	vst v63  }
0x1e: {  	_ =	swait.ge [sflag:s16], $0x4000  }
0x1f: {  	[sflag:s16] =	ssyncset.done $0x0  }
0x20: {  	s31 =	simm.s32 $0x2800;
	[sflag:s16] =	ssyncadd.s32 $0xFFFFC000  }
0x21: {  	[spmem:s3] =	stream.indirect.scatter.add.f32 [tilespmem:s15], [sflag:$0x2], $0x80, s31, s14, $0xb8;
	[tilespmem:$0x1CC00] =	vst v63  }
0x22: {  	_ =	swait.ge [sflag:s10], $0x4000  }
0x23: {  	s19 =	simm.s32 $0x400;
	s18 =	simm.s32 $0x200;
	[sflag:s10] =	ssyncset.done $0x0  }
.LBB2_2:
0x24: {  	s20 =	sshra.s32 s18, $0x2  }
0x25: {  	[sflag:s10] =	ssyncadd.s32 $0xFFFFC000;
	s18 =	smov.u32 s19;
	s21 =	sadd.s32 $0x200, s19  }
0x26: {  	[tilespmem:s15], [sflag:$0x1] =	stream.indirect.gather [hbm4b:s1+s14], $0x80, s20, s14, $0xb8;
	[tilespmem:$0x1CC00] =	vst v63  }
0x27: {  	p0 =	sne.s32 s19, $0x9C00;
	_ =	swait.ge [sflag:s16], $0x4000  }
.Ltmp0:
0x28: {  	[sflag:s16] =	ssyncset.done $0x0;
	(pc) =	sbr.rel @p0 .LBB2_2-.Ltmp0, $4  }
0x29: {  	s19 =	sadd.s32 $0x2800, s20;
	[sflag:s16] =	ssyncadd.s32 $0xFFFFC000  }
0x2a: {  	[spmem:s3] =	stream.indirect.scatter.add.f32 [tilespmem:s15], [sflag:$0x2], $0x80, s19, s14, $0xb8;
	[tilespmem:$0x1CC00] =	vst v63  }
0x2b: {  	_ =	swait.ge [sflag:s10], $0x4000  }
0x2c: {  	s19 =	smov.u32 s21;
	[sflag:s10] =	ssyncset.done $0x0  }
0x2d: {  	s18 =	sshra.s32 s18, $0x2;
	[sflag:s10] =	ssyncadd.s32 $0xFFFFC000  }
0x2e: {  	[tilespmem:s15], [sflag:$0x1] =	stream.indirect.gather [hbm4b:s1+s14], $0x80, s18, s14, $0xb8;
	[tilespmem:$0x1CC00] =	vst v63  }
0x2f: {  	_ =	swait.ge [sflag:s16], $0x4000  }
0x30: {  	[sflag:s16] =	ssyncset.done $0x0  }
0x31: {  	s18 =	sadd.s32 $0x2800, s18;
	[sflag:s16] =	ssyncadd.s32 $0xFFFFC000  }
0x32: {  	[spmem:s3] =	stream.indirect.scatter.add.f32 [tilespmem:s15], [sflag:$0x2], $0x80, s18, s14, $0xb8;
	[tilespmem:$0x1CC00] =	vst v63  }
0x33: {  	_ =	swait.ge [sflag:s10], $0x4000  }
0x34: {  	s17 =	sadd.s32 $0x1, s17;
	[sflag:s10] =	ssyncset.done $0x0  }
0x35: {  	p0 =	sne.s32 s17, s9;
	[sflag:s10] =	ssyncadd.s32 $0xFFFFC000  }
.Ltmp1:
0x36: {  	[bflag:$0x0] =	sbarrier.arrive $0xFFFF;
	(pc) =	sbr.rel @p0 .LBB2_1-.Ltmp1, $4  }
0x37: {  	[hbm:s8], [sflag:s12] =	dma.local [spmem:s13], $0x2780  }
0x38: {  	_ =	swait.ge [sflag:s10], $0x2780  }
0x39: {  	[sflag:s10] =	ssyncset.done $0x0  }
0x3a: {  	[sflag:s10] =	ssyncadd.s32 $0xFFFFD880  }
0x3b: {  	_ =	sfence.sel $0x180000  }
0x3c: {  	[bflag:$0x0] =	sbarrier.arrive $0xFFFF  }
0x3d: {  	p0 =	sne.s32 s0, $0x0;
	_ =	strace $0x9000004A  }
0x3e: {  	s0 =	sadd.s32 @!p0 $0x100000, s2;
	[bflag:$0x2] =	sbarrier.arrive $0xFFFF  }
0x3f: {  	[sflag:s0] =	ssyncadd.tile.s32 @!p0 $0x1;
	_ =	shalt  }
.Lfunc_end2:
_tile_overlayer_lowered:
.L_overlay_start_2:
0x40: {  	(tag) =	ssettag $0x2  }
0x41: {  	s0 =	rddreg [dreg:$0x0];
	s2 =	stileid.u32  }
0x42: {  	s1 =	rddreg [dreg:$0x1];
	p0 =	sne.s32 s2, $0x0  }
0x43: {  	s3 =	rddreg [dreg:$0x2];
	[bflag:$0x3] =	sbarrier.arrive $0xFFFF;
	s2 =	simm.s32 @!p0 $0x1C02  }
0x44: {  	[timem:s3], [sflag:s2] =	dma.local @!p0 [hbm:s0], s1  }
0x45: {  	s0 =	simm.s32 @!p0 $0x2  }
0x46: {  	_ =	swait.ge @!p0 [sflag:s0], s1  }
0x47: {  	s1 =	ssub.s32 @!p0 $0x0, s1;
	[sflag:s0] =	ssyncset.done @!p0 $0x0  }
0x48: {  	[sflag:s0] =	ssyncadd.s32 @!p0 s1  }
0x49: {  	[bflag:$0x3] =	sbarrier.arrive $0xFFFF  }
0x4a: {  	_ =	shalt  }

// kernel: kernel.24.cloned.1.call-start
scs
__scs_entry_jumppad:
0x0: {  	(pc) =	sbr.rel $0x88, $3  }
0x1: {  	(tag) =	ssettag $0x0;
	lr =	simm.s32 $0x1  }
0x2: {  	[smem:$0x3F91] =	sst lr;
	_ =	strace $0xD0000000  }
0x3: {  	_ = 	snop  }
0x4: {  	_ = 	snop  }
0x5: {  	_ = 	snop  }
0x6: {  	_ = 	snop  }
0x7: {  	_ = 	snop  }
__scs_overlays_trampoline_lowered:
0x8: {  	[smem:$0x3FA0] =	sst s0  }
0x9: {  	[smem:$0x3FA1] =	sst s1  }
0xa: {  	[smem:$0x3FA2] =	sst s2  }
0xb: {  	[smem:$0x3FA3] =	sst s3  }
0xc: {  	[smem:$0x3FA4] =	sst s4  }
0xd: {  	[smem:$0x3FA5] =	sst s5  }
0xe: {  	[smem:$0x3FA6] =	sst s6  }
0xf: {  	[smem:$0x3FA7] =	sst s7  }
0x10: {  	[smem:$0x3FA8] =	sst s8  }
0x11: {  	[smem:$0x3FA9] =	sst s9;
	s0 =	simm.s32 @!p0 $0x0  }
0x12: {  	s1 =	sld [smem:$0x3F8F];
	s0 =	simm.s32 @p0 $0x1  }
0x13: {  	[smem:$0x3FAA] =	sst s0;
	s0 =	simm.s32 @!p1 $0x0  }
0x14: {  	s2 =	sld [smem:$0x3F8E];
	s0 =	simm.s32 @p1 $0x1  }
0x15: {  	[smem:$0x3FAB] =	sst s0;
	s0 =	simm.s32 @!p2 $0x0  }
0x16: {  	s3 =	sld [smem:$0x3FDB];
	s0 =	simm.s32 @p2 $0x1  }
0x17: {  	s4 =	simm.s32 $0x1BF5;
	[smem:$0x3FAD] =	sst s0  }
0x18: {  	s0 =	sld [smem:$0x3F90];
	_ =	swait.ge [sflag:s4], $0x0  }
0x19: {  	s7 =	sld [smem:$0x3F91]  }
0x1a: {  	s8 =	sadd.s32 $0xFFFFE003, lr  }
0x1b: {  	s9 =	sadd.s32 $0xFFFFFEF7, lr;
	s5 =	simm.s32 $0xFFFFFFFF;
	p2 =	slt.u32 s8, $0xFFFFF086  }
0x1c: {  	p1 =	slt.u32 s9, $0xF7A;
	s5 =	simm.s32 @!p2 $0x0  }
0x1d: {  	s5 =	simm.s32 @p1 $0x1;
	p0 =	seq.s32 s7, s2  }
0x1e: {  	s7 =	smul.u32 @!p0 $0xF7A, s2;
	p2 =	seq.s32 @!p0 s5, $0x0  }
0x1f: {  	s9 =	smul.u32 $0xF7A, s1;
	s8 =	simm.s32 @!p0 $0x1BF5;
	p2 =	por !p2, p0  }
0x20: {  	[sflag:s8] =	ssyncset.s32 @!p0 $0xFFFFF086;
	s6 =	sadd.s32 @!p0 s3, s7;
	s7 =	simm.s32 @!p0 $0x108  }
0x21: {  	s3 =	sadd.s32 s3, s9;
	s6 =	sadd.s32 @!p0 $0x88, s6;
	s7 =	simm.s32 @p2 $0x1082  }
0x22: {  	[simem:s7], [sflag:s8] =	dma.local @!p0 [hbm:s6], $0xF7A  }
0x23: {  	s9 =	sor.u32 $0xD0000000, s2;
	s6 =	simm.s32 $0x108;
	_ =	swait.ge @!p0 [sflag:s8], $0x0  }
0x24: {  	s3 =	sadd.s32 $0x88, s3;
	s6 =	simm.s32 @!p1 $0x1082;
	[sflag:s4] =	ssyncset.s32 $0xFFFFF086  }
0x25: {  	[simem:s6], [sflag:s4] =	dma.local [hbm:s3], $0xF7A  }
0x26: {  	[smem:$0x3F91] =	sst s1;
	(tag) =	ssettag s2;
	_ =	strace s9  }
0x27: {  	s1 =	sld [smem:$0x3FA1]  }
0x28: {  	s2 =	sld [smem:$0x3FA2]  }
0x29: {  	s4 =	sld [smem:$0x3FA4]  }
0x2a: {  	p0 =	seq.s32 s5, $0x0;
	s5 =	sld [smem:$0x3FA5]  }
0x2b: {  	s6 =	sld [smem:$0x3FA6]  }
0x2c: {  	s7 =	sld [smem:$0x3FA7]  }
0x2d: {  	s3 =	simm.s32 $0x108;
	s8 =	sld [smem:$0x3FA8]  }
0x2e: {  	s3 =	simm.s32 @!p0 $0x1082;
	s9 =	sld [smem:$0x3FA9]  }
0x2f: {  	lr =	sadd.s32 s0, s3;
	s0 =	sld [smem:$0x3FA0]  }
0x30: {  	s3 =	sld [smem:$0x3FA3]  }
0x31: {  	[smem:$0x3FAC] =	sst s10  }
0x32: {  	s10 =	sld [smem:$0x3FAA];
	_ =	sdelay $0x3  }
0x33: {  	p0 =	seq.s32 s10, $0x1;
	s10 =	sld [smem:$0x3FAC];
	_ =	sdelay $0x3  }
0x34: {  	[smem:$0x3FAC] =	sst s10  }
0x35: {  	s10 =	sld [smem:$0x3FAB];
	_ =	sdelay $0x3  }
0x36: {  	p1 =	seq.s32 s10, $0x1;
	s10 =	sld [smem:$0x3FAC];
	_ =	sdelay $0x3  }
0x37: {  	[smem:$0x3FAC] =	sst s10  }
0x38: {  	s10 =	sld [smem:$0x3FAD]  }
0x39: {  	_ = 	snop;
	(pc) =	sbr.ind lr, $3  }
0x3a: {  	_ = 	snop  }
0x3b: {  	_ = 	snop  }
0x3c: {  	p2 =	seq.s32 s10, $0x1;
	s10 =	sld [smem:$0x3FAC]  }
0x3d: {  	_ =	shalt  }
0x3e: {  	_ =	shalt  }
0x3f: {  	_ =	shalt  }
0x40: {  	_ =	shalt  }
0x41: {  	_ =	shalt  }
0x42: {  	_ =	shalt  }
0x43: {  	_ =	shalt  }
0x44: {  	_ =	shalt  }
0x45: {  	_ =	shalt  }
0x46: {  	_ =	shalt  }
0x47: {  	_ =	shalt  }
0x48: {  	_ =	shalt  }
0x49: {  	_ =	shalt  }
0x4a: {  	_ =	shalt  }
0x4b: {  	_ =	shalt  }
0x4c: {  	_ =	shalt  }
0x4d: {  	_ =	shalt  }
0x4e: {  	_ =	shalt  }
0x4f: {  	_ =	shalt  }
0x50: {  	_ =	shalt  }
0x51: {  	_ =	shalt  }
0x52: {  	_ =	shalt  }
0x53: {  	_ =	shalt  }
0x54: {  	_ =	shalt  }
0x55: {  	_ =	shalt  }
0x56: {  	_ =	shalt  }
0x57: {  	_ =	shalt  }
0x58: {  	_ =	shalt  }
0x59: {  	_ =	shalt  }
0x5a: {  	_ =	shalt  }
0x5b: {  	_ =	shalt  }
0x5c: {  	_ =	shalt  }
0x5d: {  	_ =	shalt  }
0x5e: {  	_ =	shalt  }
0x5f: {  	_ =	shalt  }
0x60: {  	_ =	shalt  }
0x61: {  	_ =	shalt  }
0x62: {  	_ =	shalt  }
0x63: {  	_ =	shalt  }
0x64: {  	_ =	shalt  }
0x65: {  	_ =	shalt  }
0x66: {  	_ =	shalt  }
0x67: {  	_ =	shalt  }
0x68: {  	_ =	shalt  }
0x69: {  	_ =	shalt  }
0x6a: {  	_ =	shalt  }
0x6b: {  	_ =	shalt  }
0x6c: {  	_ =	shalt  }
0x6d: {  	_ =	shalt  }
0x6e: {  	_ =	shalt  }
0x6f: {  	_ =	shalt  }
0x70: {  	_ =	shalt  }
0x71: {  	_ =	shalt  }
0x72: {  	_ =	shalt  }
0x73: {  	_ =	shalt  }
0x74: {  	_ =	shalt  }
0x75: {  	_ =	shalt  }
0x76: {  	_ =	shalt  }
0x77: {  	_ =	shalt  }
0x78: {  	_ =	shalt  }
0x79: {  	_ =	shalt  }
0x7a: {  	_ =	shalt  }
0x7b: {  	_ =	shalt  }
0x7c: {  	_ =	shalt  }
0x7d: {  	_ =	shalt  }
0x7e: {  	_ =	shalt  }
0x7f: {  	_ =	shalt  }
0x80: {  	_ =	shalt  }
0x81: {  	_ =	shalt  }
0x82: {  	_ =	shalt  }
0x83: {  	_ =	shalt  }
0x84: {  	_ =	shalt  }
0x85: {  	_ =	shalt  }
0x86: {  	_ =	shalt  }
0x87: {  	_ =	shalt  }
.Lfunc_end0:
.L_simem_size_0:
called_computation.2_lowered:
.L_overlay_start_0:
0x88: {  	s2 =	sld [smem:$0x3FD9]  }
0x89: {  	s3 =	sld [smem:$0x3FFE];
	_ =	sdelay $0x1  }
0x8a: {  	s1 =	srdreg.scid  }
0x8b: {  	s0 =	sand.u32 $0x1, s1  }
0x8c: {  	s17 =	sshll.u32 s0, $0xA;
	s2 =	sadd.s32 s3, s2  }
0x8d: {  	s2 =	sadd.s32 s2, s17  }
0x8e: {  	[smem:$0x3FB8] =	sst s2  }
0x8f: {  	_ = 	snop  }
0x90: {  	s2 =	sld [smem:$0x3FD0];
	(tm) =	ssettm $0x1  }
0x91: {  	s18 =	sld [smem:$0x3FFB];
	_ =	sdelay $0x3  }
0x92: {  	_ =	strace s18  }
0x93: {  	s3 =	sld [smem:$0x3FFC];
	_ =	sdelay $0x3  }
0x94: {  	_ =	strace s3  }
0x95: {  	s3 =	sld [smem:$0x3FFD];
	_ =	sdelay $0x3  }
0x96: {  	_ =	strace s3  }
0x97: {  	_ =	strace $0x8FFFFFFF  }
0x98: {  	s19 =	sld [smem:$0x3FDB];
	_ =	sdelay $0x1  }
0x99: {  	s4 =	simm.s32 $_scs_section_size  }
0x9a: {  	s5 =	simm.s32 $_size__tile_overlayer_lowered;
	s6 =	simm.s32 $_tile_overlayer_lowered  }
0x9b: {  	s22 =	simm.s32 $0x1BFF;
	s21 =	sshll.u32 s6, $0x1;
	s3 =	sadd.s32 s4, s19  }
0x9c: {  	s7 =	simm.s32 $0x0;
	s20 =	sshll.u32 s5, $0x1;
	s5 =	sadd.s32 s21, s3  }
0x9d: {  	[timem:s7], [sflag:s22] =	dma.local [hbm:s5], s20  }
0x9e: {  	_ =	swait.ge [sflag:s22], s20  }
0x9f: {  	s4 =	ssub.s32 $0x0, s20;
	[sflag:s22] =	ssyncset.done $0x0  }
0xa0: {  	[sflag:s22] =	ssyncadd.s32 s4;
	_ =	sdelay $0x1  }
0xa1: {  	s23 =	simm.s32 $0x1B8B  }
0xa2: {  	_ =	swait.ge [sflag:s23], $0x1  }
0xa3: {  	[sflag:s23] =	ssyncset.done $0x0  }
0xa4: {  	s25 =	simm.s32 $0x1B8E;
	s24 =	sld [smem:$0x3FFE];
	[sflag:s23] =	ssyncadd.s32 $0xFFFFFFFF  }
0xa5: {  	s26 =	simm.s32 $execute0_lowered;
	[smem:$0x3FD2] =	sst s25  }
0xa6: {  	s5 =	sshll.u32 s26, $0x1;
	_ =	strace $0x8000004C;
	[dreg:$0x1] =	wrdreg $0xFFFFFFFF  }
0xa7: {  	s28 =	simm.s32 $_size_execute0_lowered;
	s3 =	sadd.s32 s3, s5;
	[dreg:$0x0] =	wrdreg $0x0  }
0xa8: {  	s5 =	sshll.u32 s28, $0x1;
	[dreg:$0x2] =	wrdreg s3  }
0xa9: {  	[dreg:$0x3] =	wrdreg s5  }
0xaa: {  	[dreg:$0x4] =	wrdreg $0xC0  }
0xab: {  	_ =	task [dreg:s7], $0x5FFFF  }
0xac: {  	[dreg:$0x1] =	wrdreg $0xFFFFFFFF  }
0xad: {  	[dreg:$0x0] =	wrdreg $0x60  }
0xae: {  	[dreg:$0x2] =	wrdreg s2  }
0xaf: {  	[dreg:$0x3] =	wrdreg s24  }
0xb0: {  	[dreg:$0x4] =	wrdreg $0x90000  }
0xb1: {  	[dreg:$0x5] =	wrdreg $0x9  }
0xb2: {  	_ =	task.clear_ibuf [dreg:s7], $0x6FFFF;
	_ =	strace $0x9000004C  }
0xb3: {  	s29 =	simm.s32 $0x9;
	_ =	strace $0x8000004E  }
0xb4: {  	_ =	swait.ge [sflag:s29], $0x1  }
0xb5: {  	[sflag:s29] =	ssyncadd.s32 $0xFFFFFFFF  }
0xb6: {  	_ =	strace $0x9000004E  }
0xb7: {  	_ =	sfence  }
0xb8: {  	s30 =	sld [smem:$0x0];
	_ =	sdelay $0x2  }
0xb9: {  	s31 =	sshll.u32 s1, $0xD;
	s1 =	sshrl.u32 s1, $0x2  }
0xba: {  	s3 =	sand.u32 $0x4000, s31;
	s1 =	sadd.s32 s1, s30  }
0xbb: {  	s0 =	sor.u32 s3, s0;
	s1 =	sshll.u32 s1, $0x11  }
0xbc: {  	s0 =	sor.u32 s1, s0  }
0xbd: {  	s0 =	sadd.s32 $0x8F2B, s0  }
0xbe: {  	[sflag:s0] =	ssyncadd.remote.s32 $0x1  }
0xbf: {  	_ =	sfence.sel $0xFFFF  }
0xc0: {  	[dreg:$0x0] =	wrdreg $0xFFFFFFFF;
	(pc) =	sbr.abs _section_cstart, $3  }
0xc1: {  	[dreg:$0x1] =	wrdreg $0xFFFFFFFF  }
0xc2: {  	_ =	task.clear_ibuf [dreg:s7], $0x2FFFF;
	_ =	strace $0x9FFFFFFF  }
0xc3: {  	(tm) =	ssettm $0x7FFFFFFF  }
tec
execute0_lowered:
.L_overlay_start_1:
0x0: {  	(tag) =	ssettag $0x1  }
0x1: {  	s1 =	rddreg [dreg:$0x0]  }
0x2: {  	s2 =	srdreg.scid;
	s6 =	rddreg [dreg:$0x1]  }
0x3: {  	s0 =	stileid.u32;
	s3 =	rddreg [dreg:$0x2];
	s4 =	simm.s32 $0x0  }
0x4: {  	s14 =	simm.s32 $0x80;
	s15 =	simm.s32 $0x5000;
	s7 =	smul.u32 $0x2800, s0  }
0x5: {  	s16 =	simm.s32 $0x1;
	s17 =	simm.s32 $0x0;
	s10 =	smul.u32 $0x13C00, s0  }
0x6: {  	s5 =	sand.u32 $0x1, s2;
	s2 =	rddreg [dreg:$0x3];
	s12 =	smul.u32 $0x4F000, s0  }
0x7: {  	[smem:$0x7FF] =	sst s4;
	s31 =	sshll.u32 s0, $0x6;
	s8 =	smul.u32 $0x28000, s5  }
0x8: {  	s9 =	smul.u32 $0x13C000, s5;
	_ =	strace $0x8000004D;
	s29 =	ssub.s32 $0x2, s5  }
0x9: {  	s5 =	sadd.s32 $0x7E00, s6;
	s11 =	sshrl.u32 s29, $0x1;
	s30 =	sshrl.u32 s12, $0x2  }
0xa: {  	s12 =	sor.u32 $0x1C02, s31;
	s8 =	sadd.s32 s7, s8;
	s7 =	sshrl.u32 s7, $0x3  }
0xb: {  	s9 =	sadd.s32 s10, s9;
	s10 =	ssub.s32 s29, s11;
	s13 =	sadd.s32 s30, s3  }
0xc: {  	s11 =	simm.s32 $0x2800;
	s8 =	sshrl.u32 s8, $0x3;
	s7 =	sadd.s32 s7, s6  }
0xd: {  	s9 =	sshrl.u32 s9, $0x3;
	s13 =	sshrl.u32 s13, $0x3;
	s8 =	sadd.s32 s8, s6  }
0xe: {  	s9 =	sadd.s32 s9, s6;
	s7 =	sadd.s32 $0x59600, s7;
	s6 =	sadd.s32 $0x5E600, s8  }
0xf: {  	s8 =	sadd.s32 $0xB6800, s9;
	s9 =	smax.u32 s10, $0x1;
	s10 =	simm.s32 $0x2  }
.LBB2_1:
0x10: {  	[tilespmem:s4], [sflag:$0x2] =	stream.linear.gather [hbm4b:s6+s4], $0x2780, $0x38;
	[tilespmem:$0x1CC00] =	vst v63  }
0x11: {  	_ =	swait.ge [sflag:s10], $0x2780  }
0x12: {  	[sflag:s10] =	ssyncset.done $0x0  }
0x13: {  	[sflag:s10] =	ssyncadd.s32 $0xFFFFD880  }
0x14: {  	[tilespmem:s11], [sflag:$0x2] =	stream.linear.gather [hbm4b:s7+s4], $0x2780, $0x38;
	[tilespmem:$0x1CC00] =	vst v63  }
0x15: {  	_ =	swait.ge [sflag:s10], $0x2780  }
0x16: {  	[sflag:s10] =	ssyncset.done $0x0  }
0x17: {  	[sflag:s10] =	ssyncadd.s32 $0xFFFFD880  }
0x18: {  	[spmem:s13], [sflag:s12] =	dma.local [hbm:s5], $0x2780  }
0x19: {  	_ =	swait.ge [sflag:s10], $0x2780  }
0x1a: {  	[sflag:s10] =	ssyncset.done $0x0  }
0x1b: {  	[sflag:s10] =	ssyncadd.s32 $0xFFFFD880  }
0x1c: {  	s18 =	simm.s32 $0x0;
	[bflag:$0x0] =	sbarrier.arrive $0xFFFF  }
0x1d: {  	[tilespmem:s15], [sflag:$0x1] =	stream.indirect.gather [hbm4b:s1+s14], $0x80, s18, s14, $0xb8;
	[tilespmem:$0x1CC00] =	vst v63  }
0x1e: {  	_ =	swait.ge [sflag:s16], $0x4000  }
0x1f: {  	[sflag:s16] =	ssyncset.done $0x0  }
0x20: {  	s31 =	simm.s32 $0x2800;
	[sflag:s16] =	ssyncadd.s32 $0xFFFFC000  }
0x21: {  	[spmem:s3] =	stream.indirect.scatter.add.f32 [tilespmem:s15], [sflag:$0x2], $0x80, s31, s14, $0xb8;
	[tilespmem:$0x1CC00] =	vst v63  }
0x22: {  	_ =	swait.ge [sflag:s10], $0x4000  }
0x23: {  	s19 =	simm.s32 $0x400;
	s18 =	simm.s32 $0x200;
	[sflag:s10] =	ssyncset.done $0x0  }
.LBB2_2:
0x24: {  	s20 =	sshra.s32 s18, $0x2  }
0x25: {  	[sflag:s10] =	ssyncadd.s32 $0xFFFFC000;
	s18 =	smov.u32 s19;
	s21 =	sadd.s32 $0x200, s19  }
0x26: {  	[tilespmem:s15], [sflag:$0x1] =	stream.indirect.gather [hbm4b:s1+s14], $0x80, s20, s14, $0xb8;
	[tilespmem:$0x1CC00] =	vst v63  }
0x27: {  	p0 =	sne.s32 s19, $0x9C00;
	_ =	swait.ge [sflag:s16], $0x4000  }
.Ltmp0:
0x28: {  	[sflag:s16] =	ssyncset.done $0x0;
	(pc) =	sbr.rel @p0 .LBB2_2-.Ltmp0, $4  }
0x29: {  	s19 =	sadd.s32 $0x2800, s20;
	[sflag:s16] =	ssyncadd.s32 $0xFFFFC000  }
0x2a: {  	[spmem:s3] =	stream.indirect.scatter.add.f32 [tilespmem:s15], [sflag:$0x2], $0x80, s19, s14, $0xb8;
	[tilespmem:$0x1CC00] =	vst v63  }
0x2b: {  	_ =	swait.ge [sflag:s10], $0x4000  }
0x2c: {  	s19 =	smov.u32 s21;
	[sflag:s10] =	ssyncset.done $0x0  }
0x2d: {  	s18 =	sshra.s32 s18, $0x2;
	[sflag:s10] =	ssyncadd.s32 $0xFFFFC000  }
0x2e: {  	[tilespmem:s15], [sflag:$0x1] =	stream.indirect.gather [hbm4b:s1+s14], $0x80, s18, s14, $0xb8;
	[tilespmem:$0x1CC00] =	vst v63  }
0x2f: {  	_ =	swait.ge [sflag:s16], $0x4000  }
0x30: {  	[sflag:s16] =	ssyncset.done $0x0  }
0x31: {  	s18 =	sadd.s32 $0x2800, s18;
	[sflag:s16] =	ssyncadd.s32 $0xFFFFC000  }
0x32: {  	[spmem:s3] =	stream.indirect.scatter.add.f32 [tilespmem:s15], [sflag:$0x2], $0x80, s18, s14, $0xb8;
	[tilespmem:$0x1CC00] =	vst v63  }
0x33: {  	_ =	swait.ge [sflag:s10], $0x4000  }
0x34: {  	s17 =	sadd.s32 $0x1, s17;
	[sflag:s10] =	ssyncset.done $0x0  }
0x35: {  	p0 =	sne.s32 s17, s9;
	[sflag:s10] =	ssyncadd.s32 $0xFFFFC000  }
.Ltmp1:
0x36: {  	[bflag:$0x0] =	sbarrier.arrive $0xFFFF;
	(pc) =	sbr.rel @p0 .LBB2_1-.Ltmp1, $4  }
0x37: {  	[hbm:s8], [sflag:s12] =	dma.local [spmem:s13], $0x2780  }
0x38: {  	_ =	swait.ge [sflag:s10], $0x2780  }
0x39: {  	[sflag:s10] =	ssyncset.done $0x0  }
0x3a: {  	[sflag:s10] =	ssyncadd.s32 $0xFFFFD880  }
0x3b: {  	_ =	sfence.sel $0x180000  }
0x3c: {  	[bflag:$0x0] =	sbarrier.arrive $0xFFFF  }
0x3d: {  	p0 =	sne.s32 s0, $0x0;
	_ =	strace $0x9000004D  }
0x3e: {  	s0 =	sadd.s32 @!p0 $0x100000, s2;
	[bflag:$0x2] =	sbarrier.arrive $0xFFFF  }
0x3f: {  	[sflag:s0] =	ssyncadd.tile.s32 @!p0 $0x1;
	_ =	shalt  }
.Lfunc_end2:
_tile_overlayer_lowered:
.L_overlay_start_2:
0x40: {  	(tag) =	ssettag $0x2  }
0x41: {  	s0 =	rddreg [dreg:$0x0];
	s2 =	stileid.u32  }
0x42: {  	s1 =	rddreg [dreg:$0x1];
	p0 =	sne.s32 s2, $0x0  }
0x43: {  	s3 =	rddreg [dreg:$0x2];
	[bflag:$0x3] =	sbarrier.arrive $0xFFFF;
	s2 =	simm.s32 @!p0 $0x1C02  }
0x44: {  	[timem:s3], [sflag:s2] =	dma.local @!p0 [hbm:s0], s1  }
0x45: {  	s0 =	simm.s32 @!p0 $0x2  }
0x46: {  	_ =	swait.ge @!p0 [sflag:s0], s1  }
0x47: {  	s1 =	ssub.s32 @!p0 $0x0, s1;
	[sflag:s0] =	ssyncset.done @!p0 $0x0  }
0x48: {  	[sflag:s0] =	ssyncadd.s32 @!p0 s1  }
0x49: {  	[bflag:$0x3] =	sbarrier.arrive $0xFFFF  }
0x4a: {  	_ =	shalt  }

// kernel: kernel.27.cloned.1.call-start
scs
__scs_entry_jumppad:
0x0: {  	(pc) =	sbr.rel $0x88, $3  }
0x1: {  	(tag) =	ssettag $0x0;
	lr =	simm.s32 $0x1  }
0x2: {  	[smem:$0x3F91] =	sst lr;
	_ =	strace $0xD0000000  }
0x3: {  	_ = 	snop  }
0x4: {  	_ = 	snop  }
0x5: {  	_ = 	snop  }
0x6: {  	_ = 	snop  }
0x7: {  	_ = 	snop  }
__scs_overlays_trampoline_lowered:
0x8: {  	[smem:$0x3FA0] =	sst s0  }
0x9: {  	[smem:$0x3FA1] =	sst s1  }
0xa: {  	[smem:$0x3FA2] =	sst s2  }
0xb: {  	[smem:$0x3FA3] =	sst s3  }
0xc: {  	[smem:$0x3FA4] =	sst s4  }
0xd: {  	[smem:$0x3FA5] =	sst s5  }
0xe: {  	[smem:$0x3FA6] =	sst s6  }
0xf: {  	[smem:$0x3FA7] =	sst s7  }
0x10: {  	[smem:$0x3FA8] =	sst s8  }
0x11: {  	[smem:$0x3FA9] =	sst s9;
	s0 =	simm.s32 @!p0 $0x0  }
0x12: {  	s1 =	sld [smem:$0x3F8F];
	s0 =	simm.s32 @p0 $0x1  }
0x13: {  	[smem:$0x3FAA] =	sst s0;
	s0 =	simm.s32 @!p1 $0x0  }
0x14: {  	s2 =	sld [smem:$0x3F8E];
	s0 =	simm.s32 @p1 $0x1  }
0x15: {  	[smem:$0x3FAB] =	sst s0;
	s0 =	simm.s32 @!p2 $0x0  }
0x16: {  	s3 =	sld [smem:$0x3FDB];
	s0 =	simm.s32 @p2 $0x1  }
0x17: {  	s4 =	simm.s32 $0x1BF5;
	[smem:$0x3FAD] =	sst s0  }
0x18: {  	s0 =	sld [smem:$0x3F90];
	_ =	swait.ge [sflag:s4], $0x0  }
0x19: {  	s7 =	sld [smem:$0x3F91]  }
0x1a: {  	s8 =	sadd.s32 $0xFFFFE003, lr  }
0x1b: {  	s9 =	sadd.s32 $0xFFFFFEF7, lr;
	s5 =	simm.s32 $0xFFFFFFFF;
	p2 =	slt.u32 s8, $0xFFFFF086  }
0x1c: {  	p1 =	slt.u32 s9, $0xF7A;
	s5 =	simm.s32 @!p2 $0x0  }
0x1d: {  	s5 =	simm.s32 @p1 $0x1;
	p0 =	seq.s32 s7, s2  }
0x1e: {  	s7 =	smul.u32 @!p0 $0xF7A, s2;
	p2 =	seq.s32 @!p0 s5, $0x0  }
0x1f: {  	s9 =	smul.u32 $0xF7A, s1;
	s8 =	simm.s32 @!p0 $0x1BF5;
	p2 =	por !p2, p0  }
0x20: {  	[sflag:s8] =	ssyncset.s32 @!p0 $0xFFFFF086;
	s6 =	sadd.s32 @!p0 s3, s7;
	s7 =	simm.s32 @!p0 $0x108  }
0x21: {  	s3 =	sadd.s32 s3, s9;
	s6 =	sadd.s32 @!p0 $0x88, s6;
	s7 =	simm.s32 @p2 $0x1082  }
0x22: {  	[simem:s7], [sflag:s8] =	dma.local @!p0 [hbm:s6], $0xF7A  }
0x23: {  	s9 =	sor.u32 $0xD0000000, s2;
	s6 =	simm.s32 $0x108;
	_ =	swait.ge @!p0 [sflag:s8], $0x0  }
0x24: {  	s3 =	sadd.s32 $0x88, s3;
	s6 =	simm.s32 @!p1 $0x1082;
	[sflag:s4] =	ssyncset.s32 $0xFFFFF086  }
0x25: {  	[simem:s6], [sflag:s4] =	dma.local [hbm:s3], $0xF7A  }
0x26: {  	[smem:$0x3F91] =	sst s1;
	(tag) =	ssettag s2;
	_ =	strace s9  }
0x27: {  	s1 =	sld [smem:$0x3FA1]  }
0x28: {  	s2 =	sld [smem:$0x3FA2]  }
0x29: {  	s4 =	sld [smem:$0x3FA4]  }
0x2a: {  	p0 =	seq.s32 s5, $0x0;
	s5 =	sld [smem:$0x3FA5]  }
0x2b: {  	s6 =	sld [smem:$0x3FA6]  }
0x2c: {  	s7 =	sld [smem:$0x3FA7]  }
0x2d: {  	s3 =	simm.s32 $0x108;
	s8 =	sld [smem:$0x3FA8]  }
0x2e: {  	s3 =	simm.s32 @!p0 $0x1082;
	s9 =	sld [smem:$0x3FA9]  }
0x2f: {  	lr =	sadd.s32 s0, s3;
	s0 =	sld [smem:$0x3FA0]  }
0x30: {  	s3 =	sld [smem:$0x3FA3]  }
0x31: {  	[smem:$0x3FAC] =	sst s10  }
0x32: {  	s10 =	sld [smem:$0x3FAA];
	_ =	sdelay $0x3  }
0x33: {  	p0 =	seq.s32 s10, $0x1;
	s10 =	sld [smem:$0x3FAC];
	_ =	sdelay $0x3  }
0x34: {  	[smem:$0x3FAC] =	sst s10  }
0x35: {  	s10 =	sld [smem:$0x3FAB];
	_ =	sdelay $0x3  }
0x36: {  	p1 =	seq.s32 s10, $0x1;
	s10 =	sld [smem:$0x3FAC];
	_ =	sdelay $0x3  }
0x37: {  	[smem:$0x3FAC] =	sst s10  }
0x38: {  	s10 =	sld [smem:$0x3FAD]  }
0x39: {  	_ = 	snop;
	(pc) =	sbr.ind lr, $3  }
0x3a: {  	_ = 	snop  }
0x3b: {  	_ = 	snop  }
0x3c: {  	p2 =	seq.s32 s10, $0x1;
	s10 =	sld [smem:$0x3FAC]  }
0x3d: {  	_ =	shalt  }
0x3e: {  	_ =	shalt  }
0x3f: {  	_ =	shalt  }
0x40: {  	_ =	shalt  }
0x41: {  	_ =	shalt  }
0x42: {  	_ =	shalt  }
0x43: {  	_ =	shalt  }
0x44: {  	_ =	shalt  }
0x45: {  	_ =	shalt  }
0x46: {  	_ =	shalt  }
0x47: {  	_ =	shalt  }
0x48: {  	_ =	shalt  }
0x49: {  	_ =	shalt  }
0x4a: {  	_ =	shalt  }
0x4b: {  	_ =	shalt  }
0x4c: {  	_ =	shalt  }
0x4d: {  	_ =	shalt  }
0x4e: {  	_ =	shalt  }
0x4f: {  	_ =	shalt  }
0x50: {  	_ =	shalt  }
0x51: {  	_ =	shalt  }
0x52: {  	_ =	shalt  }
0x53: {  	_ =	shalt  }
0x54: {  	_ =	shalt  }
0x55: {  	_ =	shalt  }
0x56: {  	_ =	shalt  }
0x57: {  	_ =	shalt  }
0x58: {  	_ =	shalt  }
0x59: {  	_ =	shalt  }
0x5a: {  	_ =	shalt  }
0x5b: {  	_ =	shalt  }
0x5c: {  	_ =	shalt  }
0x5d: {  	_ =	shalt  }
0x5e: {  	_ =	shalt  }
0x5f: {  	_ =	shalt  }
0x60: {  	_ =	shalt  }
0x61: {  	_ =	shalt  }
0x62: {  	_ =	shalt  }
0x63: {  	_ =	shalt  }
0x64: {  	_ =	shalt  }
0x65: {  	_ =	shalt  }
0x66: {  	_ =	shalt  }
0x67: {  	_ =	shalt  }
0x68: {  	_ =	shalt  }
0x69: {  	_ =	shalt  }
0x6a: {  	_ =	shalt  }
0x6b: {  	_ =	shalt  }
0x6c: {  	_ =	shalt  }
0x6d: {  	_ =	shalt  }
0x6e: {  	_ =	shalt  }
0x6f: {  	_ =	shalt  }
0x70: {  	_ =	shalt  }
0x71: {  	_ =	shalt  }
0x72: {  	_ =	shalt  }
0x73: {  	_ =	shalt  }
0x74: {  	_ =	shalt  }
0x75: {  	_ =	shalt  }
0x76: {  	_ =	shalt  }
0x77: {  	_ =	shalt  }
0x78: {  	_ =	shalt  }
0x79: {  	_ =	shalt  }
0x7a: {  	_ =	shalt  }
0x7b: {  	_ =	shalt  }
0x7c: {  	_ =	shalt  }
0x7d: {  	_ =	shalt  }
0x7e: {  	_ =	shalt  }
0x7f: {  	_ =	shalt  }
0x80: {  	_ =	shalt  }
0x81: {  	_ =	shalt  }
0x82: {  	_ =	shalt  }
0x83: {  	_ =	shalt  }
0x84: {  	_ =	shalt  }
0x85: {  	_ =	shalt  }
0x86: {  	_ =	shalt  }
0x87: {  	_ =	shalt  }
.Lfunc_end0:
.L_simem_size_0:
called_computation.3_lowered:
.L_overlay_start_0:
0x88: {  	s2 =	sld [smem:$0x3FD9]  }
0x89: {  	s3 =	sld [smem:$0x3FFE];
	_ =	sdelay $0x1  }
0x8a: {  	s1 =	srdreg.scid  }
0x8b: {  	s0 =	sand.u32 $0x1, s1  }
0x8c: {  	s17 =	sshll.u32 s0, $0xA;
	s2 =	sadd.s32 s3, s2  }
0x8d: {  	s2 =	sadd.s32 s2, s17  }
0x8e: {  	[smem:$0x3FB8] =	sst s2  }
0x8f: {  	_ = 	snop  }
0x90: {  	s2 =	sld [smem:$0x3FD0];
	(tm) =	ssettm $0x1  }
0x91: {  	s18 =	sld [smem:$0x3FFB];
	_ =	sdelay $0x3  }
0x92: {  	_ =	strace s18  }
0x93: {  	s3 =	sld [smem:$0x3FFC];
	_ =	sdelay $0x3  }
0x94: {  	_ =	strace s3  }
0x95: {  	s3 =	sld [smem:$0x3FFD];
	_ =	sdelay $0x3  }
0x96: {  	_ =	strace s3  }
0x97: {  	_ =	strace $0x8FFFFFFF  }
0x98: {  	s19 =	sld [smem:$0x3FDB];
	_ =	sdelay $0x1  }
0x99: {  	s4 =	simm.s32 $_scs_section_size  }
0x9a: {  	s5 =	simm.s32 $_size__tile_overlayer_lowered;
	s6 =	simm.s32 $_tile_overlayer_lowered  }
0x9b: {  	s22 =	simm.s32 $0x1BFF;
	s21 =	sshll.u32 s6, $0x1;
	s3 =	sadd.s32 s4, s19  }
0x9c: {  	s7 =	simm.s32 $0x0;
	s20 =	sshll.u32 s5, $0x1;
	s5 =	sadd.s32 s21, s3  }
0x9d: {  	[timem:s7], [sflag:s22] =	dma.local [hbm:s5], s20  }
0x9e: {  	_ =	swait.ge [sflag:s22], s20  }
0x9f: {  	s4 =	ssub.s32 $0x0, s20;
	[sflag:s22] =	ssyncset.done $0x0  }
0xa0: {  	[sflag:s22] =	ssyncadd.s32 s4;
	_ =	sdelay $0x1  }
0xa1: {  	s23 =	simm.s32 $0x1B8B  }
0xa2: {  	_ =	swait.ge [sflag:s23], $0x1  }
0xa3: {  	[sflag:s23] =	ssyncset.done $0x0  }
0xa4: {  	s25 =	simm.s32 $0x1B8E;
	s24 =	sld [smem:$0x3FFE];
	[sflag:s23] =	ssyncadd.s32 $0xFFFFFFFF  }
0xa5: {  	s26 =	simm.s32 $execute0_lowered;
	[smem:$0x3FD2] =	sst s25  }
0xa6: {  	s5 =	sshll.u32 s26, $0x1;
	_ =	strace $0x8000004F;
	[dreg:$0x1] =	wrdreg $0xFFFFFFFF  }
0xa7: {  	s28 =	simm.s32 $_size_execute0_lowered;
	s3 =	sadd.s32 s3, s5;
	[dreg:$0x0] =	wrdreg $0x0  }
0xa8: {  	s5 =	sshll.u32 s28, $0x1;
	[dreg:$0x2] =	wrdreg s3  }
0xa9: {  	[dreg:$0x3] =	wrdreg s5  }
0xaa: {  	[dreg:$0x4] =	wrdreg $0xC0  }
0xab: {  	_ =	task [dreg:s7], $0x5FFFF  }
0xac: {  	[dreg:$0x1] =	wrdreg $0xFFFFFFFF  }
0xad: {  	[dreg:$0x0] =	wrdreg $0x60  }
0xae: {  	[dreg:$0x2] =	wrdreg s2  }
0xaf: {  	[dreg:$0x3] =	wrdreg s24  }
0xb0: {  	[dreg:$0x4] =	wrdreg $0x90000  }
0xb1: {  	[dreg:$0x5] =	wrdreg $0x9  }
0xb2: {  	_ =	task.clear_ibuf [dreg:s7], $0x6FFFF;
	_ =	strace $0x9000004F  }
0xb3: {  	s29 =	simm.s32 $0x9;
	_ =	strace $0x80000051  }
0xb4: {  	_ =	swait.ge [sflag:s29], $0x1  }
0xb5: {  	[sflag:s29] =	ssyncadd.s32 $0xFFFFFFFF  }
0xb6: {  	_ =	strace $0x90000051  }
0xb7: {  	_ =	sfence  }
0xb8: {  	s30 =	sld [smem:$0x0];
	_ =	sdelay $0x2  }
0xb9: {  	s31 =	sshll.u32 s1, $0xD;
	s1 =	sshrl.u32 s1, $0x2  }
0xba: {  	s3 =	sand.u32 $0x4000, s31;
	s1 =	sadd.s32 s1, s30  }
0xbb: {  	s0 =	sor.u32 s3, s0;
	s1 =	sshll.u32 s1, $0x11  }
0xbc: {  	s0 =	sor.u32 s1, s0  }
0xbd: {  	s0 =	sadd.s32 $0x8F2B, s0  }
0xbe: {  	[sflag:s0] =	ssyncadd.remote.s32 $0x1  }
0xbf: {  	_ =	sfence.sel $0xFFFF  }
0xc0: {  	[dreg:$0x0] =	wrdreg $0xFFFFFFFF;
	(pc) =	sbr.abs _section_cstart, $3  }
0xc1: {  	[dreg:$0x1] =	wrdreg $0xFFFFFFFF  }
0xc2: {  	_ =	task.clear_ibuf [dreg:s7], $0x2FFFF;
	_ =	strace $0x9FFFFFFF  }
0xc3: {  	(tm) =	ssettm $0x7FFFFFFF  }
tec
execute0_lowered:
.L_overlay_start_1:
0x0: {  	(tag) =	ssettag $0x1  }
0x1: {  	s1 =	rddreg [dreg:$0x0]  }
0x2: {  	s2 =	srdreg.scid;
	s6 =	rddreg [dreg:$0x1]  }
0x3: {  	s0 =	stileid.u32;
	s3 =	rddreg [dreg:$0x2];
	s4 =	simm.s32 $0x0  }
0x4: {  	s14 =	simm.s32 $0x80;
	s15 =	simm.s32 $0x5000;
	s7 =	smul.u32 $0x2800, s0  }
0x5: {  	s16 =	simm.s32 $0x1;
	s17 =	simm.s32 $0x0;
	s10 =	smul.u32 $0x13C00, s0  }
0x6: {  	s5 =	sand.u32 $0x1, s2;
	s2 =	rddreg [dreg:$0x3];
	s12 =	smul.u32 $0x4F000, s0  }
0x7: {  	[smem:$0x7FF] =	sst s4;
	s31 =	sshll.u32 s0, $0x6;
	s8 =	smul.u32 $0x28000, s5  }
0x8: {  	s9 =	smul.u32 $0x13C000, s5;
	_ =	strace $0x80000050;
	s29 =	ssub.s32 $0x2, s5  }
0x9: {  	s5 =	sadd.s32 $0x7E00, s6;
	s11 =	sshrl.u32 s29, $0x1;
	s30 =	sshrl.u32 s12, $0x2  }
0xa: {  	s12 =	sor.u32 $0x1C02, s31;
	s8 =	sadd.s32 s7, s8;
	s7 =	sshrl.u32 s7, $0x3  }
0xb: {  	s9 =	sadd.s32 s10, s9;
	s10 =	ssub.s32 s29, s11;
	s13 =	sadd.s32 s30, s3  }
0xc: {  	s11 =	simm.s32 $0x2800;
	s8 =	sshrl.u32 s8, $0x3;
	s7 =	sadd.s32 s7, s6  }
0xd: {  	s9 =	sshrl.u32 s9, $0x3;
	s13 =	sshrl.u32 s13, $0x3;
	s8 =	sadd.s32 s8, s6  }
0xe: {  	s9 =	sadd.s32 s9, s6;
	s7 =	sadd.s32 $0x59600, s7;
	s6 =	sadd.s32 $0x5E600, s8  }
0xf: {  	s8 =	sadd.s32 $0xB6800, s9;
	s9 =	smax.u32 s10, $0x1;
	s10 =	simm.s32 $0x2  }
.LBB2_1:
0x10: {  	[tilespmem:s4], [sflag:$0x2] =	stream.linear.gather [hbm4b:s6+s4], $0x2780, $0x38;
	[tilespmem:$0x1CC00] =	vst v63  }
0x11: {  	_ =	swait.ge [sflag:s10], $0x2780  }
0x12: {  	[sflag:s10] =	ssyncset.done $0x0  }
0x13: {  	[sflag:s10] =	ssyncadd.s32 $0xFFFFD880  }
0x14: {  	[tilespmem:s11], [sflag:$0x2] =	stream.linear.gather [hbm4b:s7+s4], $0x2780, $0x38;
	[tilespmem:$0x1CC00] =	vst v63  }
0x15: {  	_ =	swait.ge [sflag:s10], $0x2780  }
0x16: {  	[sflag:s10] =	ssyncset.done $0x0  }
0x17: {  	[sflag:s10] =	ssyncadd.s32 $0xFFFFD880  }
0x18: {  	[spmem:s13], [sflag:s12] =	dma.local [hbm:s5], $0x2780  }
0x19: {  	_ =	swait.ge [sflag:s10], $0x2780  }
0x1a: {  	[sflag:s10] =	ssyncset.done $0x0  }
0x1b: {  	[sflag:s10] =	ssyncadd.s32 $0xFFFFD880  }
0x1c: {  	s18 =	simm.s32 $0x0;
	[bflag:$0x0] =	sbarrier.arrive $0xFFFF  }
0x1d: {  	[tilespmem:s15], [sflag:$0x1] =	stream.indirect.gather [hbm4b:s1+s14], $0x80, s18, s14, $0xb8;
	[tilespmem:$0x1CC00] =	vst v63  }
0x1e: {  	_ =	swait.ge [sflag:s16], $0x4000  }
0x1f: {  	[sflag:s16] =	ssyncset.done $0x0  }
0x20: {  	s31 =	simm.s32 $0x2800;
	[sflag:s16] =	ssyncadd.s32 $0xFFFFC000  }
0x21: {  	[spmem:s3] =	stream.indirect.scatter.add.f32 [tilespmem:s15], [sflag:$0x2], $0x80, s31, s14, $0xb8;
	[tilespmem:$0x1CC00] =	vst v63  }
0x22: {  	_ =	swait.ge [sflag:s10], $0x4000  }
0x23: {  	s19 =	simm.s32 $0x400;
	s18 =	simm.s32 $0x200;
	[sflag:s10] =	ssyncset.done $0x0  }
.LBB2_2:
0x24: {  	s20 =	sshra.s32 s18, $0x2  }
0x25: {  	[sflag:s10] =	ssyncadd.s32 $0xFFFFC000;
	s18 =	smov.u32 s19;
	s21 =	sadd.s32 $0x200, s19  }
0x26: {  	[tilespmem:s15], [sflag:$0x1] =	stream.indirect.gather [hbm4b:s1+s14], $0x80, s20, s14, $0xb8;
	[tilespmem:$0x1CC00] =	vst v63  }
0x27: {  	p0 =	sne.s32 s19, $0x9C00;
	_ =	swait.ge [sflag:s16], $0x4000  }
.Ltmp0:
0x28: {  	[sflag:s16] =	ssyncset.done $0x0;
	(pc) =	sbr.rel @p0 .LBB2_2-.Ltmp0, $4  }
0x29: {  	s19 =	sadd.s32 $0x2800, s20;
	[sflag:s16] =	ssyncadd.s32 $0xFFFFC000  }
0x2a: {  	[spmem:s3] =	stream.indirect.scatter.add.f32 [tilespmem:s15], [sflag:$0x2], $0x80, s19, s14, $0xb8;
	[tilespmem:$0x1CC00] =	vst v63  }
0x2b: {  	_ =	swait.ge [sflag:s10], $0x4000  }
0x2c: {  	s19 =	smov.u32 s21;
	[sflag:s10] =	ssyncset.done $0x0  }
0x2d: {  	s18 =	sshra.s32 s18, $0x2;
	[sflag:s10] =	ssyncadd.s32 $0xFFFFC000  }
0x2e: {  	[tilespmem:s15], [sflag:$0x1] =	stream.indirect.gather [hbm4b:s1+s14], $0x80, s18, s14, $0xb8;
	[tilespmem:$0x1CC00] =	vst v63  }
0x2f: {  	_ =	swait.ge [sflag:s16], $0x4000  }
0x30: {  	[sflag:s16] =	ssyncset.done $0x0  }
0x31: {  	s18 =	sadd.s32 $0x2800, s18;
	[sflag:s16] =	ssyncadd.s32 $0xFFFFC000  }
0x32: {  	[spmem:s3] =	stream.indirect.scatter.add.f32 [tilespmem:s15], [sflag:$0x2], $0x80, s18, s14, $0xb8;
	[tilespmem:$0x1CC00] =	vst v63  }
0x33: {  	_ =	swait.ge [sflag:s10], $0x4000  }
0x34: {  	s17 =	sadd.s32 $0x1, s17;
	[sflag:s10] =	ssyncset.done $0x0  }
0x35: {  	p0 =	sne.s32 s17, s9;
	[sflag:s10] =	ssyncadd.s32 $0xFFFFC000  }
.Ltmp1:
0x36: {  	[bflag:$0x0] =	sbarrier.arrive $0xFFFF;
	(pc) =	sbr.rel @p0 .LBB2_1-.Ltmp1, $4  }
0x37: {  	[hbm:s8], [sflag:s12] =	dma.local [spmem:s13], $0x2780  }
0x38: {  	_ =	swait.ge [sflag:s10], $0x2780  }
0x39: {  	[sflag:s10] =	ssyncset.done $0x0  }
0x3a: {  	[sflag:s10] =	ssyncadd.s32 $0xFFFFD880  }
0x3b: {  	_ =	sfence.sel $0x180000  }
0x3c: {  	[bflag:$0x0] =	sbarrier.arrive $0xFFFF  }
0x3d: {  	p0 =	sne.s32 s0, $0x0;
	_ =	strace $0x90000050  }
0x3e: {  	s0 =	sadd.s32 @!p0 $0x100000, s2;
	[bflag:$0x2] =	sbarrier.arrive $0xFFFF  }
0x3f: {  	[sflag:s0] =	ssyncadd.tile.s32 @!p0 $0x1;
	_ =	shalt  }
.Lfunc_end2:
_tile_overlayer_lowered:
.L_overlay_start_2:
0x40: {  	(tag) =	ssettag $0x2  }
0x41: {  	s0 =	rddreg [dreg:$0x0];
	s2 =	stileid.u32  }
0x42: {  	s1 =	rddreg [dreg:$0x1];
	p0 =	sne.s32 s2, $0x0  }
0x43: {  	s3 =	rddreg [dreg:$0x2];
	[bflag:$0x3] =	sbarrier.arrive $0xFFFF;
	s2 =	simm.s32 @!p0 $0x1C02  }
0x44: {  	[timem:s3], [sflag:s2] =	dma.local @!p0 [hbm:s0], s1  }
0x45: {  	s0 =	simm.s32 @!p0 $0x2  }
0x46: {  	_ =	swait.ge @!p0 [sflag:s0], s1  }
0x47: {  	s1 =	ssub.s32 @!p0 $0x0, s1;
	[sflag:s0] =	ssyncset.done @!p0 $0x0  }
0x48: {  	[sflag:s0] =	ssyncadd.s32 @!p0 s1  }
0x49: {  	[bflag:$0x3] =	sbarrier.arrive $0xFFFF  }
0x4a: {  	_ =	shalt  }

// kernel: kernel.30.cloned.1.call-start
scs
__scs_entry_jumppad:
0x0: {  	(pc) =	sbr.rel $0x88, $3  }
0x1: {  	(tag) =	ssettag $0x0;
	lr =	simm.s32 $0x1  }
0x2: {  	[smem:$0x3F91] =	sst lr;
	_ =	strace $0xD0000000  }
0x3: {  	_ = 	snop  }
0x4: {  	_ = 	snop  }
0x5: {  	_ = 	snop  }
0x6: {  	_ = 	snop  }
0x7: {  	_ = 	snop  }
__scs_overlays_trampoline_lowered:
0x8: {  	[smem:$0x3FA0] =	sst s0  }
0x9: {  	[smem:$0x3FA1] =	sst s1  }
0xa: {  	[smem:$0x3FA2] =	sst s2  }
0xb: {  	[smem:$0x3FA3] =	sst s3  }
0xc: {  	[smem:$0x3FA4] =	sst s4  }
0xd: {  	[smem:$0x3FA5] =	sst s5  }
0xe: {  	[smem:$0x3FA6] =	sst s6  }
0xf: {  	[smem:$0x3FA7] =	sst s7  }
0x10: {  	[smem:$0x3FA8] =	sst s8  }
0x11: {  	[smem:$0x3FA9] =	sst s9;
	s0 =	simm.s32 @!p0 $0x0  }
0x12: {  	s1 =	sld [smem:$0x3F8F];
	s0 =	simm.s32 @p0 $0x1  }
0x13: {  	[smem:$0x3FAA] =	sst s0;
	s0 =	simm.s32 @!p1 $0x0  }
0x14: {  	s2 =	sld [smem:$0x3F8E];
	s0 =	simm.s32 @p1 $0x1  }
0x15: {  	[smem:$0x3FAB] =	sst s0;
	s0 =	simm.s32 @!p2 $0x0  }
0x16: {  	s3 =	sld [smem:$0x3FDB];
	s0 =	simm.s32 @p2 $0x1  }
0x17: {  	s4 =	simm.s32 $0x1BF5;
	[smem:$0x3FAD] =	sst s0  }
0x18: {  	s0 =	sld [smem:$0x3F90];
	_ =	swait.ge [sflag:s4], $0x0  }
0x19: {  	s7 =	sld [smem:$0x3F91]  }
0x1a: {  	s8 =	sadd.s32 $0xFFFFE003, lr  }
0x1b: {  	s9 =	sadd.s32 $0xFFFFFEF7, lr;
	s5 =	simm.s32 $0xFFFFFFFF;
	p2 =	slt.u32 s8, $0xFFFFF086  }
0x1c: {  	p1 =	slt.u32 s9, $0xF7A;
	s5 =	simm.s32 @!p2 $0x0  }
0x1d: {  	s5 =	simm.s32 @p1 $0x1;
	p0 =	seq.s32 s7, s2  }
0x1e: {  	s7 =	smul.u32 @!p0 $0xF7A, s2;
	p2 =	seq.s32 @!p0 s5, $0x0  }
0x1f: {  	s9 =	smul.u32 $0xF7A, s1;
	s8 =	simm.s32 @!p0 $0x1BF5;
	p2 =	por !p2, p0  }
0x20: {  	[sflag:s8] =	ssyncset.s32 @!p0 $0xFFFFF086;
	s6 =	sadd.s32 @!p0 s3, s7;
	s7 =	simm.s32 @!p0 $0x108  }
0x21: {  	s3 =	sadd.s32 s3, s9;
	s6 =	sadd.s32 @!p0 $0x88, s6;
	s7 =	simm.s32 @p2 $0x1082  }
0x22: {  	[simem:s7], [sflag:s8] =	dma.local @!p0 [hbm:s6], $0xF7A  }
0x23: {  	s9 =	sor.u32 $0xD0000000, s2;
	s6 =	simm.s32 $0x108;
	_ =	swait.ge @!p0 [sflag:s8], $0x0  }
0x24: {  	s3 =	sadd.s32 $0x88, s3;
	s6 =	simm.s32 @!p1 $0x1082;
	[sflag:s4] =	ssyncset.s32 $0xFFFFF086  }
0x25: {  	[simem:s6], [sflag:s4] =	dma.local [hbm:s3], $0xF7A  }
0x26: {  	[smem:$0x3F91] =	sst s1;
	(tag) =	ssettag s2;
	_ =	strace s9  }
0x27: {  	s1 =	sld [smem:$0x3FA1]  }
0x28: {  	s2 =	sld [smem:$0x3FA2]  }
0x29: {  	s4 =	sld [smem:$0x3FA4]  }
0x2a: {  	p0 =	seq.s32 s5, $0x0;
	s5 =	sld [smem:$0x3FA5]  }
0x2b: {  	s6 =	sld [smem:$0x3FA6]  }
0x2c: {  	s7 =	sld [smem:$0x3FA7]  }
0x2d: {  	s3 =	simm.s32 $0x108;
	s8 =	sld [smem:$0x3FA8]  }
0x2e: {  	s3 =	simm.s32 @!p0 $0x1082;
	s9 =	sld [smem:$0x3FA9]  }
0x2f: {  	lr =	sadd.s32 s0, s3;
	s0 =	sld [smem:$0x3FA0]  }
0x30: {  	s3 =	sld [smem:$0x3FA3]  }
0x31: {  	[smem:$0x3FAC] =	sst s10  }
0x32: {  	s10 =	sld [smem:$0x3FAA];
	_ =	sdelay $0x3  }
0x33: {  	p0 =	seq.s32 s10, $0x1;
	s10 =	sld [smem:$0x3FAC];
	_ =	sdelay $0x3  }
0x34: {  	[smem:$0x3FAC] =	sst s10  }
0x35: {  	s10 =	sld [smem:$0x3FAB];
	_ =	sdelay $0x3  }
0x36: {  	p1 =	seq.s32 s10, $0x1;
	s10 =	sld [smem:$0x3FAC];
	_ =	sdelay $0x3  }
0x37: {  	[smem:$0x3FAC] =	sst s10  }
0x38: {  	s10 =	sld [smem:$0x3FAD]  }
0x39: {  	_ = 	snop;
	(pc) =	sbr.ind lr, $3  }
0x3a: {  	_ = 	snop  }
0x3b: {  	_ = 	snop  }
0x3c: {  	p2 =	seq.s32 s10, $0x1;
	s10 =	sld [smem:$0x3FAC]  }
0x3d: {  	_ =	shalt  }
0x3e: {  	_ =	shalt  }
0x3f: {  	_ =	shalt  }
0x40: {  	_ =	shalt  }
0x41: {  	_ =	shalt  }
0x42: {  	_ =	shalt  }
0x43: {  	_ =	shalt  }
0x44: {  	_ =	shalt  }
0x45: {  	_ =	shalt  }
0x46: {  	_ =	shalt  }
0x47: {  	_ =	shalt  }
0x48: {  	_ =	shalt  }
0x49: {  	_ =	shalt  }
0x4a: {  	_ =	shalt  }
0x4b: {  	_ =	shalt  }
0x4c: {  	_ =	shalt  }
0x4d: {  	_ =	shalt  }
0x4e: {  	_ =	shalt  }
0x4f: {  	_ =	shalt  }
0x50: {  	_ =	shalt  }
0x51: {  	_ =	shalt  }
0x52: {  	_ =	shalt  }
0x53: {  	_ =	shalt  }
0x54: {  	_ =	shalt  }
0x55: {  	_ =	shalt  }
0x56: {  	_ =	shalt  }
0x57: {  	_ =	shalt  }
0x58: {  	_ =	shalt  }
0x59: {  	_ =	shalt  }
0x5a: {  	_ =	shalt  }
0x5b: {  	_ =	shalt  }
0x5c: {  	_ =	shalt  }
0x5d: {  	_ =	shalt  }
0x5e: {  	_ =	shalt  }
0x5f: {  	_ =	shalt  }
0x60: {  	_ =	shalt  }
0x61: {  	_ =	shalt  }
0x62: {  	_ =	shalt  }
0x63: {  	_ =	shalt  }
0x64: {  	_ =	shalt  }
0x65: {  	_ =	shalt  }
0x66: {  	_ =	shalt  }
0x67: {  	_ =	shalt  }
0x68: {  	_ =	shalt  }
0x69: {  	_ =	shalt  }
0x6a: {  	_ =	shalt  }
0x6b: {  	_ =	shalt  }
0x6c: {  	_ =	shalt  }
0x6d: {  	_ =	shalt  }
0x6e: {  	_ =	shalt  }
0x6f: {  	_ =	shalt  }
0x70: {  	_ =	shalt  }
0x71: {  	_ =	shalt  }
0x72: {  	_ =	shalt  }
0x73: {  	_ =	shalt  }
0x74: {  	_ =	shalt  }
0x75: {  	_ =	shalt  }
0x76: {  	_ =	shalt  }
0x77: {  	_ =	shalt  }
0x78: {  	_ =	shalt  }
0x79: {  	_ =	shalt  }
0x7a: {  	_ =	shalt  }
0x7b: {  	_ =	shalt  }
0x7c: {  	_ =	shalt  }
0x7d: {  	_ =	shalt  }
0x7e: {  	_ =	shalt  }
0x7f: {  	_ =	shalt  }
0x80: {  	_ =	shalt  }
0x81: {  	_ =	shalt  }
0x82: {  	_ =	shalt  }
0x83: {  	_ =	shalt  }
0x84: {  	_ =	shalt  }
0x85: {  	_ =	shalt  }
0x86: {  	_ =	shalt  }
0x87: {  	_ =	shalt  }
.Lfunc_end0:
.L_simem_size_0:
called_computation.4_lowered:
.L_overlay_start_0:
0x88: {  	s2 =	sld [smem:$0x3FD9]  }
0x89: {  	s3 =	sld [smem:$0x3FFE];
	_ =	sdelay $0x1  }
0x8a: {  	s1 =	srdreg.scid  }
0x8b: {  	s0 =	sand.u32 $0x1, s1  }
0x8c: {  	s17 =	sshll.u32 s0, $0xA;
	s2 =	sadd.s32 s3, s2  }
0x8d: {  	s2 =	sadd.s32 s2, s17  }
0x8e: {  	[smem:$0x3FB8] =	sst s2  }
0x8f: {  	_ = 	snop  }
0x90: {  	s2 =	sld [smem:$0x3FD0];
	(tm) =	ssettm $0x1  }
0x91: {  	s18 =	sld [smem:$0x3FFB];
	_ =	sdelay $0x3  }
0x92: {  	_ =	strace s18  }
0x93: {  	s3 =	sld [smem:$0x3FFC];
	_ =	sdelay $0x3  }
0x94: {  	_ =	strace s3  }
0x95: {  	s3 =	sld [smem:$0x3FFD];
	_ =	sdelay $0x3  }
0x96: {  	_ =	strace s3  }
0x97: {  	_ =	strace $0x8FFFFFFF  }
0x98: {  	s19 =	sld [smem:$0x3FDB];
	_ =	sdelay $0x1  }
0x99: {  	s4 =	simm.s32 $_scs_section_size  }
0x9a: {  	s5 =	simm.s32 $_size__tile_overlayer_lowered;
	s6 =	simm.s32 $_tile_overlayer_lowered  }
0x9b: {  	s22 =	simm.s32 $0x1BFF;
	s21 =	sshll.u32 s6, $0x1;
	s3 =	sadd.s32 s4, s19  }
0x9c: {  	s7 =	simm.s32 $0x0;
	s20 =	sshll.u32 s5, $0x1;
	s5 =	sadd.s32 s21, s3  }
0x9d: {  	[timem:s7], [sflag:s22] =	dma.local [hbm:s5], s20  }
0x9e: {  	_ =	swait.ge [sflag:s22], s20  }
0x9f: {  	s4 =	ssub.s32 $0x0, s20;
	[sflag:s22] =	ssyncset.done $0x0  }
0xa0: {  	[sflag:s22] =	ssyncadd.s32 s4;
	_ =	sdelay $0x1  }
0xa1: {  	s23 =	simm.s32 $0x1B8B  }
0xa2: {  	_ =	swait.ge [sflag:s23], $0x1  }
0xa3: {  	[sflag:s23] =	ssyncset.done $0x0  }
0xa4: {  	s25 =	simm.s32 $0x1B8E;
	s24 =	sld [smem:$0x3FFE];
	[sflag:s23] =	ssyncadd.s32 $0xFFFFFFFF  }
0xa5: {  	s26 =	simm.s32 $execute0_lowered;
	[smem:$0x3FD2] =	sst s25  }
0xa6: {  	s5 =	sshll.u32 s26, $0x1;
	_ =	strace $0x80000052;
	[dreg:$0x1] =	wrdreg $0xFFFFFFFF  }
0xa7: {  	s28 =	simm.s32 $_size_execute0_lowered;
	s3 =	sadd.s32 s3, s5;
	[dreg:$0x0] =	wrdreg $0x0  }
0xa8: {  	s5 =	sshll.u32 s28, $0x1;
	[dreg:$0x2] =	wrdreg s3  }
0xa9: {  	[dreg:$0x3] =	wrdreg s5  }
0xaa: {  	[dreg:$0x4] =	wrdreg $0xC0  }
0xab: {  	_ =	task [dreg:s7], $0x5FFFF  }
0xac: {  	[dreg:$0x1] =	wrdreg $0xFFFFFFFF  }
0xad: {  	[dreg:$0x0] =	wrdreg $0x60  }
0xae: {  	[dreg:$0x2] =	wrdreg s2  }
0xaf: {  	[dreg:$0x3] =	wrdreg s24  }
0xb0: {  	[dreg:$0x4] =	wrdreg $0x90000  }
0xb1: {  	[dreg:$0x5] =	wrdreg $0x9  }
0xb2: {  	_ =	task.clear_ibuf [dreg:s7], $0x6FFFF;
	_ =	strace $0x90000052  }
0xb3: {  	s29 =	simm.s32 $0x9;
	_ =	strace $0x80000054  }
0xb4: {  	_ =	swait.ge [sflag:s29], $0x1  }
0xb5: {  	[sflag:s29] =	ssyncadd.s32 $0xFFFFFFFF  }
0xb6: {  	_ =	strace $0x90000054  }
0xb7: {  	_ =	sfence  }
0xb8: {  	s30 =	sld [smem:$0x0];
	_ =	sdelay $0x2  }
0xb9: {  	s31 =	sshll.u32 s1, $0xD;
	s1 =	sshrl.u32 s1, $0x2  }
0xba: {  	s3 =	sand.u32 $0x4000, s31;
	s1 =	sadd.s32 s1, s30  }
0xbb: {  	s0 =	sor.u32 s3, s0;
	s1 =	sshll.u32 s1, $0x11  }
0xbc: {  	s0 =	sor.u32 s1, s0  }
0xbd: {  	s0 =	sadd.s32 $0x8F2B, s0  }
0xbe: {  	[sflag:s0] =	ssyncadd.remote.s32 $0x1  }
0xbf: {  	_ =	sfence.sel $0xFFFF  }
0xc0: {  	[dreg:$0x0] =	wrdreg $0xFFFFFFFF;
	(pc) =	sbr.abs _section_cstart, $3  }
0xc1: {  	[dreg:$0x1] =	wrdreg $0xFFFFFFFF  }
0xc2: {  	_ =	task.clear_ibuf [dreg:s7], $0x2FFFF;
	_ =	strace $0x9FFFFFFF  }
0xc3: {  	(tm) =	ssettm $0x7FFFFFFF  }
tec
execute0_lowered:
.L_overlay_start_1:
0x0: {  	(tag) =	ssettag $0x1  }
0x1: {  	s1 =	rddreg [dreg:$0x0]  }
0x2: {  	s2 =	srdreg.scid;
	s6 =	rddreg [dreg:$0x1]  }
0x3: {  	s0 =	stileid.u32;
	s3 =	rddreg [dreg:$0x2];
	s4 =	simm.s32 $0x0  }
0x4: {  	s14 =	simm.s32 $0x80;
	s15 =	simm.s32 $0x5000;
	s7 =	smul.u32 $0x2800, s0  }
0x5: {  	s16 =	simm.s32 $0x1;
	s17 =	simm.s32 $0x0;
	s10 =	smul.u32 $0x13C00, s0  }
0x6: {  	s5 =	sand.u32 $0x1, s2;
	s2 =	rddreg [dreg:$0x3];
	s12 =	smul.u32 $0x4F000, s0  }
0x7: {  	[smem:$0x7FF] =	sst s4;
	s31 =	sshll.u32 s0, $0x6;
	s8 =	smul.u32 $0x28000, s5  }
0x8: {  	s9 =	smul.u32 $0x13C000, s5;
	_ =	strace $0x80000053;
	s29 =	ssub.s32 $0x2, s5  }
0x9: {  	s5 =	sadd.s32 $0x7E00, s6;
	s11 =	sshrl.u32 s29, $0x1;
	s30 =	sshrl.u32 s12, $0x2  }
0xa: {  	s12 =	sor.u32 $0x1C02, s31;
	s8 =	sadd.s32 s7, s8;
	s7 =	sshrl.u32 s7, $0x3  }
0xb: {  	s9 =	sadd.s32 s10, s9;
	s10 =	ssub.s32 s29, s11;
	s13 =	sadd.s32 s30, s3  }
0xc: {  	s11 =	simm.s32 $0x2800;
	s8 =	sshrl.u32 s8, $0x3;
	s7 =	sadd.s32 s7, s6  }
0xd: {  	s9 =	sshrl.u32 s9, $0x3;
	s13 =	sshrl.u32 s13, $0x3;
	s8 =	sadd.s32 s8, s6  }
0xe: {  	s9 =	sadd.s32 s9, s6;
	s7 =	sadd.s32 $0x59600, s7;
	s6 =	sadd.s32 $0x5E600, s8  }
0xf: {  	s8 =	sadd.s32 $0xB6800, s9;
	s9 =	smax.u32 s10, $0x1;
	s10 =	simm.s32 $0x2  }
.LBB2_1:
0x10: {  	[tilespmem:s4], [sflag:$0x2] =	stream.linear.gather [hbm4b:s6+s4], $0x2780, $0x38;
	[tilespmem:$0x1CC00] =	vst v63  }
0x11: {  	_ =	swait.ge [sflag:s10], $0x2780  }
0x12: {  	[sflag:s10] =	ssyncset.done $0x0  }
0x13: {  	[sflag:s10] =	ssyncadd.s32 $0xFFFFD880  }
0x14: {  	[tilespmem:s11], [sflag:$0x2] =	stream.linear.gather [hbm4b:s7+s4], $0x2780, $0x38;
	[tilespmem:$0x1CC00] =	vst v63  }
0x15: {  	_ =	swait.ge [sflag:s10], $0x2780  }
0x16: {  	[sflag:s10] =	ssyncset.done $0x0  }
0x17: {  	[sflag:s10] =	ssyncadd.s32 $0xFFFFD880  }
0x18: {  	[spmem:s13], [sflag:s12] =	dma.local [hbm:s5], $0x2780  }
0x19: {  	_ =	swait.ge [sflag:s10], $0x2780  }
0x1a: {  	[sflag:s10] =	ssyncset.done $0x0  }
0x1b: {  	[sflag:s10] =	ssyncadd.s32 $0xFFFFD880  }
0x1c: {  	s18 =	simm.s32 $0x0;
	[bflag:$0x0] =	sbarrier.arrive $0xFFFF  }
0x1d: {  	[tilespmem:s15], [sflag:$0x1] =	stream.indirect.gather [hbm4b:s1+s14], $0x80, s18, s14, $0xb8;
	[tilespmem:$0x1CC00] =	vst v63  }
0x1e: {  	_ =	swait.ge [sflag:s16], $0x4000  }
0x1f: {  	[sflag:s16] =	ssyncset.done $0x0  }
0x20: {  	s31 =	simm.s32 $0x2800;
	[sflag:s16] =	ssyncadd.s32 $0xFFFFC000  }
0x21: {  	[spmem:s3] =	stream.indirect.scatter.add.f32 [tilespmem:s15], [sflag:$0x2], $0x80, s31, s14, $0xb8;
	[tilespmem:$0x1CC00] =	vst v63  }
0x22: {  	_ =	swait.ge [sflag:s10], $0x4000  }
0x23: {  	s19 =	simm.s32 $0x400;
	s18 =	simm.s32 $0x200;
	[sflag:s10] =	ssyncset.done $0x0  }
.LBB2_2:
0x24: {  	s20 =	sshra.s32 s18, $0x2  }
0x25: {  	[sflag:s10] =	ssyncadd.s32 $0xFFFFC000;
	s18 =	smov.u32 s19;
	s21 =	sadd.s32 $0x200, s19  }
0x26: {  	[tilespmem:s15], [sflag:$0x1] =	stream.indirect.gather [hbm4b:s1+s14], $0x80, s20, s14, $0xb8;
	[tilespmem:$0x1CC00] =	vst v63  }
0x27: {  	p0 =	sne.s32 s19, $0x9C00;
	_ =	swait.ge [sflag:s16], $0x4000  }
.Ltmp0:
0x28: {  	[sflag:s16] =	ssyncset.done $0x0;
	(pc) =	sbr.rel @p0 .LBB2_2-.Ltmp0, $4  }
0x29: {  	s19 =	sadd.s32 $0x2800, s20;
	[sflag:s16] =	ssyncadd.s32 $0xFFFFC000  }
0x2a: {  	[spmem:s3] =	stream.indirect.scatter.add.f32 [tilespmem:s15], [sflag:$0x2], $0x80, s19, s14, $0xb8;
	[tilespmem:$0x1CC00] =	vst v63  }
0x2b: {  	_ =	swait.ge [sflag:s10], $0x4000  }
0x2c: {  	s19 =	smov.u32 s21;
	[sflag:s10] =	ssyncset.done $0x0  }
0x2d: {  	s18 =	sshra.s32 s18, $0x2;
	[sflag:s10] =	ssyncadd.s32 $0xFFFFC000  }
0x2e: {  	[tilespmem:s15], [sflag:$0x1] =	stream.indirect.gather [hbm4b:s1+s14], $0x80, s18, s14, $0xb8;
	[tilespmem:$0x1CC00] =	vst v63  }
0x2f: {  	_ =	swait.ge [sflag:s16], $0x4000  }
0x30: {  	[sflag:s16] =	ssyncset.done $0x0  }
0x31: {  	s18 =	sadd.s32 $0x2800, s18;
	[sflag:s16] =	ssyncadd.s32 $0xFFFFC000  }
0x32: {  	[spmem:s3] =	stream.indirect.scatter.add.f32 [tilespmem:s15], [sflag:$0x2], $0x80, s18, s14, $0xb8;
	[tilespmem:$0x1CC00] =	vst v63  }
0x33: {  	_ =	swait.ge [sflag:s10], $0x4000  }
0x34: {  	s17 =	sadd.s32 $0x1, s17;
	[sflag:s10] =	ssyncset.done $0x0  }
0x35: {  	p0 =	sne.s32 s17, s9;
	[sflag:s10] =	ssyncadd.s32 $0xFFFFC000  }
.Ltmp1:
0x36: {  	[bflag:$0x0] =	sbarrier.arrive $0xFFFF;
	(pc) =	sbr.rel @p0 .LBB2_1-.Ltmp1, $4  }
0x37: {  	[hbm:s8], [sflag:s12] =	dma.local [spmem:s13], $0x2780  }
0x38: {  	_ =	swait.ge [sflag:s10], $0x2780  }
0x39: {  	[sflag:s10] =	ssyncset.done $0x0  }
0x3a: {  	[sflag:s10] =	ssyncadd.s32 $0xFFFFD880  }
0x3b: {  	_ =	sfence.sel $0x180000  }
0x3c: {  	[bflag:$0x0] =	sbarrier.arrive $0xFFFF  }
0x3d: {  	p0 =	sne.s32 s0, $0x0;
	_ =	strace $0x90000053  }
0x3e: {  	s0 =	sadd.s32 @!p0 $0x100000, s2;
	[bflag:$0x2] =	sbarrier.arrive $0xFFFF  }
0x3f: {  	[sflag:s0] =	ssyncadd.tile.s32 @!p0 $0x1;
	_ =	shalt  }
.Lfunc_end2:
_tile_overlayer_lowered:
.L_overlay_start_2:
0x40: {  	(tag) =	ssettag $0x2  }
0x41: {  	s0 =	rddreg [dreg:$0x0];
	s2 =	stileid.u32  }
0x42: {  	s1 =	rddreg [dreg:$0x1];
	p0 =	sne.s32 s2, $0x0  }
0x43: {  	s3 =	rddreg [dreg:$0x2];
	[bflag:$0x3] =	sbarrier.arrive $0xFFFF;
	s2 =	simm.s32 @!p0 $0x1C02  }
0x44: {  	[timem:s3], [sflag:s2] =	dma.local @!p0 [hbm:s0], s1  }
0x45: {  	s0 =	simm.s32 @!p0 $0x2  }
0x46: {  	_ =	swait.ge @!p0 [sflag:s0], s1  }
0x47: {  	s1 =	ssub.s32 @!p0 $0x0, s1;
	[sflag:s0] =	ssyncset.done @!p0 $0x0  }
0x48: {  	[sflag:s0] =	ssyncadd.s32 @!p0 s1  }
0x49: {  	[bflag:$0x3] =	sbarrier.arrive $0xFFFF  }
0x4a: {  	_ =	shalt  }

// kernel: kernel.33.cloned.1.call-start
scs
__scs_entry_jumppad:
0x0: {  	(pc) =	sbr.rel $0x88, $3  }
0x1: {  	(tag) =	ssettag $0x0;
	lr =	simm.s32 $0x1  }
0x2: {  	[smem:$0x3F91] =	sst lr;
	_ =	strace $0xD0000000  }
0x3: {  	_ = 	snop  }
0x4: {  	_ = 	snop  }
0x5: {  	_ = 	snop  }
0x6: {  	_ = 	snop  }
0x7: {  	_ = 	snop  }
__scs_overlays_trampoline_lowered:
0x8: {  	[smem:$0x3FA0] =	sst s0  }
0x9: {  	[smem:$0x3FA1] =	sst s1  }
0xa: {  	[smem:$0x3FA2] =	sst s2  }
0xb: {  	[smem:$0x3FA3] =	sst s3  }
0xc: {  	[smem:$0x3FA4] =	sst s4  }
0xd: {  	[smem:$0x3FA5] =	sst s5  }
0xe: {  	[smem:$0x3FA6] =	sst s6  }
0xf: {  	[smem:$0x3FA7] =	sst s7  }
0x10: {  	[smem:$0x3FA8] =	sst s8  }
0x11: {  	[smem:$0x3FA9] =	sst s9;
	s0 =	simm.s32 @!p0 $0x0  }
0x12: {  	s1 =	sld [smem:$0x3F8F];
	s0 =	simm.s32 @p0 $0x1  }
0x13: {  	[smem:$0x3FAA] =	sst s0;
	s0 =	simm.s32 @!p1 $0x0  }
0x14: {  	s2 =	sld [smem:$0x3F8E];
	s0 =	simm.s32 @p1 $0x1  }
0x15: {  	[smem:$0x3FAB] =	sst s0;
	s0 =	simm.s32 @!p2 $0x0  }
0x16: {  	s3 =	sld [smem:$0x3FDB];
	s0 =	simm.s32 @p2 $0x1  }
0x17: {  	s4 =	simm.s32 $0x1BF5;
	[smem:$0x3FAD] =	sst s0  }
0x18: {  	s0 =	sld [smem:$0x3F90];
	_ =	swait.ge [sflag:s4], $0x0  }
0x19: {  	s7 =	sld [smem:$0x3F91]  }
0x1a: {  	s8 =	sadd.s32 $0xFFFFE003, lr  }
0x1b: {  	s9 =	sadd.s32 $0xFFFFFEF7, lr;
	s5 =	simm.s32 $0xFFFFFFFF;
	p2 =	slt.u32 s8, $0xFFFFF086  }
0x1c: {  	p1 =	slt.u32 s9, $0xF7A;
	s5 =	simm.s32 @!p2 $0x0  }
0x1d: {  	s5 =	simm.s32 @p1 $0x1;
	p0 =	seq.s32 s7, s2  }
0x1e: {  	s7 =	smul.u32 @!p0 $0xF7A, s2;
	p2 =	seq.s32 @!p0 s5, $0x0  }
0x1f: {  	s9 =	smul.u32 $0xF7A, s1;
	s8 =	simm.s32 @!p0 $0x1BF5;
	p2 =	por !p2, p0  }
0x20: {  	[sflag:s8] =	ssyncset.s32 @!p0 $0xFFFFF086;
	s6 =	sadd.s32 @!p0 s3, s7;
	s7 =	simm.s32 @!p0 $0x108  }
0x21: {  	s3 =	sadd.s32 s3, s9;
	s6 =	sadd.s32 @!p0 $0x88, s6;
	s7 =	simm.s32 @p2 $0x1082  }
0x22: {  	[simem:s7], [sflag:s8] =	dma.local @!p0 [hbm:s6], $0xF7A  }
0x23: {  	s9 =	sor.u32 $0xD0000000, s2;
	s6 =	simm.s32 $0x108;
	_ =	swait.ge @!p0 [sflag:s8], $0x0  }
0x24: {  	s3 =	sadd.s32 $0x88, s3;
	s6 =	simm.s32 @!p1 $0x1082;
	[sflag:s4] =	ssyncset.s32 $0xFFFFF086  }
0x25: {  	[simem:s6], [sflag:s4] =	dma.local [hbm:s3], $0xF7A  }
0x26: {  	[smem:$0x3F91] =	sst s1;
	(tag) =	ssettag s2;
	_ =	strace s9  }
0x27: {  	s1 =	sld [smem:$0x3FA1]  }
0x28: {  	s2 =	sld [smem:$0x3FA2]  }
0x29: {  	s4 =	sld [smem:$0x3FA4]  }
0x2a: {  	p0 =	seq.s32 s5, $0x0;
	s5 =	sld [smem:$0x3FA5]  }
0x2b: {  	s6 =	sld [smem:$0x3FA6]  }
0x2c: {  	s7 =	sld [smem:$0x3FA7]  }
0x2d: {  	s3 =	simm.s32 $0x108;
	s8 =	sld [smem:$0x3FA8]  }
0x2e: {  	s3 =	simm.s32 @!p0 $0x1082;
	s9 =	sld [smem:$0x3FA9]  }
0x2f: {  	lr =	sadd.s32 s0, s3;
	s0 =	sld [smem:$0x3FA0]  }
0x30: {  	s3 =	sld [smem:$0x3FA3]  }
0x31: {  	[smem:$0x3FAC] =	sst s10  }
0x32: {  	s10 =	sld [smem:$0x3FAA];
	_ =	sdelay $0x3  }
0x33: {  	p0 =	seq.s32 s10, $0x1;
	s10 =	sld [smem:$0x3FAC];
	_ =	sdelay $0x3  }
0x34: {  	[smem:$0x3FAC] =	sst s10  }
0x35: {  	s10 =	sld [smem:$0x3FAB];
	_ =	sdelay $0x3  }
0x36: {  	p1 =	seq.s32 s10, $0x1;
	s10 =	sld [smem:$0x3FAC];
	_ =	sdelay $0x3  }
0x37: {  	[smem:$0x3FAC] =	sst s10  }
0x38: {  	s10 =	sld [smem:$0x3FAD]  }
0x39: {  	_ = 	snop;
	(pc) =	sbr.ind lr, $3  }
0x3a: {  	_ = 	snop  }
0x3b: {  	_ = 	snop  }
0x3c: {  	p2 =	seq.s32 s10, $0x1;
	s10 =	sld [smem:$0x3FAC]  }
0x3d: {  	_ =	shalt  }
0x3e: {  	_ =	shalt  }
0x3f: {  	_ =	shalt  }
0x40: {  	_ =	shalt  }
0x41: {  	_ =	shalt  }
0x42: {  	_ =	shalt  }
0x43: {  	_ =	shalt  }
0x44: {  	_ =	shalt  }
0x45: {  	_ =	shalt  }
0x46: {  	_ =	shalt  }
0x47: {  	_ =	shalt  }
0x48: {  	_ =	shalt  }
0x49: {  	_ =	shalt  }
0x4a: {  	_ =	shalt  }
0x4b: {  	_ =	shalt  }
0x4c: {  	_ =	shalt  }
0x4d: {  	_ =	shalt  }
0x4e: {  	_ =	shalt  }
0x4f: {  	_ =	shalt  }
0x50: {  	_ =	shalt  }
0x51: {  	_ =	shalt  }
0x52: {  	_ =	shalt  }
0x53: {  	_ =	shalt  }
0x54: {  	_ =	shalt  }
0x55: {  	_ =	shalt  }
0x56: {  	_ =	shalt  }
0x57: {  	_ =	shalt  }
0x58: {  	_ =	shalt  }
0x59: {  	_ =	shalt  }
0x5a: {  	_ =	shalt  }
0x5b: {  	_ =	shalt  }
0x5c: {  	_ =	shalt  }
0x5d: {  	_ =	shalt  }
0x5e: {  	_ =	shalt  }
0x5f: {  	_ =	shalt  }
0x60: {  	_ =	shalt  }
0x61: {  	_ =	shalt  }
0x62: {  	_ =	shalt  }
0x63: {  	_ =	shalt  }
0x64: {  	_ =	shalt  }
0x65: {  	_ =	shalt  }
0x66: {  	_ =	shalt  }
0x67: {  	_ =	shalt  }
0x68: {  	_ =	shalt  }
0x69: {  	_ =	shalt  }
0x6a: {  	_ =	shalt  }
0x6b: {  	_ =	shalt  }
0x6c: {  	_ =	shalt  }
0x6d: {  	_ =	shalt  }
0x6e: {  	_ =	shalt  }
0x6f: {  	_ =	shalt  }
0x70: {  	_ =	shalt  }
0x71: {  	_ =	shalt  }
0x72: {  	_ =	shalt  }
0x73: {  	_ =	shalt  }
0x74: {  	_ =	shalt  }
0x75: {  	_ =	shalt  }
0x76: {  	_ =	shalt  }
0x77: {  	_ =	shalt  }
0x78: {  	_ =	shalt  }
0x79: {  	_ =	shalt  }
0x7a: {  	_ =	shalt  }
0x7b: {  	_ =	shalt  }
0x7c: {  	_ =	shalt  }
0x7d: {  	_ =	shalt  }
0x7e: {  	_ =	shalt  }
0x7f: {  	_ =	shalt  }
0x80: {  	_ =	shalt  }
0x81: {  	_ =	shalt  }
0x82: {  	_ =	shalt  }
0x83: {  	_ =	shalt  }
0x84: {  	_ =	shalt  }
0x85: {  	_ =	shalt  }
0x86: {  	_ =	shalt  }
0x87: {  	_ =	shalt  }
.Lfunc_end0:
.L_simem_size_0:
called_computation.5_lowered:
.L_overlay_start_0:
0x88: {  	s2 =	sld [smem:$0x3FD9]  }
0x89: {  	s3 =	sld [smem:$0x3FFE];
	_ =	sdelay $0x1  }
0x8a: {  	s1 =	srdreg.scid  }
0x8b: {  	s0 =	sand.u32 $0x1, s1  }
0x8c: {  	s17 =	sshll.u32 s0, $0xA;
	s2 =	sadd.s32 s3, s2  }
0x8d: {  	s2 =	sadd.s32 s2, s17  }
0x8e: {  	[smem:$0x3FB8] =	sst s2  }
0x8f: {  	_ = 	snop  }
0x90: {  	s2 =	sld [smem:$0x3FD0];
	(tm) =	ssettm $0x1  }
0x91: {  	s18 =	sld [smem:$0x3FFB];
	_ =	sdelay $0x3  }
0x92: {  	_ =	strace s18  }
0x93: {  	s3 =	sld [smem:$0x3FFC];
	_ =	sdelay $0x3  }
0x94: {  	_ =	strace s3  }
0x95: {  	s3 =	sld [smem:$0x3FFD];
	_ =	sdelay $0x3  }
0x96: {  	_ =	strace s3  }
0x97: {  	_ =	strace $0x8FFFFFFF  }
0x98: {  	s19 =	sld [smem:$0x3FDB];
	_ =	sdelay $0x1  }
0x99: {  	s4 =	simm.s32 $_scs_section_size  }
0x9a: {  	s5 =	simm.s32 $_size__tile_overlayer_lowered;
	s6 =	simm.s32 $_tile_overlayer_lowered  }
0x9b: {  	s22 =	simm.s32 $0x1BFF;
	s21 =	sshll.u32 s6, $0x1;
	s3 =	sadd.s32 s4, s19  }
0x9c: {  	s7 =	simm.s32 $0x0;
	s20 =	sshll.u32 s5, $0x1;
	s5 =	sadd.s32 s21, s3  }
0x9d: {  	[timem:s7], [sflag:s22] =	dma.local [hbm:s5], s20  }
0x9e: {  	_ =	swait.ge [sflag:s22], s20  }
0x9f: {  	s4 =	ssub.s32 $0x0, s20;
	[sflag:s22] =	ssyncset.done $0x0  }
0xa0: {  	[sflag:s22] =	ssyncadd.s32 s4;
	_ =	sdelay $0x1  }
0xa1: {  	s23 =	simm.s32 $0x1B8B  }
0xa2: {  	_ =	swait.ge [sflag:s23], $0x1  }
0xa3: {  	[sflag:s23] =	ssyncset.done $0x0  }
0xa4: {  	s25 =	simm.s32 $0x1B8E;
	s24 =	sld [smem:$0x3FFE];
	[sflag:s23] =	ssyncadd.s32 $0xFFFFFFFF  }
0xa5: {  	s26 =	simm.s32 $execute0_lowered;
	[smem:$0x3FD2] =	sst s25  }
0xa6: {  	s5 =	sshll.u32 s26, $0x1;
	_ =	strace $0x80000055;
	[dreg:$0x1] =	wrdreg $0xFFFFFFFF  }
0xa7: {  	s28 =	simm.s32 $_size_execute0_lowered;
	s3 =	sadd.s32 s3, s5;
	[dreg:$0x0] =	wrdreg $0x0  }
0xa8: {  	s5 =	sshll.u32 s28, $0x1;
	[dreg:$0x2] =	wrdreg s3  }
0xa9: {  	[dreg:$0x3] =	wrdreg s5  }
0xaa: {  	[dreg:$0x4] =	wrdreg $0xC0  }
0xab: {  	_ =	task [dreg:s7], $0x5FFFF  }
0xac: {  	[dreg:$0x1] =	wrdreg $0xFFFFFFFF  }
0xad: {  	[dreg:$0x0] =	wrdreg $0x60  }
0xae: {  	[dreg:$0x2] =	wrdreg s2  }
0xaf: {  	[dreg:$0x3] =	wrdreg s24  }
0xb0: {  	[dreg:$0x4] =	wrdreg $0x90000  }
0xb1: {  	[dreg:$0x5] =	wrdreg $0x9  }
0xb2: {  	_ =	task.clear_ibuf [dreg:s7], $0x6FFFF;
	_ =	strace $0x90000055  }
0xb3: {  	s29 =	simm.s32 $0x9;
	_ =	strace $0x80000057  }
0xb4: {  	_ =	swait.ge [sflag:s29], $0x1  }
0xb5: {  	[sflag:s29] =	ssyncadd.s32 $0xFFFFFFFF  }
0xb6: {  	_ =	strace $0x90000057  }
0xb7: {  	_ =	sfence  }
0xb8: {  	s30 =	sld [smem:$0x0];
	_ =	sdelay $0x2  }
0xb9: {  	s31 =	sshll.u32 s1, $0xD;
	s1 =	sshrl.u32 s1, $0x2  }
0xba: {  	s3 =	sand.u32 $0x4000, s31;
	s1 =	sadd.s32 s1, s30  }
0xbb: {  	s0 =	sor.u32 s3, s0;
	s1 =	sshll.u32 s1, $0x11  }
0xbc: {  	s0 =	sor.u32 s1, s0  }
0xbd: {  	s0 =	sadd.s32 $0x8F2B, s0  }
0xbe: {  	[sflag:s0] =	ssyncadd.remote.s32 $0x1  }
0xbf: {  	_ =	sfence.sel $0xFFFF  }
0xc0: {  	[dreg:$0x0] =	wrdreg $0xFFFFFFFF;
	(pc) =	sbr.abs _section_cstart, $3  }
0xc1: {  	[dreg:$0x1] =	wrdreg $0xFFFFFFFF  }
0xc2: {  	_ =	task.clear_ibuf [dreg:s7], $0x2FFFF;
	_ =	strace $0x9FFFFFFF  }
0xc3: {  	(tm) =	ssettm $0x7FFFFFFF  }
tec
execute0_lowered:
.L_overlay_start_1:
0x0: {  	(tag) =	ssettag $0x1  }
0x1: {  	s1 =	rddreg [dreg:$0x0]  }
0x2: {  	s2 =	srdreg.scid;
	s6 =	rddreg [dreg:$0x1]  }
0x3: {  	s0 =	stileid.u32;
	s3 =	rddreg [dreg:$0x2];
	s4 =	simm.s32 $0x0  }
0x4: {  	s14 =	simm.s32 $0x80;
	s15 =	simm.s32 $0x5000;
	s7 =	smul.u32 $0x2800, s0  }
0x5: {  	s16 =	simm.s32 $0x1;
	s17 =	simm.s32 $0x0;
	s10 =	smul.u32 $0x13C00, s0  }
0x6: {  	s5 =	sand.u32 $0x1, s2;
	s2 =	rddreg [dreg:$0x3];
	s12 =	smul.u32 $0x4F000, s0  }
0x7: {  	[smem:$0x7FF] =	sst s4;
	s31 =	sshll.u32 s0, $0x6;
	s8 =	smul.u32 $0x28000, s5  }
0x8: {  	s9 =	smul.u32 $0x13C000, s5;
	_ =	strace $0x80000056;
	s29 =	ssub.s32 $0x2, s5  }
0x9: {  	s5 =	sadd.s32 $0x7E00, s6;
	s11 =	sshrl.u32 s29, $0x1;
	s30 =	sshrl.u32 s12, $0x2  }
0xa: {  	s12 =	sor.u32 $0x1C02, s31;
	s8 =	sadd.s32 s7, s8;
	s7 =	sshrl.u32 s7, $0x3  }
0xb: {  	s9 =	sadd.s32 s10, s9;
	s10 =	ssub.s32 s29, s11;
	s13 =	sadd.s32 s30, s3  }
0xc: {  	s11 =	simm.s32 $0x2800;
	s8 =	sshrl.u32 s8, $0x3;
	s7 =	sadd.s32 s7, s6  }
0xd: {  	s9 =	sshrl.u32 s9, $0x3;
	s13 =	sshrl.u32 s13, $0x3;
	s8 =	sadd.s32 s8, s6  }
0xe: {  	s9 =	sadd.s32 s9, s6;
	s7 =	sadd.s32 $0x59600, s7;
	s6 =	sadd.s32 $0x5E600, s8  }
0xf: {  	s8 =	sadd.s32 $0xB6800, s9;
	s9 =	smax.u32 s10, $0x1;
	s10 =	simm.s32 $0x2  }
.LBB2_1:
0x10: {  	[tilespmem:s4], [sflag:$0x2] =	stream.linear.gather [hbm4b:s6+s4], $0x2780, $0x38;
	[tilespmem:$0x1CC00] =	vst v63  }
0x11: {  	_ =	swait.ge [sflag:s10], $0x2780  }
0x12: {  	[sflag:s10] =	ssyncset.done $0x0  }
0x13: {  	[sflag:s10] =	ssyncadd.s32 $0xFFFFD880  }
0x14: {  	[tilespmem:s11], [sflag:$0x2] =	stream.linear.gather [hbm4b:s7+s4], $0x2780, $0x38;
	[tilespmem:$0x1CC00] =	vst v63  }
0x15: {  	_ =	swait.ge [sflag:s10], $0x2780  }
0x16: {  	[sflag:s10] =	ssyncset.done $0x0  }
0x17: {  	[sflag:s10] =	ssyncadd.s32 $0xFFFFD880  }
0x18: {  	[spmem:s13], [sflag:s12] =	dma.local [hbm:s5], $0x2780  }
0x19: {  	_ =	swait.ge [sflag:s10], $0x2780  }
0x1a: {  	[sflag:s10] =	ssyncset.done $0x0  }
0x1b: {  	[sflag:s10] =	ssyncadd.s32 $0xFFFFD880  }
0x1c: {  	s18 =	simm.s32 $0x0;
	[bflag:$0x0] =	sbarrier.arrive $0xFFFF  }
0x1d: {  	[tilespmem:s15], [sflag:$0x1] =	stream.indirect.gather [hbm4b:s1+s14], $0x80, s18, s14, $0xb8;
	[tilespmem:$0x1CC00] =	vst v63  }
0x1e: {  	_ =	swait.ge [sflag:s16], $0x4000  }
0x1f: {  	[sflag:s16] =	ssyncset.done $0x0  }
0x20: {  	s31 =	simm.s32 $0x2800;
	[sflag:s16] =	ssyncadd.s32 $0xFFFFC000  }
0x21: {  	[spmem:s3] =	stream.indirect.scatter.add.f32 [tilespmem:s15], [sflag:$0x2], $0x80, s31, s14, $0xb8;
	[tilespmem:$0x1CC00] =	vst v63  }
0x22: {  	_ =	swait.ge [sflag:s10], $0x4000  }
0x23: {  	s19 =	simm.s32 $0x400;
	s18 =	simm.s32 $0x200;
	[sflag:s10] =	ssyncset.done $0x0  }
.LBB2_2:
0x24: {  	s20 =	sshra.s32 s18, $0x2  }
0x25: {  	[sflag:s10] =	ssyncadd.s32 $0xFFFFC000;
	s18 =	smov.u32 s19;
	s21 =	sadd.s32 $0x200, s19  }
0x26: {  	[tilespmem:s15], [sflag:$0x1] =	stream.indirect.gather [hbm4b:s1+s14], $0x80, s20, s14, $0xb8;
	[tilespmem:$0x1CC00] =	vst v63  }
0x27: {  	p0 =	sne.s32 s19, $0x9C00;
	_ =	swait.ge [sflag:s16], $0x4000  }
.Ltmp0:
0x28: {  	[sflag:s16] =	ssyncset.done $0x0;
	(pc) =	sbr.rel @p0 .LBB2_2-.Ltmp0, $4  }
0x29: {  	s19 =	sadd.s32 $0x2800, s20;
	[sflag:s16] =	ssyncadd.s32 $0xFFFFC000  }
0x2a: {  	[spmem:s3] =	stream.indirect.scatter.add.f32 [tilespmem:s15], [sflag:$0x2], $0x80, s19, s14, $0xb8;
	[tilespmem:$0x1CC00] =	vst v63  }
0x2b: {  	_ =	swait.ge [sflag:s10], $0x4000  }
0x2c: {  	s19 =	smov.u32 s21;
	[sflag:s10] =	ssyncset.done $0x0  }
0x2d: {  	s18 =	sshra.s32 s18, $0x2;
	[sflag:s10] =	ssyncadd.s32 $0xFFFFC000  }
0x2e: {  	[tilespmem:s15], [sflag:$0x1] =	stream.indirect.gather [hbm4b:s1+s14], $0x80, s18, s14, $0xb8;
	[tilespmem:$0x1CC00] =	vst v63  }
0x2f: {  	_ =	swait.ge [sflag:s16], $0x4000  }
0x30: {  	[sflag:s16] =	ssyncset.done $0x0  }
0x31: {  	s18 =	sadd.s32 $0x2800, s18;
	[sflag:s16] =	ssyncadd.s32 $0xFFFFC000  }
0x32: {  	[spmem:s3] =	stream.indirect.scatter.add.f32 [tilespmem:s15], [sflag:$0x2], $0x80, s18, s14, $0xb8;
	[tilespmem:$0x1CC00] =	vst v63  }
0x33: {  	_ =	swait.ge [sflag:s10], $0x4000  }
0x34: {  	s17 =	sadd.s32 $0x1, s17;
	[sflag:s10] =	ssyncset.done $0x0  }
0x35: {  	p0 =	sne.s32 s17, s9;
	[sflag:s10] =	ssyncadd.s32 $0xFFFFC000  }
.Ltmp1:
0x36: {  	[bflag:$0x0] =	sbarrier.arrive $0xFFFF;
	(pc) =	sbr.rel @p0 .LBB2_1-.Ltmp1, $4  }
0x37: {  	[hbm:s8], [sflag:s12] =	dma.local [spmem:s13], $0x2780  }
0x38: {  	_ =	swait.ge [sflag:s10], $0x2780  }
0x39: {  	[sflag:s10] =	ssyncset.done $0x0  }
0x3a: {  	[sflag:s10] =	ssyncadd.s32 $0xFFFFD880  }
0x3b: {  	_ =	sfence.sel $0x180000  }
0x3c: {  	[bflag:$0x0] =	sbarrier.arrive $0xFFFF  }
0x3d: {  	p0 =	sne.s32 s0, $0x0;
	_ =	strace $0x90000056  }
0x3e: {  	s0 =	sadd.s32 @!p0 $0x100000, s2;
	[bflag:$0x2] =	sbarrier.arrive $0xFFFF  }
0x3f: {  	[sflag:s0] =	ssyncadd.tile.s32 @!p0 $0x1;
	_ =	shalt  }
.Lfunc_end2:
_tile_overlayer_lowered:
.L_overlay_start_2:
0x40: {  	(tag) =	ssettag $0x2  }
0x41: {  	s0 =	rddreg [dreg:$0x0];
	s2 =	stileid.u32  }
0x42: {  	s1 =	rddreg [dreg:$0x1];
	p0 =	sne.s32 s2, $0x0  }
0x43: {  	s3 =	rddreg [dreg:$0x2];
	[bflag:$0x3] =	sbarrier.arrive $0xFFFF;
	s2 =	simm.s32 @!p0 $0x1C02  }
0x44: {  	[timem:s3], [sflag:s2] =	dma.local @!p0 [hbm:s0], s1  }
0x45: {  	s0 =	simm.s32 @!p0 $0x2  }
0x46: {  	_ =	swait.ge @!p0 [sflag:s0], s1  }
0x47: {  	s1 =	ssub.s32 @!p0 $0x0, s1;
	[sflag:s0] =	ssyncset.done @!p0 $0x0  }
0x48: {  	[sflag:s0] =	ssyncadd.s32 @!p0 s1  }
0x49: {  	[bflag:$0x3] =	sbarrier.arrive $0xFFFF  }
0x4a: {  	_ =	shalt  }

// kernel: kernel.36.cloned.1.call-start
scs
__scs_entry_jumppad:
0x0: {  	(pc) =	sbr.rel $0x88, $3  }
0x1: {  	(tag) =	ssettag $0x0;
	lr =	simm.s32 $0x1  }
0x2: {  	[smem:$0x3F91] =	sst lr;
	_ =	strace $0xD0000000  }
0x3: {  	_ = 	snop  }
0x4: {  	_ = 	snop  }
0x5: {  	_ = 	snop  }
0x6: {  	_ = 	snop  }
0x7: {  	_ = 	snop  }
__scs_overlays_trampoline_lowered:
0x8: {  	[smem:$0x3FA0] =	sst s0  }
0x9: {  	[smem:$0x3FA1] =	sst s1  }
0xa: {  	[smem:$0x3FA2] =	sst s2  }
0xb: {  	[smem:$0x3FA3] =	sst s3  }
0xc: {  	[smem:$0x3FA4] =	sst s4  }
0xd: {  	[smem:$0x3FA5] =	sst s5  }
0xe: {  	[smem:$0x3FA6] =	sst s6  }
0xf: {  	[smem:$0x3FA7] =	sst s7  }
0x10: {  	[smem:$0x3FA8] =	sst s8  }
0x11: {  	[smem:$0x3FA9] =	sst s9;
	s0 =	simm.s32 @!p0 $0x0  }
0x12: {  	s1 =	sld [smem:$0x3F8F];
	s0 =	simm.s32 @p0 $0x1  }
0x13: {  	[smem:$0x3FAA] =	sst s0;
	s0 =	simm.s32 @!p1 $0x0  }
0x14: {  	s2 =	sld [smem:$0x3F8E];
	s0 =	simm.s32 @p1 $0x1  }
0x15: {  	[smem:$0x3FAB] =	sst s0;
	s0 =	simm.s32 @!p2 $0x0  }
0x16: {  	s3 =	sld [smem:$0x3FDB];
	s0 =	simm.s32 @p2 $0x1  }
0x17: {  	s4 =	simm.s32 $0x1BF5;
	[smem:$0x3FAD] =	sst s0  }
0x18: {  	s0 =	sld [smem:$0x3F90];
	_ =	swait.ge [sflag:s4], $0x0  }
0x19: {  	s7 =	sld [smem:$0x3F91]  }
0x1a: {  	s8 =	sadd.s32 $0xFFFFE003, lr  }
0x1b: {  	s9 =	sadd.s32 $0xFFFFFEF7, lr;
	s5 =	simm.s32 $0xFFFFFFFF;
	p2 =	slt.u32 s8, $0xFFFFF086  }
0x1c: {  	p1 =	slt.u32 s9, $0xF7A;
	s5 =	simm.s32 @!p2 $0x0  }
0x1d: {  	s5 =	simm.s32 @p1 $0x1;
	p0 =	seq.s32 s7, s2  }
0x1e: {  	s7 =	smul.u32 @!p0 $0xF7A, s2;
	p2 =	seq.s32 @!p0 s5, $0x0  }
0x1f: {  	s9 =	smul.u32 $0xF7A, s1;
	s8 =	simm.s32 @!p0 $0x1BF5;
	p2 =	por !p2, p0  }
0x20: {  	[sflag:s8] =	ssyncset.s32 @!p0 $0xFFFFF086;
	s6 =	sadd.s32 @!p0 s3, s7;
	s7 =	simm.s32 @!p0 $0x108  }
0x21: {  	s3 =	sadd.s32 s3, s9;
	s6 =	sadd.s32 @!p0 $0x88, s6;
	s7 =	simm.s32 @p2 $0x1082  }
0x22: {  	[simem:s7], [sflag:s8] =	dma.local @!p0 [hbm:s6], $0xF7A  }
0x23: {  	s9 =	sor.u32 $0xD0000000, s2;
	s6 =	simm.s32 $0x108;
	_ =	swait.ge @!p0 [sflag:s8], $0x0  }
0x24: {  	s3 =	sadd.s32 $0x88, s3;
	s6 =	simm.s32 @!p1 $0x1082;
	[sflag:s4] =	ssyncset.s32 $0xFFFFF086  }
0x25: {  	[simem:s6], [sflag:s4] =	dma.local [hbm:s3], $0xF7A  }
0x26: {  	[smem:$0x3F91] =	sst s1;
	(tag) =	ssettag s2;
	_ =	strace s9  }
0x27: {  	s1 =	sld [smem:$0x3FA1]  }
0x28: {  	s2 =	sld [smem:$0x3FA2]  }
0x29: {  	s4 =	sld [smem:$0x3FA4]  }
0x2a: {  	p0 =	seq.s32 s5, $0x0;
	s5 =	sld [smem:$0x3FA5]  }
0x2b: {  	s6 =	sld [smem:$0x3FA6]  }
0x2c: {  	s7 =	sld [smem:$0x3FA7]  }
0x2d: {  	s3 =	simm.s32 $0x108;
	s8 =	sld [smem:$0x3FA8]  }
0x2e: {  	s3 =	simm.s32 @!p0 $0x1082;
	s9 =	sld [smem:$0x3FA9]  }
0x2f: {  	lr =	sadd.s32 s0, s3;
	s0 =	sld [smem:$0x3FA0]  }
0x30: {  	s3 =	sld [smem:$0x3FA3]  }
0x31: {  	[smem:$0x3FAC] =	sst s10  }
0x32: {  	s10 =	sld [smem:$0x3FAA];
	_ =	sdelay $0x3  }
0x33: {  	p0 =	seq.s32 s10, $0x1;
	s10 =	sld [smem:$0x3FAC];
	_ =	sdelay $0x3  }
0x34: {  	[smem:$0x3FAC] =	sst s10  }
0x35: {  	s10 =	sld [smem:$0x3FAB];
	_ =	sdelay $0x3  }
0x36: {  	p1 =	seq.s32 s10, $0x1;
	s10 =	sld [smem:$0x3FAC];
	_ =	sdelay $0x3  }
0x37: {  	[smem:$0x3FAC] =	sst s10  }
0x38: {  	s10 =	sld [smem:$0x3FAD]  }
0x39: {  	_ = 	snop;
	(pc) =	sbr.ind lr, $3  }
0x3a: {  	_ = 	snop  }
0x3b: {  	_ = 	snop  }
0x3c: {  	p2 =	seq.s32 s10, $0x1;
	s10 =	sld [smem:$0x3FAC]  }
0x3d: {  	_ =	shalt  }
0x3e: {  	_ =	shalt  }
0x3f: {  	_ =	shalt  }
0x40: {  	_ =	shalt  }
0x41: {  	_ =	shalt  }
0x42: {  	_ =	shalt  }
0x43: {  	_ =	shalt  }
0x44: {  	_ =	shalt  }
0x45: {  	_ =	shalt  }
0x46: {  	_ =	shalt  }
0x47: {  	_ =	shalt  }
0x48: {  	_ =	shalt  }
0x49: {  	_ =	shalt  }
0x4a: {  	_ =	shalt  }
0x4b: {  	_ =	shalt  }
0x4c: {  	_ =	shalt  }
0x4d: {  	_ =	shalt  }
0x4e: {  	_ =	shalt  }
0x4f: {  	_ =	shalt  }
0x50: {  	_ =	shalt  }
0x51: {  	_ =	shalt  }
0x52: {  	_ =	shalt  }
0x53: {  	_ =	shalt  }
0x54: {  	_ =	shalt  }
0x55: {  	_ =	shalt  }
0x56: {  	_ =	shalt  }
0x57: {  	_ =	shalt  }
0x58: {  	_ =	shalt  }
0x59: {  	_ =	shalt  }
0x5a: {  	_ =	shalt  }
0x5b: {  	_ =	shalt  }
0x5c: {  	_ =	shalt  }
0x5d: {  	_ =	shalt  }
0x5e: {  	_ =	shalt  }
0x5f: {  	_ =	shalt  }
0x60: {  	_ =	shalt  }
0x61: {  	_ =	shalt  }
0x62: {  	_ =	shalt  }
0x63: {  	_ =	shalt  }
0x64: {  	_ =	shalt  }
0x65: {  	_ =	shalt  }
0x66: {  	_ =	shalt  }
0x67: {  	_ =	shalt  }
0x68: {  	_ =	shalt  }
0x69: {  	_ =	shalt  }
0x6a: {  	_ =	shalt  }
0x6b: {  	_ =	shalt  }
0x6c: {  	_ =	shalt  }
0x6d: {  	_ =	shalt  }
0x6e: {  	_ =	shalt  }
0x6f: {  	_ =	shalt  }
0x70: {  	_ =	shalt  }
0x71: {  	_ =	shalt  }
0x72: {  	_ =	shalt  }
0x73: {  	_ =	shalt  }
0x74: {  	_ =	shalt  }
0x75: {  	_ =	shalt  }
0x76: {  	_ =	shalt  }
0x77: {  	_ =	shalt  }
0x78: {  	_ =	shalt  }
0x79: {  	_ =	shalt  }
0x7a: {  	_ =	shalt  }
0x7b: {  	_ =	shalt  }
0x7c: {  	_ =	shalt  }
0x7d: {  	_ =	shalt  }
0x7e: {  	_ =	shalt  }
0x7f: {  	_ =	shalt  }
0x80: {  	_ =	shalt  }
0x81: {  	_ =	shalt  }
0x82: {  	_ =	shalt  }
0x83: {  	_ =	shalt  }
0x84: {  	_ =	shalt  }
0x85: {  	_ =	shalt  }
0x86: {  	_ =	shalt  }
0x87: {  	_ =	shalt  }
.Lfunc_end0:
.L_simem_size_0:
called_computation.6_lowered:
.L_overlay_start_0:
0x88: {  	s2 =	sld [smem:$0x3FD9]  }
0x89: {  	s3 =	sld [smem:$0x3FFE];
	_ =	sdelay $0x1  }
0x8a: {  	s1 =	srdreg.scid  }
0x8b: {  	s0 =	sand.u32 $0x1, s1  }
0x8c: {  	s17 =	sshll.u32 s0, $0xA;
	s2 =	sadd.s32 s3, s2  }
0x8d: {  	s2 =	sadd.s32 s2, s17  }
0x8e: {  	[smem:$0x3FB8] =	sst s2  }
0x8f: {  	_ = 	snop  }
0x90: {  	s2 =	sld [smem:$0x3FD0];
	(tm) =	ssettm $0x1  }
0x91: {  	s18 =	sld [smem:$0x3FFB];
	_ =	sdelay $0x3  }
0x92: {  	_ =	strace s18  }
0x93: {  	s3 =	sld [smem:$0x3FFC];
	_ =	sdelay $0x3  }
0x94: {  	_ =	strace s3  }
0x95: {  	s3 =	sld [smem:$0x3FFD];
	_ =	sdelay $0x3  }
0x96: {  	_ =	strace s3  }
0x97: {  	_ =	strace $0x8FFFFFFF  }
0x98: {  	s19 =	sld [smem:$0x3FDB];
	_ =	sdelay $0x1  }
0x99: {  	s4 =	simm.s32 $_scs_section_size  }
0x9a: {  	s5 =	simm.s32 $_size__tile_overlayer_lowered;
	s6 =	simm.s32 $_tile_overlayer_lowered  }
0x9b: {  	s22 =	simm.s32 $0x1BFF;
	s21 =	sshll.u32 s6, $0x1;
	s3 =	sadd.s32 s4, s19  }
0x9c: {  	s7 =	simm.s32 $0x0;
	s20 =	sshll.u32 s5, $0x1;
	s5 =	sadd.s32 s21, s3  }
0x9d: {  	[timem:s7], [sflag:s22] =	dma.local [hbm:s5], s20  }
0x9e: {  	_ =	swait.ge [sflag:s22], s20  }
0x9f: {  	s4 =	ssub.s32 $0x0, s20;
	[sflag:s22] =	ssyncset.done $0x0  }
0xa0: {  	[sflag:s22] =	ssyncadd.s32 s4;
	_ =	sdelay $0x1  }
0xa1: {  	s23 =	simm.s32 $0x1B8B  }
0xa2: {  	_ =	swait.ge [sflag:s23], $0x1  }
0xa3: {  	[sflag:s23] =	ssyncset.done $0x0  }
0xa4: {  	s25 =	simm.s32 $0x1B8E;
	s24 =	sld [smem:$0x3FFE];
	[sflag:s23] =	ssyncadd.s32 $0xFFFFFFFF  }
0xa5: {  	s26 =	simm.s32 $execute0_lowered;
	[smem:$0x3FD2] =	sst s25  }
0xa6: {  	s5 =	sshll.u32 s26, $0x1;
	_ =	strace $0x80000058;
	[dreg:$0x1] =	wrdreg $0xFFFFFFFF  }
0xa7: {  	s28 =	simm.s32 $_size_execute0_lowered;
	s3 =	sadd.s32 s3, s5;
	[dreg:$0x0] =	wrdreg $0x0  }
0xa8: {  	s5 =	sshll.u32 s28, $0x1;
	[dreg:$0x2] =	wrdreg s3  }
0xa9: {  	[dreg:$0x3] =	wrdreg s5  }
0xaa: {  	[dreg:$0x4] =	wrdreg $0xC0  }
0xab: {  	_ =	task [dreg:s7], $0x5FFFF  }
0xac: {  	[dreg:$0x1] =	wrdreg $0xFFFFFFFF  }
0xad: {  	[dreg:$0x0] =	wrdreg $0x60  }
0xae: {  	[dreg:$0x2] =	wrdreg s2  }
0xaf: {  	[dreg:$0x3] =	wrdreg s24  }
0xb0: {  	[dreg:$0x4] =	wrdreg $0x90000  }
0xb1: {  	[dreg:$0x5] =	wrdreg $0x9  }
0xb2: {  	_ =	task.clear_ibuf [dreg:s7], $0x6FFFF;
	_ =	strace $0x90000058  }
0xb3: {  	s29 =	simm.s32 $0x9;
	_ =	strace $0x8000005A  }
0xb4: {  	_ =	swait.ge [sflag:s29], $0x1  }
0xb5: {  	[sflag:s29] =	ssyncadd.s32 $0xFFFFFFFF  }
0xb6: {  	_ =	strace $0x9000005A  }
0xb7: {  	_ =	sfence  }
0xb8: {  	s30 =	sld [smem:$0x0];
	_ =	sdelay $0x2  }
0xb9: {  	s31 =	sshll.u32 s1, $0xD;
	s1 =	sshrl.u32 s1, $0x2  }
0xba: {  	s3 =	sand.u32 $0x4000, s31;
	s1 =	sadd.s32 s1, s30  }
0xbb: {  	s0 =	sor.u32 s3, s0;
	s1 =	sshll.u32 s1, $0x11  }
0xbc: {  	s0 =	sor.u32 s1, s0  }
0xbd: {  	s0 =	sadd.s32 $0x8F2B, s0  }
0xbe: {  	[sflag:s0] =	ssyncadd.remote.s32 $0x1  }
0xbf: {  	_ =	sfence.sel $0xFFFF  }
0xc0: {  	[dreg:$0x0] =	wrdreg $0xFFFFFFFF;
	(pc) =	sbr.abs _section_cstart, $3  }
0xc1: {  	[dreg:$0x1] =	wrdreg $0xFFFFFFFF  }
0xc2: {  	_ =	task.clear_ibuf [dreg:s7], $0x2FFFF;
	_ =	strace $0x9FFFFFFF  }
0xc3: {  	(tm) =	ssettm $0x7FFFFFFF  }
tec
execute0_lowered:
.L_overlay_start_1:
0x0: {  	(tag) =	ssettag $0x1  }
0x1: {  	s1 =	rddreg [dreg:$0x0]  }
0x2: {  	s2 =	srdreg.scid;
	s6 =	rddreg [dreg:$0x1]  }
0x3: {  	s0 =	stileid.u32;
	s3 =	rddreg [dreg:$0x2];
	s4 =	simm.s32 $0x0  }
0x4: {  	s14 =	simm.s32 $0x80;
	s15 =	simm.s32 $0x5000;
	s7 =	smul.u32 $0x2800, s0  }
0x5: {  	s16 =	simm.s32 $0x1;
	s17 =	simm.s32 $0x0;
	s10 =	smul.u32 $0x13C00, s0  }
0x6: {  	s5 =	sand.u32 $0x1, s2;
	s2 =	rddreg [dreg:$0x3];
	s12 =	smul.u32 $0x4F000, s0  }
0x7: {  	[smem:$0x7FF] =	sst s4;
	s31 =	sshll.u32 s0, $0x6;
	s8 =	smul.u32 $0x28000, s5  }
0x8: {  	s9 =	smul.u32 $0x13C000, s5;
	_ =	strace $0x80000059;
	s29 =	ssub.s32 $0x2, s5  }
0x9: {  	s5 =	sadd.s32 $0x7E00, s6;
	s11 =	sshrl.u32 s29, $0x1;
	s30 =	sshrl.u32 s12, $0x2  }
0xa: {  	s12 =	sor.u32 $0x1C02, s31;
	s8 =	sadd.s32 s7, s8;
	s7 =	sshrl.u32 s7, $0x3  }
0xb: {  	s9 =	sadd.s32 s10, s9;
	s10 =	ssub.s32 s29, s11;
	s13 =	sadd.s32 s30, s3  }
0xc: {  	s11 =	simm.s32 $0x2800;
	s8 =	sshrl.u32 s8, $0x3;
	s7 =	sadd.s32 s7, s6  }
0xd: {  	s9 =	sshrl.u32 s9, $0x3;
	s13 =	sshrl.u32 s13, $0x3;
	s8 =	sadd.s32 s8, s6  }
0xe: {  	s9 =	sadd.s32 s9, s6;
	s7 =	sadd.s32 $0x59600, s7;
	s6 =	sadd.s32 $0x5E600, s8  }
0xf: {  	s8 =	sadd.s32 $0xB6800, s9;
	s9 =	smax.u32 s10, $0x1;
	s10 =	simm.s32 $0x2  }
.LBB2_1:
0x10: {  	[tilespmem:s4], [sflag:$0x2] =	stream.linear.gather [hbm4b:s6+s4], $0x2780, $0x38;
	[tilespmem:$0x1CC00] =	vst v63  }
0x11: {  	_ =	swait.ge [sflag:s10], $0x2780  }
0x12: {  	[sflag:s10] =	ssyncset.done $0x0  }
0x13: {  	[sflag:s10] =	ssyncadd.s32 $0xFFFFD880  }
0x14: {  	[tilespmem:s11], [sflag:$0x2] =	stream.linear.gather [hbm4b:s7+s4], $0x2780, $0x38;
	[tilespmem:$0x1CC00] =	vst v63  }
0x15: {  	_ =	swait.ge [sflag:s10], $0x2780  }
0x16: {  	[sflag:s10] =	ssyncset.done $0x0  }
0x17: {  	[sflag:s10] =	ssyncadd.s32 $0xFFFFD880  }
0x18: {  	[spmem:s13], [sflag:s12] =	dma.local [hbm:s5], $0x2780  }
0x19: {  	_ =	swait.ge [sflag:s10], $0x2780  }
0x1a: {  	[sflag:s10] =	ssyncset.done $0x0  }
0x1b: {  	[sflag:s10] =	ssyncadd.s32 $0xFFFFD880  }
0x1c: {  	s18 =	simm.s32 $0x0;
	[bflag:$0x0] =	sbarrier.arrive $0xFFFF  }
0x1d: {  	[tilespmem:s15], [sflag:$0x1] =	stream.indirect.gather [hbm4b:s1+s14], $0x80, s18, s14, $0xb8;
	[tilespmem:$0x1CC00] =	vst v63  }
0x1e: {  	_ =	swait.ge [sflag:s16], $0x4000  }
0x1f: {  	[sflag:s16] =	ssyncset.done $0x0  }
0x20: {  	s31 =	simm.s32 $0x2800;
	[sflag:s16] =	ssyncadd.s32 $0xFFFFC000  }
0x21: {  	[spmem:s3] =	stream.indirect.scatter.add.f32 [tilespmem:s15], [sflag:$0x2], $0x80, s31, s14, $0xb8;
	[tilespmem:$0x1CC00] =	vst v63  }
0x22: {  	_ =	swait.ge [sflag:s10], $0x4000  }
0x23: {  	s19 =	simm.s32 $0x400;
	s18 =	simm.s32 $0x200;
	[sflag:s10] =	ssyncset.done $0x0  }
.LBB2_2:
0x24: {  	s20 =	sshra.s32 s18, $0x2  }
0x25: {  	[sflag:s10] =	ssyncadd.s32 $0xFFFFC000;
	s18 =	smov.u32 s19;
	s21 =	sadd.s32 $0x200, s19  }
0x26: {  	[tilespmem:s15], [sflag:$0x1] =	stream.indirect.gather [hbm4b:s1+s14], $0x80, s20, s14, $0xb8;
	[tilespmem:$0x1CC00] =	vst v63  }
0x27: {  	p0 =	sne.s32 s19, $0x9C00;
	_ =	swait.ge [sflag:s16], $0x4000  }
.Ltmp0:
0x28: {  	[sflag:s16] =	ssyncset.done $0x0;
	(pc) =	sbr.rel @p0 .LBB2_2-.Ltmp0, $4  }
0x29: {  	s19 =	sadd.s32 $0x2800, s20;
	[sflag:s16] =	ssyncadd.s32 $0xFFFFC000  }
0x2a: {  	[spmem:s3] =	stream.indirect.scatter.add.f32 [tilespmem:s15], [sflag:$0x2], $0x80, s19, s14, $0xb8;
	[tilespmem:$0x1CC00] =	vst v63  }
0x2b: {  	_ =	swait.ge [sflag:s10], $0x4000  }
0x2c: {  	s19 =	smov.u32 s21;
	[sflag:s10] =	ssyncset.done $0x0  }
0x2d: {  	s18 =	sshra.s32 s18, $0x2;
	[sflag:s10] =	ssyncadd.s32 $0xFFFFC000  }
0x2e: {  	[tilespmem:s15], [sflag:$0x1] =	stream.indirect.gather [hbm4b:s1+s14], $0x80, s18, s14, $0xb8;
	[tilespmem:$0x1CC00] =	vst v63  }
0x2f: {  	_ =	swait.ge [sflag:s16], $0x4000  }
0x30: {  	[sflag:s16] =	ssyncset.done $0x0  }
0x31: {  	s18 =	sadd.s32 $0x2800, s18;
	[sflag:s16] =	ssyncadd.s32 $0xFFFFC000  }
0x32: {  	[spmem:s3] =	stream.indirect.scatter.add.f32 [tilespmem:s15], [sflag:$0x2], $0x80, s18, s14, $0xb8;
	[tilespmem:$0x1CC00] =	vst v63  }
0x33: {  	_ =	swait.ge [sflag:s10], $0x4000  }
0x34: {  	s17 =	sadd.s32 $0x1, s17;
	[sflag:s10] =	ssyncset.done $0x0  }
0x35: {  	p0 =	sne.s32 s17, s9;
	[sflag:s10] =	ssyncadd.s32 $0xFFFFC000  }
.Ltmp1:
0x36: {  	[bflag:$0x0] =	sbarrier.arrive $0xFFFF;
	(pc) =	sbr.rel @p0 .LBB2_1-.Ltmp1, $4  }
0x37: {  	[hbm:s8], [sflag:s12] =	dma.local [spmem:s13], $0x2780  }
0x38: {  	_ =	swait.ge [sflag:s10], $0x2780  }
0x39: {  	[sflag:s10] =	ssyncset.done $0x0  }
0x3a: {  	[sflag:s10] =	ssyncadd.s32 $0xFFFFD880  }
0x3b: {  	_ =	sfence.sel $0x180000  }
0x3c: {  	[bflag:$0x0] =	sbarrier.arrive $0xFFFF  }
0x3d: {  	p0 =	sne.s32 s0, $0x0;
	_ =	strace $0x90000059  }
0x3e: {  	s0 =	sadd.s32 @!p0 $0x100000, s2;
	[bflag:$0x2] =	sbarrier.arrive $0xFFFF  }
0x3f: {  	[sflag:s0] =	ssyncadd.tile.s32 @!p0 $0x1;
	_ =	shalt  }
.Lfunc_end2:
_tile_overlayer_lowered:
.L_overlay_start_2:
0x40: {  	(tag) =	ssettag $0x2  }
0x41: {  	s0 =	rddreg [dreg:$0x0];
	s2 =	stileid.u32  }
0x42: {  	s1 =	rddreg [dreg:$0x1];
	p0 =	sne.s32 s2, $0x0  }
0x43: {  	s3 =	rddreg [dreg:$0x2];
	[bflag:$0x3] =	sbarrier.arrive $0xFFFF;
	s2 =	simm.s32 @!p0 $0x1C02  }
0x44: {  	[timem:s3], [sflag:s2] =	dma.local @!p0 [hbm:s0], s1  }
0x45: {  	s0 =	simm.s32 @!p0 $0x2  }
0x46: {  	_ =	swait.ge @!p0 [sflag:s0], s1  }
0x47: {  	s1 =	ssub.s32 @!p0 $0x0, s1;
	[sflag:s0] =	ssyncset.done @!p0 $0x0  }
0x48: {  	[sflag:s0] =	ssyncadd.s32 @!p0 s1  }
0x49: {  	[bflag:$0x3] =	sbarrier.arrive $0xFFFF  }
0x4a: {  	_ =	shalt  }

// kernel: kernel.39.cloned.1.call-start
scs
__scs_entry_jumppad:
0x0: {  	(pc) =	sbr.rel $0x88, $3  }
0x1: {  	(tag) =	ssettag $0x0;
	lr =	simm.s32 $0x1  }
0x2: {  	[smem:$0x3F91] =	sst lr;
	_ =	strace $0xD0000000  }
0x3: {  	_ = 	snop  }
0x4: {  	_ = 	snop  }
0x5: {  	_ = 	snop  }
0x6: {  	_ = 	snop  }
0x7: {  	_ = 	snop  }
__scs_overlays_trampoline_lowered:
0x8: {  	[smem:$0x3FA0] =	sst s0  }
0x9: {  	[smem:$0x3FA1] =	sst s1  }
0xa: {  	[smem:$0x3FA2] =	sst s2  }
0xb: {  	[smem:$0x3FA3] =	sst s3  }
0xc: {  	[smem:$0x3FA4] =	sst s4  }
0xd: {  	[smem:$0x3FA5] =	sst s5  }
0xe: {  	[smem:$0x3FA6] =	sst s6  }
0xf: {  	[smem:$0x3FA7] =	sst s7  }
0x10: {  	[smem:$0x3FA8] =	sst s8  }
0x11: {  	[smem:$0x3FA9] =	sst s9;
	s0 =	simm.s32 @!p0 $0x0  }
0x12: {  	s1 =	sld [smem:$0x3F8F];
	s0 =	simm.s32 @p0 $0x1  }
0x13: {  	[smem:$0x3FAA] =	sst s0;
	s0 =	simm.s32 @!p1 $0x0  }
0x14: {  	s2 =	sld [smem:$0x3F8E];
	s0 =	simm.s32 @p1 $0x1  }
0x15: {  	[smem:$0x3FAB] =	sst s0;
	s0 =	simm.s32 @!p2 $0x0  }
0x16: {  	s3 =	sld [smem:$0x3FDB];
	s0 =	simm.s32 @p2 $0x1  }
0x17: {  	s4 =	simm.s32 $0x1BF5;
	[smem:$0x3FAD] =	sst s0  }
0x18: {  	s0 =	sld [smem:$0x3F90];
	_ =	swait.ge [sflag:s4], $0x0  }
0x19: {  	s7 =	sld [smem:$0x3F91]  }
0x1a: {  	s8 =	sadd.s32 $0xFFFFE003, lr  }
0x1b: {  	s9 =	sadd.s32 $0xFFFFFEF7, lr;
	s5 =	simm.s32 $0xFFFFFFFF;
	p2 =	slt.u32 s8, $0xFFFFF086  }
0x1c: {  	p1 =	slt.u32 s9, $0xF7A;
	s5 =	simm.s32 @!p2 $0x0  }
0x1d: {  	s5 =	simm.s32 @p1 $0x1;
	p0 =	seq.s32 s7, s2  }
0x1e: {  	s7 =	smul.u32 @!p0 $0xF7A, s2;
	p2 =	seq.s32 @!p0 s5, $0x0  }
0x1f: {  	s9 =	smul.u32 $0xF7A, s1;
	s8 =	simm.s32 @!p0 $0x1BF5;
	p2 =	por !p2, p0  }
0x20: {  	[sflag:s8] =	ssyncset.s32 @!p0 $0xFFFFF086;
	s6 =	sadd.s32 @!p0 s3, s7;
	s7 =	simm.s32 @!p0 $0x108  }
0x21: {  	s3 =	sadd.s32 s3, s9;
	s6 =	sadd.s32 @!p0 $0x88, s6;
	s7 =	simm.s32 @p2 $0x1082  }
0x22: {  	[simem:s7], [sflag:s8] =	dma.local @!p0 [hbm:s6], $0xF7A  }
0x23: {  	s9 =	sor.u32 $0xD0000000, s2;
	s6 =	simm.s32 $0x108;
	_ =	swait.ge @!p0 [sflag:s8], $0x0  }
0x24: {  	s3 =	sadd.s32 $0x88, s3;
	s6 =	simm.s32 @!p1 $0x1082;
	[sflag:s4] =	ssyncset.s32 $0xFFFFF086  }
0x25: {  	[simem:s6], [sflag:s4] =	dma.local [hbm:s3], $0xF7A  }
0x26: {  	[smem:$0x3F91] =	sst s1;
	(tag) =	ssettag s2;
	_ =	strace s9  }
0x27: {  	s1 =	sld [smem:$0x3FA1]  }
0x28: {  	s2 =	sld [smem:$0x3FA2]  }
0x29: {  	s4 =	sld [smem:$0x3FA4]  }
0x2a: {  	p0 =	seq.s32 s5, $0x0;
	s5 =	sld [smem:$0x3FA5]  }
0x2b: {  	s6 =	sld [smem:$0x3FA6]  }
0x2c: {  	s7 =	sld [smem:$0x3FA7]  }
0x2d: {  	s3 =	simm.s32 $0x108;
	s8 =	sld [smem:$0x3FA8]  }
0x2e: {  	s3 =	simm.s32 @!p0 $0x1082;
	s9 =	sld [smem:$0x3FA9]  }
0x2f: {  	lr =	sadd.s32 s0, s3;
	s0 =	sld [smem:$0x3FA0]  }
0x30: {  	s3 =	sld [smem:$0x3FA3]  }
0x31: {  	[smem:$0x3FAC] =	sst s10  }
0x32: {  	s10 =	sld [smem:$0x3FAA];
	_ =	sdelay $0x3  }
0x33: {  	p0 =	seq.s32 s10, $0x1;
	s10 =	sld [smem:$0x3FAC];
	_ =	sdelay $0x3  }
0x34: {  	[smem:$0x3FAC] =	sst s10  }
0x35: {  	s10 =	sld [smem:$0x3FAB];
	_ =	sdelay $0x3  }
0x36: {  	p1 =	seq.s32 s10, $0x1;
	s10 =	sld [smem:$0x3FAC];
	_ =	sdelay $0x3  }
0x37: {  	[smem:$0x3FAC] =	sst s10  }
0x38: {  	s10 =	sld [smem:$0x3FAD]  }
0x39: {  	_ = 	snop;
	(pc) =	sbr.ind lr, $3  }
0x3a: {  	_ = 	snop  }
0x3b: {  	_ = 	snop  }
0x3c: {  	p2 =	seq.s32 s10, $0x1;
	s10 =	sld [smem:$0x3FAC]  }
0x3d: {  	_ =	shalt  }
0x3e: {  	_ =	shalt  }
0x3f: {  	_ =	shalt  }
0x40: {  	_ =	shalt  }
0x41: {  	_ =	shalt  }
0x42: {  	_ =	shalt  }
0x43: {  	_ =	shalt  }
0x44: {  	_ =	shalt  }
0x45: {  	_ =	shalt  }
0x46: {  	_ =	shalt  }
0x47: {  	_ =	shalt  }
0x48: {  	_ =	shalt  }
0x49: {  	_ =	shalt  }
0x4a: {  	_ =	shalt  }
0x4b: {  	_ =	shalt  }
0x4c: {  	_ =	shalt  }
0x4d: {  	_ =	shalt  }
0x4e: {  	_ =	shalt  }
0x4f: {  	_ =	shalt  }
0x50: {  	_ =	shalt  }
0x51: {  	_ =	shalt  }
0x52: {  	_ =	shalt  }
0x53: {  	_ =	shalt  }
0x54: {  	_ =	shalt  }
0x55: {  	_ =	shalt  }
0x56: {  	_ =	shalt  }
0x57: {  	_ =	shalt  }
0x58: {  	_ =	shalt  }
0x59: {  	_ =	shalt  }
0x5a: {  	_ =	shalt  }
0x5b: {  	_ =	shalt  }
0x5c: {  	_ =	shalt  }
0x5d: {  	_ =	shalt  }
0x5e: {  	_ =	shalt  }
0x5f: {  	_ =	shalt  }
0x60: {  	_ =	shalt  }
0x61: {  	_ =	shalt  }
0x62: {  	_ =	shalt  }
0x63: {  	_ =	shalt  }
0x64: {  	_ =	shalt  }
0x65: {  	_ =	shalt  }
0x66: {  	_ =	shalt  }
0x67: {  	_ =	shalt  }
0x68: {  	_ =	shalt  }
0x69: {  	_ =	shalt  }
0x6a: {  	_ =	shalt  }
0x6b: {  	_ =	shalt  }
0x6c: {  	_ =	shalt  }
0x6d: {  	_ =	shalt  }
0x6e: {  	_ =	shalt  }
0x6f: {  	_ =	shalt  }
0x70: {  	_ =	shalt  }
0x71: {  	_ =	shalt  }
0x72: {  	_ =	shalt  }
0x73: {  	_ =	shalt  }
0x74: {  	_ =	shalt  }
0x75: {  	_ =	shalt  }
0x76: {  	_ =	shalt  }
0x77: {  	_ =	shalt  }
0x78: {  	_ =	shalt  }
0x79: {  	_ =	shalt  }
0x7a: {  	_ =	shalt  }
0x7b: {  	_ =	shalt  }
0x7c: {  	_ =	shalt  }
0x7d: {  	_ =	shalt  }
0x7e: {  	_ =	shalt  }
0x7f: {  	_ =	shalt  }
0x80: {  	_ =	shalt  }
0x81: {  	_ =	shalt  }
0x82: {  	_ =	shalt  }
0x83: {  	_ =	shalt  }
0x84: {  	_ =	shalt  }
0x85: {  	_ =	shalt  }
0x86: {  	_ =	shalt  }
0x87: {  	_ =	shalt  }
.Lfunc_end0:
.L_simem_size_0:
called_computation.7_lowered:
.L_overlay_start_0:
0x88: {  	s2 =	sld [smem:$0x3FD9]  }
0x89: {  	s3 =	sld [smem:$0x3FFE];
	_ =	sdelay $0x1  }
0x8a: {  	s1 =	srdreg.scid  }
0x8b: {  	s0 =	sand.u32 $0x1, s1  }
0x8c: {  	s17 =	sshll.u32 s0, $0xA;
	s2 =	sadd.s32 s3, s2  }
0x8d: {  	s2 =	sadd.s32 s2, s17  }
0x8e: {  	[smem:$0x3FB8] =	sst s2  }
0x8f: {  	_ = 	snop  }
0x90: {  	s2 =	sld [smem:$0x3FD0];
	(tm) =	ssettm $0x1  }
0x91: {  	s18 =	sld [smem:$0x3FFB];
	_ =	sdelay $0x3  }
0x92: {  	_ =	strace s18  }
0x93: {  	s3 =	sld [smem:$0x3FFC];
	_ =	sdelay $0x3  }
0x94: {  	_ =	strace s3  }
0x95: {  	s3 =	sld [smem:$0x3FFD];
	_ =	sdelay $0x3  }
0x96: {  	_ =	strace s3  }
0x97: {  	_ =	strace $0x8FFFFFFF  }
0x98: {  	s19 =	sld [smem:$0x3FDB];
	_ =	sdelay $0x1  }
0x99: {  	s4 =	simm.s32 $_scs_section_size  }
0x9a: {  	s5 =	simm.s32 $_size__tile_overlayer_lowered;
	s6 =	simm.s32 $_tile_overlayer_lowered  }
0x9b: {  	s22 =	simm.s32 $0x1BFF;
	s21 =	sshll.u32 s6, $0x1;
	s3 =	sadd.s32 s4, s19  }
0x9c: {  	s7 =	simm.s32 $0x0;
	s20 =	sshll.u32 s5, $0x1;
	s5 =	sadd.s32 s21, s3  }
0x9d: {  	[timem:s7], [sflag:s22] =	dma.local [hbm:s5], s20  }
0x9e: {  	_ =	swait.ge [sflag:s22], s20  }
0x9f: {  	s4 =	ssub.s32 $0x0, s20;
	[sflag:s22] =	ssyncset.done $0x0  }
0xa0: {  	[sflag:s22] =	ssyncadd.s32 s4;
	_ =	sdelay $0x1  }
0xa1: {  	s23 =	simm.s32 $0x1B8B  }
0xa2: {  	_ =	swait.ge [sflag:s23], $0x1  }
0xa3: {  	[sflag:s23] =	ssyncset.done $0x0  }
0xa4: {  	s25 =	simm.s32 $0x1B8E;
	s24 =	sld [smem:$0x3FFE];
	[sflag:s23] =	ssyncadd.s32 $0xFFFFFFFF  }
0xa5: {  	s26 =	simm.s32 $execute0_lowered;
	[smem:$0x3FD2] =	sst s25  }
0xa6: {  	s5 =	sshll.u32 s26, $0x1;
	_ =	strace $0x8000005B;
	[dreg:$0x1] =	wrdreg $0xFFFFFFFF  }
0xa7: {  	s28 =	simm.s32 $_size_execute0_lowered;
	s3 =	sadd.s32 s3, s5;
	[dreg:$0x0] =	wrdreg $0x0  }
0xa8: {  	s5 =	sshll.u32 s28, $0x1;
	[dreg:$0x2] =	wrdreg s3  }
0xa9: {  	[dreg:$0x3] =	wrdreg s5  }
0xaa: {  	[dreg:$0x4] =	wrdreg $0xC0  }
0xab: {  	_ =	task [dreg:s7], $0x5FFFF  }
0xac: {  	[dreg:$0x1] =	wrdreg $0xFFFFFFFF  }
0xad: {  	[dreg:$0x0] =	wrdreg $0x60  }
0xae: {  	[dreg:$0x2] =	wrdreg s2  }
0xaf: {  	[dreg:$0x3] =	wrdreg s24  }
0xb0: {  	[dreg:$0x4] =	wrdreg $0x90000  }
0xb1: {  	[dreg:$0x5] =	wrdreg $0x9  }
0xb2: {  	_ =	task.clear_ibuf [dreg:s7], $0x6FFFF;
	_ =	strace $0x9000005B  }
0xb3: {  	s29 =	simm.s32 $0x9;
	_ =	strace $0x8000005D  }
0xb4: {  	_ =	swait.ge [sflag:s29], $0x1  }
0xb5: {  	[sflag:s29] =	ssyncadd.s32 $0xFFFFFFFF  }
0xb6: {  	_ =	strace $0x9000005D  }
0xb7: {  	_ =	sfence  }
0xb8: {  	s30 =	sld [smem:$0x0];
	_ =	sdelay $0x2  }
0xb9: {  	s31 =	sshll.u32 s1, $0xD;
	s1 =	sshrl.u32 s1, $0x2  }
0xba: {  	s3 =	sand.u32 $0x4000, s31;
	s1 =	sadd.s32 s1, s30  }
0xbb: {  	s0 =	sor.u32 s3, s0;
	s1 =	sshll.u32 s1, $0x11  }
0xbc: {  	s0 =	sor.u32 s1, s0  }
0xbd: {  	s0 =	sadd.s32 $0x8F2B, s0  }
0xbe: {  	[sflag:s0] =	ssyncadd.remote.s32 $0x1  }
0xbf: {  	_ =	sfence.sel $0xFFFF  }
0xc0: {  	[dreg:$0x0] =	wrdreg $0xFFFFFFFF;
	(pc) =	sbr.abs _section_cstart, $3  }
0xc1: {  	[dreg:$0x1] =	wrdreg $0xFFFFFFFF  }
0xc2: {  	_ =	task.clear_ibuf [dreg:s7], $0x2FFFF;
	_ =	strace $0x9FFFFFFF  }
0xc3: {  	(tm) =	ssettm $0x7FFFFFFF  }
tec
execute0_lowered:
.L_overlay_start_1:
0x0: {  	(tag) =	ssettag $0x1  }
0x1: {  	s1 =	rddreg [dreg:$0x0]  }
0x2: {  	s2 =	srdreg.scid;
	s6 =	rddreg [dreg:$0x1]  }
0x3: {  	s0 =	stileid.u32;
	s3 =	rddreg [dreg:$0x2];
	s4 =	simm.s32 $0x0  }
0x4: {  	s14 =	simm.s32 $0x80;
	s15 =	simm.s32 $0x5000;
	s7 =	smul.u32 $0x2800, s0  }
0x5: {  	s16 =	simm.s32 $0x1;
	s17 =	simm.s32 $0x0;
	s10 =	smul.u32 $0x13C00, s0  }
0x6: {  	s5 =	sand.u32 $0x1, s2;
	s2 =	rddreg [dreg:$0x3];
	s12 =	smul.u32 $0x4F000, s0  }
0x7: {  	[smem:$0x7FF] =	sst s4;
	s31 =	sshll.u32 s0, $0x6;
	s8 =	smul.u32 $0x28000, s5  }
0x8: {  	s9 =	smul.u32 $0x13C000, s5;
	_ =	strace $0x8000005C;
	s29 =	ssub.s32 $0x2, s5  }
0x9: {  	s5 =	sadd.s32 $0x7E00, s6;
	s11 =	sshrl.u32 s29, $0x1;
	s30 =	sshrl.u32 s12, $0x2  }
0xa: {  	s12 =	sor.u32 $0x1C02, s31;
	s8 =	sadd.s32 s7, s8;
	s7 =	sshrl.u32 s7, $0x3  }
0xb: {  	s9 =	sadd.s32 s10, s9;
	s10 =	ssub.s32 s29, s11;
	s13 =	sadd.s32 s30, s3  }
0xc: {  	s11 =	simm.s32 $0x2800;
	s8 =	sshrl.u32 s8, $0x3;
	s7 =	sadd.s32 s7, s6  }
0xd: {  	s9 =	sshrl.u32 s9, $0x3;
	s13 =	sshrl.u32 s13, $0x3;
	s8 =	sadd.s32 s8, s6  }
0xe: {  	s9 =	sadd.s32 s9, s6;
	s7 =	sadd.s32 $0x59600, s7;
	s6 =	sadd.s32 $0x5E600, s8  }
0xf: {  	s8 =	sadd.s32 $0x68600, s9;
	s9 =	smax.u32 s10, $0x1;
	s10 =	simm.s32 $0x2  }
.LBB2_1:
0x10: {  	[tilespmem:s4], [sflag:$0x2] =	stream.linear.gather [hbm4b:s6+s4], $0x2780, $0x38;
	[tilespmem:$0x1CC00] =	vst v63  }
0x11: {  	_ =	swait.ge [sflag:s10], $0x2780  }
0x12: {  	[sflag:s10] =	ssyncset.done $0x0  }
0x13: {  	[sflag:s10] =	ssyncadd.s32 $0xFFFFD880  }
0x14: {  	[tilespmem:s11], [sflag:$0x2] =	stream.linear.gather [hbm4b:s7+s4], $0x2780, $0x38;
	[tilespmem:$0x1CC00] =	vst v63  }
0x15: {  	_ =	swait.ge [sflag:s10], $0x2780  }
0x16: {  	[sflag:s10] =	ssyncset.done $0x0  }
0x17: {  	[sflag:s10] =	ssyncadd.s32 $0xFFFFD880  }
0x18: {  	[spmem:s13], [sflag:s12] =	dma.local [hbm:s5], $0x2780  }
0x19: {  	_ =	swait.ge [sflag:s10], $0x2780  }
0x1a: {  	[sflag:s10] =	ssyncset.done $0x0  }
0x1b: {  	[sflag:s10] =	ssyncadd.s32 $0xFFFFD880  }
0x1c: {  	s18 =	simm.s32 $0x0;
	[bflag:$0x0] =	sbarrier.arrive $0xFFFF  }
0x1d: {  	[tilespmem:s15], [sflag:$0x1] =	stream.indirect.gather [hbm4b:s1+s14], $0x80, s18, s14, $0xb8;
	[tilespmem:$0x1CC00] =	vst v63  }
0x1e: {  	_ =	swait.ge [sflag:s16], $0x4000  }
0x1f: {  	[sflag:s16] =	ssyncset.done $0x0  }
0x20: {  	s31 =	simm.s32 $0x2800;
	[sflag:s16] =	ssyncadd.s32 $0xFFFFC000  }
0x21: {  	[spmem:s3] =	stream.indirect.scatter.add.f32 [tilespmem:s15], [sflag:$0x2], $0x80, s31, s14, $0xb8;
	[tilespmem:$0x1CC00] =	vst v63  }
0x22: {  	_ =	swait.ge [sflag:s10], $0x4000  }
0x23: {  	s19 =	simm.s32 $0x400;
	s18 =	simm.s32 $0x200;
	[sflag:s10] =	ssyncset.done $0x0  }
.LBB2_2:
0x24: {  	s20 =	sshra.s32 s18, $0x2  }
0x25: {  	[sflag:s10] =	ssyncadd.s32 $0xFFFFC000;
	s18 =	smov.u32 s19;
	s21 =	sadd.s32 $0x200, s19  }
0x26: {  	[tilespmem:s15], [sflag:$0x1] =	stream.indirect.gather [hbm4b:s1+s14], $0x80, s20, s14, $0xb8;
	[tilespmem:$0x1CC00] =	vst v63  }
0x27: {  	p0 =	sne.s32 s19, $0x9C00;
	_ =	swait.ge [sflag:s16], $0x4000  }
.Ltmp0:
0x28: {  	[sflag:s16] =	ssyncset.done $0x0;
	(pc) =	sbr.rel @p0 .LBB2_2-.Ltmp0, $4  }
0x29: {  	s19 =	sadd.s32 $0x2800, s20;
	[sflag:s16] =	ssyncadd.s32 $0xFFFFC000  }
0x2a: {  	[spmem:s3] =	stream.indirect.scatter.add.f32 [tilespmem:s15], [sflag:$0x2], $0x80, s19, s14, $0xb8;
	[tilespmem:$0x1CC00] =	vst v63  }
0x2b: {  	_ =	swait.ge [sflag:s10], $0x4000  }
0x2c: {  	s19 =	smov.u32 s21;
	[sflag:s10] =	ssyncset.done $0x0  }
0x2d: {  	s18 =	sshra.s32 s18, $0x2;
	[sflag:s10] =	ssyncadd.s32 $0xFFFFC000  }
0x2e: {  	[tilespmem:s15], [sflag:$0x1] =	stream.indirect.gather [hbm4b:s1+s14], $0x80, s18, s14, $0xb8;
	[tilespmem:$0x1CC00] =	vst v63  }
0x2f: {  	_ =	swait.ge [sflag:s16], $0x4000  }
0x30: {  	[sflag:s16] =	ssyncset.done $0x0  }
0x31: {  	s18 =	sadd.s32 $0x2800, s18;
	[sflag:s16] =	ssyncadd.s32 $0xFFFFC000  }
0x32: {  	[spmem:s3] =	stream.indirect.scatter.add.f32 [tilespmem:s15], [sflag:$0x2], $0x80, s18, s14, $0xb8;
	[tilespmem:$0x1CC00] =	vst v63  }
0x33: {  	_ =	swait.ge [sflag:s10], $0x4000  }
0x34: {  	s17 =	sadd.s32 $0x1, s17;
	[sflag:s10] =	ssyncset.done $0x0  }
0x35: {  	p0 =	sne.s32 s17, s9;
	[sflag:s10] =	ssyncadd.s32 $0xFFFFC000  }
.Ltmp1:
0x36: {  	[bflag:$0x0] =	sbarrier.arrive $0xFFFF;
	(pc) =	sbr.rel @p0 .LBB2_1-.Ltmp1, $4  }
0x37: {  	[hbm:s8], [sflag:s12] =	dma.local [spmem:s13], $0x2780  }
0x38: {  	_ =	swait.ge [sflag:s10], $0x2780  }
0x39: {  	[sflag:s10] =	ssyncset.done $0x0  }
0x3a: {  	[sflag:s10] =	ssyncadd.s32 $0xFFFFD880  }
0x3b: {  	_ =	sfence.sel $0x180000  }
0x3c: {  	[bflag:$0x0] =	sbarrier.arrive $0xFFFF  }
0x3d: {  	p0 =	sne.s32 s0, $0x0;
	_ =	strace $0x9000005C  }
0x3e: {  	s0 =	sadd.s32 @!p0 $0x100000, s2;
	[bflag:$0x2] =	sbarrier.arrive $0xFFFF  }
0x3f: {  	[sflag:s0] =	ssyncadd.tile.s32 @!p0 $0x1;
	_ =	shalt  }
.Lfunc_end2:
_tile_overlayer_lowered:
.L_overlay_start_2:
0x40: {  	(tag) =	ssettag $0x2  }
0x41: {  	s0 =	rddreg [dreg:$0x0];
	s2 =	stileid.u32  }
0x42: {  	s1 =	rddreg [dreg:$0x1];
	p0 =	sne.s32 s2, $0x0  }
0x43: {  	s3 =	rddreg [dreg:$0x2];
	[bflag:$0x3] =	sbarrier.arrive $0xFFFF;
	s2 =	simm.s32 @!p0 $0x1C02  }
0x44: {  	[timem:s3], [sflag:s2] =	dma.local @!p0 [hbm:s0], s1  }
0x45: {  	s0 =	simm.s32 @!p0 $0x2  }
0x46: {  	_ =	swait.ge @!p0 [sflag:s0], s1  }
0x47: {  	s1 =	ssub.s32 @!p0 $0x0, s1;
	[sflag:s0] =	ssyncset.done @!p0 $0x0  }
0x48: {  	[sflag:s0] =	ssyncadd.s32 @!p0 s1  }
0x49: {  	[bflag:$0x3] =	sbarrier.arrive $0xFFFF  }
0x4a: {  	_ =	shalt  }

</sc_bundles>
